<compile_context>
chip_gen: v7x
topology: tpu7x:2x2x1
jax: 0.10.2.dev20260603
libtpu: 0.0.44.dev20260713+nightly
codegen_flags: <defaults>
</compile_context>

<pallas_src>
import functools

import jax
import jax.numpy as jnp
from jax import lax
from jax.experimental import pallas as pl
from jax.experimental.pallas import tpu as pltpu
from jax.experimental.pallas import tpu_sc as plsc

D = 128
SCALE = float(D) ** 0.5
NC = 2
NS = 16
NW = NC * NS
CHUNK = 64
LANES = 16


NBUF = 4


@functools.lru_cache(maxsize=None)
def _emb_kernel(B):
    n_chunks = B // (NW * CHUNK)
    n_rounds = n_chunks // NBUF
    assert n_chunks % NBUF == 0 and n_rounds >= 3
    mesh = plsc.VectorSubcoreMesh(core_axis_name="c", subcore_axis_name="s")

    @functools.partial(
        pl.kernel,
        mesh=mesh,
        out_type=jax.ShapeDtypeStruct((B, D), jnp.float32),
        scratch_types=[
            pltpu.VMEM((n_chunks, CHUNK), jnp.int32),
        ]
        + [pltpu.VMEM((CHUNK, D), jnp.float32)] * (2 * NBUF)
        + [pltpu.SemaphoreType.DMA] * (2 * NBUF),
    )
    def k(idx_hbm, table_hbm, out_hbm, idx_v, *bufs):
        gbuf = bufs[0:NBUF]
        sbuf = bufs[NBUF:2 * NBUF]
        gsem = bufs[2 * NBUF:3 * NBUF]
        ssem = bufs[3 * NBUF:4 * NBUF]
        wid = lax.axis_index("s") * NC + lax.axis_index("c")
        base = wid * (n_chunks * CHUNK)
        pltpu.sync_copy(idx_hbm.at[wid], idx_v)

        def g_start(j, b):
            pltpu.async_copy(table_hbm.at[idx_v.at[j]], gbuf[b], gsem[b])

        def g_wait(b):
            pltpu.make_async_copy(
                table_hbm.at[idx_v.at[0]], gbuf[b], gsem[b]).wait()

        def s_start(j, b):
            pltpu.async_copy(
                sbuf[b], out_hbm.at[pl.ds(base + j * CHUNK, CHUNK)], ssem[b])

        def s_wait(b):
            pltpu.make_async_copy(
                sbuf[b], out_hbm.at[pl.ds(base, CHUNK)], ssem[b]).wait()

        def scale(b):
            def row_body(r, c2):
                for c in range(D // LANES):
                    sl = pl.ds(c * LANES, LANES)
                    sbuf[b][r, sl] = gbuf[b][r, sl] * SCALE
                return c2

            lax.fori_loop(0, CHUNK, row_body, 0)

        for b in range(NBUF):
            g_start(b, b)
        for b in range(NBUF):
            g_wait(b)
            scale(b)
            g_start(NBUF + b, b)
            s_start(b, b)

        def outer(t, carry):
            for b in range(NBUF):
                j = t * NBUF + b
                g_wait(b)
                s_wait(b)
                scale(b)
                g_start(j + NBUF, b)
                s_start(j, b)
            return carry

        lax.fori_loop(1, n_rounds - 1, outer, 0)

        for b in range(NBUF):
            g_wait(b)
            s_wait(b)
            scale(b)
            s_start(n_chunks - NBUF + b, b)
        for b in range(NBUF):
            s_wait(b)

    return k


def kernel(inputs, table):
    bt, s = inputs.shape
    b = bt * s
    idx = inputs.reshape(NW, b // (NW * CHUNK), CHUNK).astype(jnp.int32)
    out = _emb_kernel(b)(idx, table)
    return out.reshape(bt, s, D)

# --- scband reference (transcript-rebuilt; emitter-appended) ---
"""Pipeline reference for scband-input-embedding-31379031065243 (READ-ONLY COPY).

The authoritative reference and input builder live on the scoring server;
editing this copy changes nothing except your own understanding.
"""

import jax, jax.numpy as jnp
import numpy as np

D_MODEL = 128
VOCAB_SIZE = 100000
BATCH = 1024
SEQ_LEN = 200

def setup_inputs(seed: int = 0) -> dict:
    key = jax.random.key(seed)
    k_idx, k_tab = jax.random.split(key)
    inputs = jax.random.randint(k_idx, (BATCH, SEQ_LEN), 0, VOCAB_SIZE, dtype=jnp.int64 if jax.config.jax_enable_x64 else jnp.int32)
    table = jax.random.normal(k_tab, (VOCAB_SIZE, D_MODEL), dtype=jnp.float32)
    return {"inputs": inputs, "table": table}

def reference(inputs, table):
    # InputEmbedding.forward: embedding(inputs) * d_model ** 0.5
    emb = jnp.take(table, inputs, axis=0)
    return emb * (D_MODEL ** 0.5)

if __name__ == "__main__":
    import jax
    _d = setup_inputs()
    print(jax.jit(kernel)(*tuple(_d.values())))

</pallas_src>

<mosaic_0001>
#map = affine_map<(d0, d1) -> (0, 0, 0)>
#map1 = affine_map<(d0, d1) -> (0, 0)>
module attributes {stable_mosaic.version = 14 : i64} {
  func.func @k(%arg0: i32, %arg1: i32, %arg2: memref<32x100x64xi32, #tpu.memory_space<hbm>>, %arg3: memref<100000x128xf32, #tpu.memory_space<hbm>>, %arg4: memref<204800x128xf32, #tpu.memory_space<hbm>>, %arg5: memref<100x64xi32, #tpu.memory_space<vmem>>, %arg6: memref<64x128xf32, #tpu.memory_space<vmem>>, %arg7: memref<64x128xf32, #tpu.memory_space<vmem>>, %arg8: memref<64x128xf32, #tpu.memory_space<vmem>>, %arg9: memref<64x128xf32, #tpu.memory_space<vmem>>, %arg10: memref<64x128xf32, #tpu.memory_space<vmem>>, %arg11: memref<64x128xf32, #tpu.memory_space<vmem>>, %arg12: memref<64x128xf32, #tpu.memory_space<vmem>>, %arg13: memref<64x128xf32, #tpu.memory_space<vmem>>, %arg14: memref<!tpu.dma_semaphore, #tpu.memory_space<semaphore_mem>>, %arg15: memref<!tpu.dma_semaphore, #tpu.memory_space<semaphore_mem>>, %arg16: memref<!tpu.dma_semaphore, #tpu.memory_space<semaphore_mem>>, %arg17: memref<!tpu.dma_semaphore, #tpu.memory_space<semaphore_mem>>, %arg18: memref<!tpu.dma_semaphore, #tpu.memory_space<semaphore_mem>>, %arg19: memref<!tpu.dma_semaphore, #tpu.memory_space<semaphore_mem>>, %arg20: memref<!tpu.dma_semaphore, #tpu.memory_space<semaphore_mem>>, %arg21: memref<!tpu.dma_semaphore, #tpu.memory_space<semaphore_mem>>) attributes {dimension_semantics = [#tpu.dimension_semantics<core_parallel>, #tpu.dimension_semantics<subcore_parallel>], iteration_bounds = array<i64: 2, 16>, scalar_prefetch = 0 : i64, scratch_operands = 17 : i64, tpu.core_type = #tpu.core_type<sc_vector_subcore>, window_params = [{transform_indices = #map}, {transform_indices = #map1}, {transform_indices = #map1}]} {
    %mul3A = arith.constant 2 : i32
    %mul3A_0 = arith.muli %arg1, %mul3A : i32
    %add3A = arith.addi %mul3A_0, %arg0 : i32
    %mul3A_1 = arith.constant 6400 : i32
    %mul3A_2 = arith.muli %add3A, %mul3A_1 : i32
    "tpu.region"() ({
      %run_scoped3A = tpu.sem_alloc : memref<!tpu.dma_semaphore, #tpu.memory_space<semaphore_mem>>
      %dma_start3A_246 = arith.constant 0 : i32
      %dma_start3A_247 = arith.constant 0 : i32
      %dma_start3A_248 = tpu.memref_slice %arg2[%add3A, %dma_start3A_246, %dma_start3A_247] : memref<32x100x64xi32, #tpu.memory_space<hbm>> -> memref<1x100x64xi32, #tpu.memory_space<hbm>>
      %dma_start3A_249 = tpu.memref_squeeze %dma_start3A_248 : memref<1x100x64xi32, #tpu.memory_space<hbm>> -> memref<100x64xi32, #tpu.memory_space<hbm>>
      %dma_start3A_250 = arith.constant 0 : i32
      %dma_start3A_251 = arith.constant 0 : i32
      %dma_start3A_252 = tpu.memref_slice %arg2[%add3A, %dma_start3A_250, %dma_start3A_251] : memref<32x100x64xi32, #tpu.memory_space<hbm>> -> memref<1x100x64xi32, #tpu.memory_space<hbm>>
      %dma_start3A_253 = tpu.memref_squeeze %dma_start3A_252 : memref<1x100x64xi32, #tpu.memory_space<hbm>> -> memref<100x64xi32, #tpu.memory_space<hbm>>
      tpu.enqueue_dma source(%dma_start3A_253 : memref<100x64xi32, #tpu.memory_space<hbm>>) target(%arg5 : memref<100x64xi32, #tpu.memory_space<vmem>>) target_semaphore(%run_scoped3A : memref<!tpu.dma_semaphore, #tpu.memory_space<semaphore_mem>>)
      %dma_wait3A_254 = arith.constant 0 : i32
      %dma_wait3A_255 = arith.constant 0 : i32
      %dma_wait3A_256 = tpu.memref_slice %arg2[%add3A, %dma_wait3A_254, %dma_wait3A_255] : memref<32x100x64xi32, #tpu.memory_space<hbm>> -> memref<1x100x64xi32, #tpu.memory_space<hbm>>
      %dma_wait3A_257 = tpu.memref_squeeze %dma_wait3A_256 : memref<1x100x64xi32, #tpu.memory_space<hbm>> -> memref<100x64xi32, #tpu.memory_space<hbm>>
      %dma_wait3A_258 = arith.constant 0 : i32
      %dma_wait3A_259 = arith.constant 0 : i32
      %dma_wait3A_260 = tpu.memref_slice %arg2[%add3A, %dma_wait3A_258, %dma_wait3A_259] : memref<32x100x64xi32, #tpu.memory_space<hbm>> -> memref<1x100x64xi32, #tpu.memory_space<hbm>>
      %dma_wait3A_261 = tpu.memref_squeeze %dma_wait3A_260 : memref<1x100x64xi32, #tpu.memory_space<hbm>> -> memref<100x64xi32, #tpu.memory_space<hbm>>
      tpu.wait_dma2 semaphore(%run_scoped3A : memref<!tpu.dma_semaphore, #tpu.memory_space<semaphore_mem>>) src(%dma_wait3A_261 : memref<100x64xi32, #tpu.memory_space<hbm>>) dst(%arg5 : memref<100x64xi32, #tpu.memory_space<vmem>>)
      tpu.yield
    }) : () -> ()
    %dma_start3A = arith.constant 0 : i32
    %dma_start3A_3 = arith.constant 0 : i32
    %dma_start3A_4 = tpu.memref_slice %arg5[%dma_start3A, %dma_start3A_3] : memref<100x64xi32, #tpu.memory_space<vmem>> -> memref<1x64xi32, #tpu.memory_space<vmem>>
    %dma_start3A_5 = tpu.memref_squeeze %dma_start3A_4 : memref<1x64xi32, #tpu.memory_space<vmem>> -> memref<64xi32, #tpu.memory_space<vmem>>
    %dma_start3A_6 = arith.constant 0 : i32
    %dma_start3A_7 = arith.constant 0 : i32
    %dma_start3A_8 = tpu.memref_slice %arg3[%dma_start3A_6, %dma_start3A_7] : memref<100000x128xf32, #tpu.memory_space<hbm>> -> memref<100000x128xf32, #tpu.memory_space<hbm>>
    tpu.enqueue_indirect_dma source(%dma_start3A_8 : memref<100000x128xf32, #tpu.memory_space<hbm>>) target(%arg6 : memref<64x128xf32, #tpu.memory_space<vmem>>) offsets(%dma_start3A_5 : memref<64xi32, #tpu.memory_space<vmem>>) semaphore(%arg14 : memref<!tpu.dma_semaphore, #tpu.memory_space<semaphore_mem>>)
    %dma_start3A_9 = arith.constant 1 : i32
    %dma_start3A_10 = arith.constant 0 : i32
    %dma_start3A_11 = tpu.memref_slice %arg5[%dma_start3A_9, %dma_start3A_10] : memref<100x64xi32, #tpu.memory_space<vmem>> -> memref<1x64xi32, #tpu.memory_space<vmem>>
    %dma_start3A_12 = tpu.memref_squeeze %dma_start3A_11 : memref<1x64xi32, #tpu.memory_space<vmem>> -> memref<64xi32, #tpu.memory_space<vmem>>
    %dma_start3A_13 = arith.constant 0 : i32
    %dma_start3A_14 = arith.constant 0 : i32
    %dma_start3A_15 = tpu.memref_slice %arg3[%dma_start3A_13, %dma_start3A_14] : memref<100000x128xf32, #tpu.memory_space<hbm>> -> memref<100000x128xf32, #tpu.memory_space<hbm>>
    tpu.enqueue_indirect_dma source(%dma_start3A_15 : memref<100000x128xf32, #tpu.memory_space<hbm>>) target(%arg7 : memref<64x128xf32, #tpu.memory_space<vmem>>) offsets(%dma_start3A_12 : memref<64xi32, #tpu.memory_space<vmem>>) semaphore(%arg15 : memref<!tpu.dma_semaphore, #tpu.memory_space<semaphore_mem>>)
    %dma_start3A_16 = arith.constant 2 : i32
    %dma_start3A_17 = arith.constant 0 : i32
    %dma_start3A_18 = tpu.memref_slice %arg5[%dma_start3A_16, %dma_start3A_17] : memref<100x64xi32, #tpu.memory_space<vmem>> -> memref<1x64xi32, #tpu.memory_space<vmem>>
    %dma_start3A_19 = tpu.memref_squeeze %dma_start3A_18 : memref<1x64xi32, #tpu.memory_space<vmem>> -> memref<64xi32, #tpu.memory_space<vmem>>
    %dma_start3A_20 = arith.constant 0 : i32
    %dma_start3A_21 = arith.constant 0 : i32
    %dma_start3A_22 = tpu.memref_slice %arg3[%dma_start3A_20, %dma_start3A_21] : memref<100000x128xf32, #tpu.memory_space<hbm>> -> memref<100000x128xf32, #tpu.memory_space<hbm>>
    tpu.enqueue_indirect_dma source(%dma_start3A_22 : memref<100000x128xf32, #tpu.memory_space<hbm>>) target(%arg8 : memref<64x128xf32, #tpu.memory_space<vmem>>) offsets(%dma_start3A_19 : memref<64xi32, #tpu.memory_space<vmem>>) semaphore(%arg16 : memref<!tpu.dma_semaphore, #tpu.memory_space<semaphore_mem>>)
    %dma_start3A_23 = arith.constant 3 : i32
    %dma_start3A_24 = arith.constant 0 : i32
    %dma_start3A_25 = tpu.memref_slice %arg5[%dma_start3A_23, %dma_start3A_24] : memref<100x64xi32, #tpu.memory_space<vmem>> -> memref<1x64xi32, #tpu.memory_space<vmem>>
    %dma_start3A_26 = tpu.memref_squeeze %dma_start3A_25 : memref<1x64xi32, #tpu.memory_space<vmem>> -> memref<64xi32, #tpu.memory_space<vmem>>
    %dma_start3A_27 = arith.constant 0 : i32
    %dma_start3A_28 = arith.constant 0 : i32
    %dma_start3A_29 = tpu.memref_slice %arg3[%dma_start3A_27, %dma_start3A_28] : memref<100000x128xf32, #tpu.memory_space<hbm>> -> memref<100000x128xf32, #tpu.memory_space<hbm>>
    tpu.enqueue_indirect_dma source(%dma_start3A_29 : memref<100000x128xf32, #tpu.memory_space<hbm>>) target(%arg9 : memref<64x128xf32, #tpu.memory_space<vmem>>) offsets(%dma_start3A_26 : memref<64xi32, #tpu.memory_space<vmem>>) semaphore(%arg17 : memref<!tpu.dma_semaphore, #tpu.memory_space<semaphore_mem>>)
    %dma_wait3A = arith.constant 0 : i32
    %dma_wait3A_30 = arith.constant 0 : i32
    %dma_wait3A_31 = tpu.memref_slice %arg5[%dma_wait3A, %dma_wait3A_30] : memref<100x64xi32, #tpu.memory_space<vmem>> -> memref<1x64xi32, #tpu.memory_space<vmem>>
    %dma_wait3A_32 = tpu.memref_squeeze %dma_wait3A_31 : memref<1x64xi32, #tpu.memory_space<vmem>> -> memref<64xi32, #tpu.memory_space<vmem>>
    %dma_wait3A_33 = arith.constant 0 : i32
    %dma_wait3A_34 = arith.constant 0 : i32
    %dma_wait3A_35 = tpu.memref_slice %arg3[%dma_wait3A_33, %dma_wait3A_34] : memref<100000x128xf32, #tpu.memory_space<hbm>> -> memref<100000x128xf32, #tpu.memory_space<hbm>>
    tpu.wait_indirect_dma semaphore(%arg14 : memref<!tpu.dma_semaphore, #tpu.memory_space<semaphore_mem>>) src(%dma_wait3A_35 : memref<100000x128xf32, #tpu.memory_space<hbm>>) dst(%arg6 : memref<64x128xf32, #tpu.memory_space<vmem>>)
    %scan3A = arith.constant 0 : i32
    %scan3A_36 = arith.constant 0 : i32
    %scan3A_37 = arith.constant 64 : i32
    %scan3A_38 = arith.addi %scan3A_36, %scan3A_37 : i32
    %scan3A_39 = arith.constant 1 : i32
    scf.for %scan3A_246 = %scan3A_36 to %scan3A_38 step %scan3A_39  : i32 {
      %get3A = arith.index_cast %scan3A_246 : i32 to index
      %get3A_247 = arith.constant 0 : index
      %get3A_248 = tpu.vector_load %arg6[%get3A, %get3A_247] {strides = array<i32>} : memref<64x128xf32, #tpu.memory_space<vmem>>, vector<1x16xf32>,
      %get3A_249 = vector.shape_cast %get3A_248 : vector<1x16xf32> to vector<16xf32>
      %mul3A_250 = arith.constant 11.3137083 : f32
      %mul3A_251 = vector.broadcast %mul3A_250 : f32 to vector<16xf32>
      %mul3A_252 = arith.mulf %get3A_249, %mul3A_251 : vector<16xf32>
      %swap3A = arith.index_cast %scan3A_246 : i32 to index
      %swap3A_253 = arith.constant 0 : index
      %swap3A_254 = tpu.vector_load %arg10[%swap3A, %swap3A_253] {strides = array<i32>} : memref<64x128xf32, #tpu.memory_space<vmem>>, vector<1x16xf32>,
      %swap3A_255 = vector.shape_cast %swap3A_254 : vector<1x16xf32> to vector<16xf32>
      %swap3A_256 = vector.shape_cast %mul3A_252 : vector<16xf32> to vector<1x16xf32>
      tpu.vector_store %arg10[%swap3A, %swap3A_253], %swap3A_256 {strides = array<i32>} : memref<64x128xf32, #tpu.memory_space<vmem>>, vector<1x16xf32>,
      %get3A_257 = arith.index_cast %scan3A_246 : i32 to index
      %get3A_258 = arith.constant 16 : index
      %get3A_259 = tpu.vector_load %arg6[%get3A_257, %get3A_258] {strides = array<i32>} : memref<64x128xf32, #tpu.memory_space<vmem>>, vector<1x16xf32>,
      %get3A_260 = vector.shape_cast %get3A_259 : vector<1x16xf32> to vector<16xf32>
      %mul3A_261 = arith.constant 11.3137083 : f32
      %mul3A_262 = vector.broadcast %mul3A_261 : f32 to vector<16xf32>
      %mul3A_263 = arith.mulf %get3A_260, %mul3A_262 : vector<16xf32>
      %swap3A_264 = arith.index_cast %scan3A_246 : i32 to index
      %swap3A_265 = arith.constant 16 : index
      %swap3A_266 = tpu.vector_load %arg10[%swap3A_264, %swap3A_265] {strides = array<i32>} : memref<64x128xf32, #tpu.memory_space<vmem>>, vector<1x16xf32>,
      %swap3A_267 = vector.shape_cast %swap3A_266 : vector<1x16xf32> to vector<16xf32>
      %swap3A_268 = vector.shape_cast %mul3A_263 : vector<16xf32> to vector<1x16xf32>
      tpu.vector_store %arg10[%swap3A_264, %swap3A_265], %swap3A_268 {strides = array<i32>} : memref<64x128xf32, #tpu.memory_space<vmem>>, vector<1x16xf32>,
      %get3A_269 = arith.index_cast %scan3A_246 : i32 to index
      %get3A_270 = arith.constant 32 : index
      %get3A_271 = tpu.vector_load %arg6[%get3A_269, %get3A_270] {strides = array<i32>} : memref<64x128xf32, #tpu.memory_space<vmem>>, vector<1x16xf32>,
      %get3A_272 = vector.shape_cast %get3A_271 : vector<1x16xf32> to vector<16xf32>
      %mul3A_273 = arith.constant 11.3137083 : f32
      %mul3A_274 = vector.broadcast %mul3A_273 : f32 to vector<16xf32>
      %mul3A_275 = arith.mulf %get3A_272, %mul3A_274 : vector<16xf32>
      %swap3A_276 = arith.index_cast %scan3A_246 : i32 to index
      %swap3A_277 = arith.constant 32 : index
      %swap3A_278 = tpu.vector_load %arg10[%swap3A_276, %swap3A_277] {strides = array<i32>} : memref<64x128xf32, #tpu.memory_space<vmem>>, vector<1x16xf32>,
      %swap3A_279 = vector.shape_cast %swap3A_278 : vector<1x16xf32> to vector<16xf32>
      %swap3A_280 = vector.shape_cast %mul3A_275 : vector<16xf32> to vector<1x16xf32>
      tpu.vector_store %arg10[%swap3A_276, %swap3A_277], %swap3A_280 {strides = array<i32>} : memref<64x128xf32, #tpu.memory_space<vmem>>, vector<1x16xf32>,
      %get3A_281 = arith.index_cast %scan3A_246 : i32 to index
      %get3A_282 = arith.constant 48 : index
      %get3A_283 = tpu.vector_load %arg6[%get3A_281, %get3A_282] {strides = array<i32>} : memref<64x128xf32, #tpu.memory_space<vmem>>, vector<1x16xf32>,
      %get3A_284 = vector.shape_cast %get3A_283 : vector<1x16xf32> to vector<16xf32>
      %mul3A_285 = arith.constant 11.3137083 : f32
      %mul3A_286 = vector.broadcast %mul3A_285 : f32 to vector<16xf32>
      %mul3A_287 = arith.mulf %get3A_284, %mul3A_286 : vector<16xf32>
      %swap3A_288 = arith.index_cast %scan3A_246 : i32 to index
      %swap3A_289 = arith.constant 48 : index
      %swap3A_290 = tpu.vector_load %arg10[%swap3A_288, %swap3A_289] {strides = array<i32>} : memref<64x128xf32, #tpu.memory_space<vmem>>, vector<1x16xf32>,
      %swap3A_291 = vector.shape_cast %swap3A_290 : vector<1x16xf32> to vector<16xf32>
      %swap3A_292 = vector.shape_cast %mul3A_287 : vector<16xf32> to vector<1x16xf32>
      tpu.vector_store %arg10[%swap3A_288, %swap3A_289], %swap3A_292 {strides = array<i32>} : memref<64x128xf32, #tpu.memory_space<vmem>>, vector<1x16xf32>,
      %get3A_293 = arith.index_cast %scan3A_246 : i32 to index
      %get3A_294 = arith.constant 64 : index
      %get3A_295 = tpu.vector_load %arg6[%get3A_293, %get3A_294] {strides = array<i32>} : memref<64x128xf32, #tpu.memory_space<vmem>>, vector<1x16xf32>,
      %get3A_296 = vector.shape_cast %get3A_295 : vector<1x16xf32> to vector<16xf32>
      %mul3A_297 = arith.constant 11.3137083 : f32
      %mul3A_298 = vector.broadcast %mul3A_297 : f32 to vector<16xf32>
      %mul3A_299 = arith.mulf %get3A_296, %mul3A_298 : vector<16xf32>
      %swap3A_300 = arith.index_cast %scan3A_246 : i32 to index
      %swap3A_301 = arith.constant 64 : index
      %swap3A_302 = tpu.vector_load %arg10[%swap3A_300, %swap3A_301] {strides = array<i32>} : memref<64x128xf32, #tpu.memory_space<vmem>>, vector<1x16xf32>,
      %swap3A_303 = vector.shape_cast %swap3A_302 : vector<1x16xf32> to vector<16xf32>
      %swap3A_304 = vector.shape_cast %mul3A_299 : vector<16xf32> to vector<1x16xf32>
      tpu.vector_store %arg10[%swap3A_300, %swap3A_301], %swap3A_304 {strides = array<i32>} : memref<64x128xf32, #tpu.memory_space<vmem>>, vector<1x16xf32>,
      %get3A_305 = arith.index_cast %scan3A_246 : i32 to index
      %get3A_306 = arith.constant 80 : index
      %get3A_307 = tpu.vector_load %arg6[%get3A_305, %get3A_306] {strides = array<i32>} : memref<64x128xf32, #tpu.memory_space<vmem>>, vector<1x16xf32>,
      %get3A_308 = vector.shape_cast %get3A_307 : vector<1x16xf32> to vector<16xf32>
      %mul3A_309 = arith.constant 11.3137083 : f32
      %mul3A_310 = vector.broadcast %mul3A_309 : f32 to vector<16xf32>
      %mul3A_311 = arith.mulf %get3A_308, %mul3A_310 : vector<16xf32>
      %swap3A_312 = arith.index_cast %scan3A_246 : i32 to index
      %swap3A_313 = arith.constant 80 : index
      %swap3A_314 = tpu.vector_load %arg10[%swap3A_312, %swap3A_313] {strides = array<i32>} : memref<64x128xf32, #tpu.memory_space<vmem>>, vector<1x16xf32>,
      %swap3A_315 = vector.shape_cast %swap3A_314 : vector<1x16xf32> to vector<16xf32>
      %swap3A_316 = vector.shape_cast %mul3A_311 : vector<16xf32> to vector<1x16xf32>
      tpu.vector_store %arg10[%swap3A_312, %swap3A_313], %swap3A_316 {strides = array<i32>} : memref<64x128xf32, #tpu.memory_space<vmem>>, vector<1x16xf32>,
      %get3A_317 = arith.index_cast %scan3A_246 : i32 to index
      %get3A_318 = arith.constant 96 : index
      %get3A_319 = tpu.vector_load %arg6[%get3A_317, %get3A_318] {strides = array<i32>} : memref<64x128xf32, #tpu.memory_space<vmem>>, vector<1x16xf32>,
      %get3A_320 = vector.shape_cast %get3A_319 : vector<1x16xf32> to vector<16xf32>
      %mul3A_321 = arith.constant 11.3137083 : f32
      %mul3A_322 = vector.broadcast %mul3A_321 : f32 to vector<16xf32>
      %mul3A_323 = arith.mulf %get3A_320, %mul3A_322 : vector<16xf32>
      %swap3A_324 = arith.index_cast %scan3A_246 : i32 to index
      %swap3A_325 = arith.constant 96 : index
      %swap3A_326 = tpu.vector_load %arg10[%swap3A_324, %swap3A_325] {strides = array<i32>} : memref<64x128xf32, #tpu.memory_space<vmem>>, vector<1x16xf32>,
      %swap3A_327 = vector.shape_cast %swap3A_326 : vector<1x16xf32> to vector<16xf32>
      %swap3A_328 = vector.shape_cast %mul3A_323 : vector<16xf32> to vector<1x16xf32>
      tpu.vector_store %arg10[%swap3A_324, %swap3A_325], %swap3A_328 {strides = array<i32>} : memref<64x128xf32, #tpu.memory_space<vmem>>, vector<1x16xf32>,
      %get3A_329 = arith.index_cast %scan3A_246 : i32 to index
      %get3A_330 = arith.constant 112 : index
      %get3A_331 = tpu.vector_load %arg6[%get3A_329, %get3A_330] {strides = array<i32>} : memref<64x128xf32, #tpu.memory_space<vmem>>, vector<1x16xf32>,
      %get3A_332 = vector.shape_cast %get3A_331 : vector<1x16xf32> to vector<16xf32>
      %mul3A_333 = arith.constant 11.3137083 : f32
      %mul3A_334 = vector.broadcast %mul3A_333 : f32 to vector<16xf32>
      %mul3A_335 = arith.mulf %get3A_332, %mul3A_334 : vector<16xf32>
      %swap3A_336 = arith.index_cast %scan3A_246 : i32 to index
      %swap3A_337 = arith.constant 112 : index
      %swap3A_338 = tpu.vector_load %arg10[%swap3A_336, %swap3A_337] {strides = array<i32>} : memref<64x128xf32, #tpu.memory_space<vmem>>, vector<1x16xf32>,
      %swap3A_339 = vector.shape_cast %swap3A_338 : vector<1x16xf32> to vector<16xf32>
      %swap3A_340 = vector.shape_cast %mul3A_335 : vector<16xf32> to vector<1x16xf32>
      tpu.vector_store %arg10[%swap3A_336, %swap3A_337], %swap3A_340 {strides = array<i32>} : memref<64x128xf32, #tpu.memory_space<vmem>>, vector<1x16xf32>,
    }
    %scan3A_40 = arith.constant 64 : i32
    %dma_start3A_41 = arith.constant 4 : i32
    %dma_start3A_42 = arith.constant 0 : i32
    %dma_start3A_43 = tpu.memref_slice %arg5[%dma_start3A_41, %dma_start3A_42] : memref<100x64xi32, #tpu.memory_space<vmem>> -> memref<1x64xi32, #tpu.memory_space<vmem>>
    %dma_start3A_44 = tpu.memref_squeeze %dma_start3A_43 : memref<1x64xi32, #tpu.memory_space<vmem>> -> memref<64xi32, #tpu.memory_space<vmem>>
    %dma_start3A_45 = arith.constant 0 : i32
    %dma_start3A_46 = arith.constant 0 : i32
    %dma_start3A_47 = tpu.memref_slice %arg3[%dma_start3A_45, %dma_start3A_46] : memref<100000x128xf32, #tpu.memory_space<hbm>> -> memref<100000x128xf32, #tpu.memory_space<hbm>>
    tpu.enqueue_indirect_dma source(%dma_start3A_47 : memref<100000x128xf32, #tpu.memory_space<hbm>>) target(%arg6 : memref<64x128xf32, #tpu.memory_space<vmem>>) offsets(%dma_start3A_44 : memref<64xi32, #tpu.memory_space<vmem>>) semaphore(%arg14 : memref<!tpu.dma_semaphore, #tpu.memory_space<semaphore_mem>>)
    %add3A_48 = arith.constant 0 : i32
    %add3A_49 = arith.addi %mul3A_2, %add3A_48 : i32
    %dma_start3A_50 = arith.constant 0 : i32
    %dma_start3A_51 = tpu.memref_slice %arg4[%add3A_49, %dma_start3A_50] : memref<204800x128xf32, #tpu.memory_space<hbm>> -> memref<64x128xf32, #tpu.memory_space<hbm>>
    %dma_start3A_52 = arith.constant 0 : i32
    %dma_start3A_53 = tpu.memref_slice %arg4[%add3A_49, %dma_start3A_52] : memref<204800x128xf32, #tpu.memory_space<hbm>> -> memref<64x128xf32, #tpu.memory_space<hbm>>
    tpu.enqueue_dma source(%arg10 : memref<64x128xf32, #tpu.memory_space<vmem>>) target(%dma_start3A_53 : memref<64x128xf32, #tpu.memory_space<hbm>>) target_semaphore(%arg18 : memref<!tpu.dma_semaphore, #tpu.memory_space<semaphore_mem>>)
    %dma_wait3A_54 = arith.constant 0 : i32
    %dma_wait3A_55 = arith.constant 0 : i32
    %dma_wait3A_56 = tpu.memref_slice %arg5[%dma_wait3A_54, %dma_wait3A_55] : memref<100x64xi32, #tpu.memory_space<vmem>> -> memref<1x64xi32, #tpu.memory_space<vmem>>
    %dma_wait3A_57 = tpu.memref_squeeze %dma_wait3A_56 : memref<1x64xi32, #tpu.memory_space<vmem>> -> memref<64xi32, #tpu.memory_space<vmem>>
    %dma_wait3A_58 = arith.constant 0 : i32
    %dma_wait3A_59 = arith.constant 0 : i32
    %dma_wait3A_60 = tpu.memref_slice %arg3[%dma_wait3A_58, %dma_wait3A_59] : memref<100000x128xf32, #tpu.memory_space<hbm>> -> memref<100000x128xf32, #tpu.memory_space<hbm>>
    tpu.wait_indirect_dma semaphore(%arg15 : memref<!tpu.dma_semaphore, #tpu.memory_space<semaphore_mem>>) src(%dma_wait3A_60 : memref<100000x128xf32, #tpu.memory_space<hbm>>) dst(%arg7 : memref<64x128xf32, #tpu.memory_space<vmem>>)
    %scan3A_61 = arith.constant 0 : i32
    %scan3A_62 = arith.constant 0 : i32
    %scan3A_63 = arith.constant 64 : i32
    %scan3A_64 = arith.addi %scan3A_62, %scan3A_63 : i32
    %scan3A_65 = arith.constant 1 : i32
    scf.for %scan3A_246 = %scan3A_62 to %scan3A_64 step %scan3A_65  : i32 {
      %get3A = arith.index_cast %scan3A_246 : i32 to index
      %get3A_247 = arith.constant 0 : index
      %get3A_248 = tpu.vector_load %arg7[%get3A, %get3A_247] {strides = array<i32>} : memref<64x128xf32, #tpu.memory_space<vmem>>, vector<1x16xf32>,
      %get3A_249 = vector.shape_cast %get3A_248 : vector<1x16xf32> to vector<16xf32>
      %mul3A_250 = arith.constant 11.3137083 : f32
      %mul3A_251 = vector.broadcast %mul3A_250 : f32 to vector<16xf32>
      %mul3A_252 = arith.mulf %get3A_249, %mul3A_251 : vector<16xf32>
      %swap3A = arith.index_cast %scan3A_246 : i32 to index
      %swap3A_253 = arith.constant 0 : index
      %swap3A_254 = tpu.vector_load %arg11[%swap3A, %swap3A_253] {strides = array<i32>} : memref<64x128xf32, #tpu.memory_space<vmem>>, vector<1x16xf32>,
      %swap3A_255 = vector.shape_cast %swap3A_254 : vector<1x16xf32> to vector<16xf32>
      %swap3A_256 = vector.shape_cast %mul3A_252 : vector<16xf32> to vector<1x16xf32>
      tpu.vector_store %arg11[%swap3A, %swap3A_253], %swap3A_256 {strides = array<i32>} : memref<64x128xf32, #tpu.memory_space<vmem>>, vector<1x16xf32>,
      %get3A_257 = arith.index_cast %scan3A_246 : i32 to index
      %get3A_258 = arith.constant 16 : index
      %get3A_259 = tpu.vector_load %arg7[%get3A_257, %get3A_258] {strides = array<i32>} : memref<64x128xf32, #tpu.memory_space<vmem>>, vector<1x16xf32>,
      %get3A_260 = vector.shape_cast %get3A_259 : vector<1x16xf32> to vector<16xf32>
      %mul3A_261 = arith.constant 11.3137083 : f32
      %mul3A_262 = vector.broadcast %mul3A_261 : f32 to vector<16xf32>
      %mul3A_263 = arith.mulf %get3A_260, %mul3A_262 : vector<16xf32>
      %swap3A_264 = arith.index_cast %scan3A_246 : i32 to index
      %swap3A_265 = arith.constant 16 : index
      %swap3A_266 = tpu.vector_load %arg11[%swap3A_264, %swap3A_265] {strides = array<i32>} : memref<64x128xf32, #tpu.memory_space<vmem>>, vector<1x16xf32>,
      %swap3A_267 = vector.shape_cast %swap3A_266 : vector<1x16xf32> to vector<16xf32>
      %swap3A_268 = vector.shape_cast %mul3A_263 : vector<16xf32> to vector<1x16xf32>
      tpu.vector_store %arg11[%swap3A_264, %swap3A_265], %swap3A_268 {strides = array<i32>} : memref<64x128xf32, #tpu.memory_space<vmem>>, vector<1x16xf32>,
      %get3A_269 = arith.index_cast %scan3A_246 : i32 to index
      %get3A_270 = arith.constant 32 : index
      %get3A_271 = tpu.vector_load %arg7[%get3A_269, %get3A_270] {strides = array<i32>} : memref<64x128xf32, #tpu.memory_space<vmem>>, vector<1x16xf32>,
      %get3A_272 = vector.shape_cast %get3A_271 : vector<1x16xf32> to vector<16xf32>
      %mul3A_273 = arith.constant 11.3137083 : f32
      %mul3A_274 = vector.broadcast %mul3A_273 : f32 to vector<16xf32>
      %mul3A_275 = arith.mulf %get3A_272, %mul3A_274 : vector<16xf32>
      %swap3A_276 = arith.index_cast %scan3A_246 : i32 to index
      %swap3A_277 = arith.constant 32 : index
      %swap3A_278 = tpu.vector_load %arg11[%swap3A_276, %swap3A_277] {strides = array<i32>} : memref<64x128xf32, #tpu.memory_space<vmem>>, vector<1x16xf32>,
      %swap3A_279 = vector.shape_cast %swap3A_278 : vector<1x16xf32> to vector<16xf32>
      %swap3A_280 = vector.shape_cast %mul3A_275 : vector<16xf32> to vector<1x16xf32>
      tpu.vector_store %arg11[%swap3A_276, %swap3A_277], %swap3A_280 {strides = array<i32>} : memref<64x128xf32, #tpu.memory_space<vmem>>, vector<1x16xf32>,
      %get3A_281 = arith.index_cast %scan3A_246 : i32 to index
      %get3A_282 = arith.constant 48 : index
      %get3A_283 = tpu.vector_load %arg7[%get3A_281, %get3A_282] {strides = array<i32>} : memref<64x128xf32, #tpu.memory_space<vmem>>, vector<1x16xf32>,
      %get3A_284 = vector.shape_cast %get3A_283 : vector<1x16xf32> to vector<16xf32>
      %mul3A_285 = arith.constant 11.3137083 : f32
      %mul3A_286 = vector.broadcast %mul3A_285 : f32 to vector<16xf32>
      %mul3A_287 = arith.mulf %get3A_284, %mul3A_286 : vector<16xf32>
      %swap3A_288 = arith.index_cast %scan3A_246 : i32 to index
      %swap3A_289 = arith.constant 48 : index
      %swap3A_290 = tpu.vector_load %arg11[%swap3A_288, %swap3A_289] {strides = array<i32>} : memref<64x128xf32, #tpu.memory_space<vmem>>, vector<1x16xf32>,
      %swap3A_291 = vector.shape_cast %swap3A_290 : vector<1x16xf32> to vector<16xf32>
      %swap3A_292 = vector.shape_cast %mul3A_287 : vector<16xf32> to vector<1x16xf32>
      tpu.vector_store %arg11[%swap3A_288, %swap3A_289], %swap3A_292 {strides = array<i32>} : memref<64x128xf32, #tpu.memory_space<vmem>>, vector<1x16xf32>,
      %get3A_293 = arith.index_cast %scan3A_246 : i32 to index
      %get3A_294 = arith.constant 64 : index
      %get3A_295 = tpu.vector_load %arg7[%get3A_293, %get3A_294] {strides = array<i32>} : memref<64x128xf32, #tpu.memory_space<vmem>>, vector<1x16xf32>,
      %get3A_296 = vector.shape_cast %get3A_295 : vector<1x16xf32> to vector<16xf32>
      %mul3A_297 = arith.constant 11.3137083 : f32
      %mul3A_298 = vector.broadcast %mul3A_297 : f32 to vector<16xf32>
      %mul3A_299 = arith.mulf %get3A_296, %mul3A_298 : vector<16xf32>
      %swap3A_300 = arith.index_cast %scan3A_246 : i32 to index
      %swap3A_301 = arith.constant 64 : index
      %swap3A_302 = tpu.vector_load %arg11[%swap3A_300, %swap3A_301] {strides = array<i32>} : memref<64x128xf32, #tpu.memory_space<vmem>>, vector<1x16xf32>,
      %swap3A_303 = vector.shape_cast %swap3A_302 : vector<1x16xf32> to vector<16xf32>
      %swap3A_304 = vector.shape_cast %mul3A_299 : vector<16xf32> to vector<1x16xf32>
      tpu.vector_store %arg11[%swap3A_300, %swap3A_301], %swap3A_304 {strides = array<i32>} : memref<64x128xf32, #tpu.memory_space<vmem>>, vector<1x16xf32>,
      %get3A_305 = arith.index_cast %scan3A_246 : i32 to index
      %get3A_306 = arith.constant 80 : index
      %get3A_307 = tpu.vector_load %arg7[%get3A_305, %get3A_306] {strides = array<i32>} : memref<64x128xf32, #tpu.memory_space<vmem>>, vector<1x16xf32>,
      %get3A_308 = vector.shape_cast %get3A_307 : vector<1x16xf32> to vector<16xf32>
      %mul3A_309 = arith.constant 11.3137083 : f32
      %mul3A_310 = vector.broadcast %mul3A_309 : f32 to vector<16xf32>
      %mul3A_311 = arith.mulf %get3A_308, %mul3A_310 : vector<16xf32>
      %swap3A_312 = arith.index_cast %scan3A_246 : i32 to index
      %swap3A_313 = arith.constant 80 : index
      %swap3A_314 = tpu.vector_load %arg11[%swap3A_312, %swap3A_313] {strides = array<i32>} : memref<64x128xf32, #tpu.memory_space<vmem>>, vector<1x16xf32>,
      %swap3A_315 = vector.shape_cast %swap3A_314 : vector<1x16xf32> to vector<16xf32>
      %swap3A_316 = vector.shape_cast %mul3A_311 : vector<16xf32> to vector<1x16xf32>
      tpu.vector_store %arg11[%swap3A_312, %swap3A_313], %swap3A_316 {strides = array<i32>} : memref<64x128xf32, #tpu.memory_space<vmem>>, vector<1x16xf32>,
      %get3A_317 = arith.index_cast %scan3A_246 : i32 to index
      %get3A_318 = arith.constant 96 : index
      %get3A_319 = tpu.vector_load %arg7[%get3A_317, %get3A_318] {strides = array<i32>} : memref<64x128xf32, #tpu.memory_space<vmem>>, vector<1x16xf32>,
      %get3A_320 = vector.shape_cast %get3A_319 : vector<1x16xf32> to vector<16xf32>
      %mul3A_321 = arith.constant 11.3137083 : f32
      %mul3A_322 = vector.broadcast %mul3A_321 : f32 to vector<16xf32>
      %mul3A_323 = arith.mulf %get3A_320, %mul3A_322 : vector<16xf32>
      %swap3A_324 = arith.index_cast %scan3A_246 : i32 to index
      %swap3A_325 = arith.constant 96 : index
      %swap3A_326 = tpu.vector_load %arg11[%swap3A_324, %swap3A_325] {strides = array<i32>} : memref<64x128xf32, #tpu.memory_space<vmem>>, vector<1x16xf32>,
      %swap3A_327 = vector.shape_cast %swap3A_326 : vector<1x16xf32> to vector<16xf32>
      %swap3A_328 = vector.shape_cast %mul3A_323 : vector<16xf32> to vector<1x16xf32>
      tpu.vector_store %arg11[%swap3A_324, %swap3A_325], %swap3A_328 {strides = array<i32>} : memref<64x128xf32, #tpu.memory_space<vmem>>, vector<1x16xf32>,
      %get3A_329 = arith.index_cast %scan3A_246 : i32 to index
      %get3A_330 = arith.constant 112 : index
      %get3A_331 = tpu.vector_load %arg7[%get3A_329, %get3A_330] {strides = array<i32>} : memref<64x128xf32, #tpu.memory_space<vmem>>, vector<1x16xf32>,
      %get3A_332 = vector.shape_cast %get3A_331 : vector<1x16xf32> to vector<16xf32>
      %mul3A_333 = arith.constant 11.3137083 : f32
      %mul3A_334 = vector.broadcast %mul3A_333 : f32 to vector<16xf32>
      %mul3A_335 = arith.mulf %get3A_332, %mul3A_334 : vector<16xf32>
      %swap3A_336 = arith.index_cast %scan3A_246 : i32 to index
      %swap3A_337 = arith.constant 112 : index
      %swap3A_338 = tpu.vector_load %arg11[%swap3A_336, %swap3A_337] {strides = array<i32>} : memref<64x128xf32, #tpu.memory_space<vmem>>, vector<1x16xf32>,
      %swap3A_339 = vector.shape_cast %swap3A_338 : vector<1x16xf32> to vector<16xf32>
      %swap3A_340 = vector.shape_cast %mul3A_335 : vector<16xf32> to vector<1x16xf32>
      tpu.vector_store %arg11[%swap3A_336, %swap3A_337], %swap3A_340 {strides = array<i32>} : memref<64x128xf32, #tpu.memory_space<vmem>>, vector<1x16xf32>,
    }
    %scan3A_66 = arith.constant 64 : i32
    %dma_start3A_67 = arith.constant 5 : i32
    %dma_start3A_68 = arith.constant 0 : i32
    %dma_start3A_69 = tpu.memref_slice %arg5[%dma_start3A_67, %dma_start3A_68] : memref<100x64xi32, #tpu.memory_space<vmem>> -> memref<1x64xi32, #tpu.memory_space<vmem>>
    %dma_start3A_70 = tpu.memref_squeeze %dma_start3A_69 : memref<1x64xi32, #tpu.memory_space<vmem>> -> memref<64xi32, #tpu.memory_space<vmem>>
    %dma_start3A_71 = arith.constant 0 : i32
    %dma_start3A_72 = arith.constant 0 : i32
    %dma_start3A_73 = tpu.memref_slice %arg3[%dma_start3A_71, %dma_start3A_72] : memref<100000x128xf32, #tpu.memory_space<hbm>> -> memref<100000x128xf32, #tpu.memory_space<hbm>>
    tpu.enqueue_indirect_dma source(%dma_start3A_73 : memref<100000x128xf32, #tpu.memory_space<hbm>>) target(%arg7 : memref<64x128xf32, #tpu.memory_space<vmem>>) offsets(%dma_start3A_70 : memref<64xi32, #tpu.memory_space<vmem>>) semaphore(%arg15 : memref<!tpu.dma_semaphore, #tpu.memory_space<semaphore_mem>>)
    %add3A_74 = arith.constant 64 : i32
    %add3A_75 = arith.addi %mul3A_2, %add3A_74 : i32
    %dma_start3A_76 = arith.constant 0 : i32
    %dma_start3A_77 = tpu.memref_slice %arg4[%add3A_75, %dma_start3A_76] : memref<204800x128xf32, #tpu.memory_space<hbm>> -> memref<64x128xf32, #tpu.memory_space<hbm>>
    %dma_start3A_78 = arith.constant 0 : i32
    %dma_start3A_79 = tpu.memref_slice %arg4[%add3A_75, %dma_start3A_78] : memref<204800x128xf32, #tpu.memory_space<hbm>> -> memref<64x128xf32, #tpu.memory_space<hbm>>
    tpu.enqueue_dma source(%arg11 : memref<64x128xf32, #tpu.memory_space<vmem>>) target(%dma_start3A_79 : memref<64x128xf32, #tpu.memory_space<hbm>>) target_semaphore(%arg19 : memref<!tpu.dma_semaphore, #tpu.memory_space<semaphore_mem>>)
    %dma_wait3A_80 = arith.constant 0 : i32
    %dma_wait3A_81 = arith.constant 0 : i32
    %dma_wait3A_82 = tpu.memref_slice %arg5[%dma_wait3A_80, %dma_wait3A_81] : memref<100x64xi32, #tpu.memory_space<vmem>> -> memref<1x64xi32, #tpu.memory_space<vmem>>
    %dma_wait3A_83 = tpu.memref_squeeze %dma_wait3A_82 : memref<1x64xi32, #tpu.memory_space<vmem>> -> memref<64xi32, #tpu.memory_space<vmem>>
    %dma_wait3A_84 = arith.constant 0 : i32
    %dma_wait3A_85 = arith.constant 0 : i32
    %dma_wait3A_86 = tpu.memref_slice %arg3[%dma_wait3A_84, %dma_wait3A_85] : memref<100000x128xf32, #tpu.memory_space<hbm>> -> memref<100000x128xf32, #tpu.memory_space<hbm>>
    tpu.wait_indirect_dma semaphore(%arg16 : memref<!tpu.dma_semaphore, #tpu.memory_space<semaphore_mem>>) src(%dma_wait3A_86 : memref<100000x128xf32, #tpu.memory_space<hbm>>) dst(%arg8 : memref<64x128xf32, #tpu.memory_space<vmem>>)
    %scan3A_87 = arith.constant 0 : i32
    %scan3A_88 = arith.constant 0 : i32
    %scan3A_89 = arith.constant 64 : i32
    %scan3A_90 = arith.addi %scan3A_88, %scan3A_89 : i32
    %scan3A_91 = arith.constant 1 : i32
    scf.for %scan3A_246 = %scan3A_88 to %scan3A_90 step %scan3A_91  : i32 {
      %get3A = arith.index_cast %scan3A_246 : i32 to index
      %get3A_247 = arith.constant 0 : index
      %get3A_248 = tpu.vector_load %arg8[%get3A, %get3A_247] {strides = array<i32>} : memref<64x128xf32, #tpu.memory_space<vmem>>, vector<1x16xf32>,
      %get3A_249 = vector.shape_cast %get3A_248 : vector<1x16xf32> to vector<16xf32>
      %mul3A_250 = arith.constant 11.3137083 : f32
      %mul3A_251 = vector.broadcast %mul3A_250 : f32 to vector<16xf32>
      %mul3A_252 = arith.mulf %get3A_249, %mul3A_251 : vector<16xf32>
      %swap3A = arith.index_cast %scan3A_246 : i32 to index
      %swap3A_253 = arith.constant 0 : index
      %swap3A_254 = tpu.vector_load %arg12[%swap3A, %swap3A_253] {strides = array<i32>} : memref<64x128xf32, #tpu.memory_space<vmem>>, vector<1x16xf32>,
      %swap3A_255 = vector.shape_cast %swap3A_254 : vector<1x16xf32> to vector<16xf32>
      %swap3A_256 = vector.shape_cast %mul3A_252 : vector<16xf32> to vector<1x16xf32>
      tpu.vector_store %arg12[%swap3A, %swap3A_253], %swap3A_256 {strides = array<i32>} : memref<64x128xf32, #tpu.memory_space<vmem>>, vector<1x16xf32>,
      %get3A_257 = arith.index_cast %scan3A_246 : i32 to index
      %get3A_258 = arith.constant 16 : index
      %get3A_259 = tpu.vector_load %arg8[%get3A_257, %get3A_258] {strides = array<i32>} : memref<64x128xf32, #tpu.memory_space<vmem>>, vector<1x16xf32>,
      %get3A_260 = vector.shape_cast %get3A_259 : vector<1x16xf32> to vector<16xf32>
      %mul3A_261 = arith.constant 11.3137083 : f32
      %mul3A_262 = vector.broadcast %mul3A_261 : f32 to vector<16xf32>
      %mul3A_263 = arith.mulf %get3A_260, %mul3A_262 : vector<16xf32>
      %swap3A_264 = arith.index_cast %scan3A_246 : i32 to index
      %swap3A_265 = arith.constant 16 : index
      %swap3A_266 = tpu.vector_load %arg12[%swap3A_264, %swap3A_265] {strides = array<i32>} : memref<64x128xf32, #tpu.memory_space<vmem>>, vector<1x16xf32>,
      %swap3A_267 = vector.shape_cast %swap3A_266 : vector<1x16xf32> to vector<16xf32>
      %swap3A_268 = vector.shape_cast %mul3A_263 : vector<16xf32> to vector<1x16xf32>
      tpu.vector_store %arg12[%swap3A_264, %swap3A_265], %swap3A_268 {strides = array<i32>} : memref<64x128xf32, #tpu.memory_space<vmem>>, vector<1x16xf32>,
      %get3A_269 = arith.index_cast %scan3A_246 : i32 to index
      %get3A_270 = arith.constant 32 : index
      %get3A_271 = tpu.vector_load %arg8[%get3A_269, %get3A_270] {strides = array<i32>} : memref<64x128xf32, #tpu.memory_space<vmem>>, vector<1x16xf32>,
      %get3A_272 = vector.shape_cast %get3A_271 : vector<1x16xf32> to vector<16xf32>
      %mul3A_273 = arith.constant 11.3137083 : f32
      %mul3A_274 = vector.broadcast %mul3A_273 : f32 to vector<16xf32>
      %mul3A_275 = arith.mulf %get3A_272, %mul3A_274 : vector<16xf32>
      %swap3A_276 = arith.index_cast %scan3A_246 : i32 to index
      %swap3A_277 = arith.constant 32 : index
      %swap3A_278 = tpu.vector_load %arg12[%swap3A_276, %swap3A_277] {strides = array<i32>} : memref<64x128xf32, #tpu.memory_space<vmem>>, vector<1x16xf32>,
      %swap3A_279 = vector.shape_cast %swap3A_278 : vector<1x16xf32> to vector<16xf32>
      %swap3A_280 = vector.shape_cast %mul3A_275 : vector<16xf32> to vector<1x16xf32>
      tpu.vector_store %arg12[%swap3A_276, %swap3A_277], %swap3A_280 {strides = array<i32>} : memref<64x128xf32, #tpu.memory_space<vmem>>, vector<1x16xf32>,
      %get3A_281 = arith.index_cast %scan3A_246 : i32 to index
      %get3A_282 = arith.constant 48 : index
      %get3A_283 = tpu.vector_load %arg8[%get3A_281, %get3A_282] {strides = array<i32>} : memref<64x128xf32, #tpu.memory_space<vmem>>, vector<1x16xf32>,
      %get3A_284 = vector.shape_cast %get3A_283 : vector<1x16xf32> to vector<16xf32>
      %mul3A_285 = arith.constant 11.3137083 : f32
      %mul3A_286 = vector.broadcast %mul3A_285 : f32 to vector<16xf32>
      %mul3A_287 = arith.mulf %get3A_284, %mul3A_286 : vector<16xf32>
      %swap3A_288 = arith.index_cast %scan3A_246 : i32 to index
      %swap3A_289 = arith.constant 48 : index
      %swap3A_290 = tpu.vector_load %arg12[%swap3A_288, %swap3A_289] {strides = array<i32>} : memref<64x128xf32, #tpu.memory_space<vmem>>, vector<1x16xf32>,
      %swap3A_291 = vector.shape_cast %swap3A_290 : vector<1x16xf32> to vector<16xf32>
      %swap3A_292 = vector.shape_cast %mul3A_287 : vector<16xf32> to vector<1x16xf32>
      tpu.vector_store %arg12[%swap3A_288, %swap3A_289], %swap3A_292 {strides = array<i32>} : memref<64x128xf32, #tpu.memory_space<vmem>>, vector<1x16xf32>,
      %get3A_293 = arith.index_cast %scan3A_246 : i32 to index
      %get3A_294 = arith.constant 64 : index
      %get3A_295 = tpu.vector_load %arg8[%get3A_293, %get3A_294] {strides = array<i32>} : memref<64x128xf32, #tpu.memory_space<vmem>>, vector<1x16xf32>,
      %get3A_296 = vector.shape_cast %get3A_295 : vector<1x16xf32> to vector<16xf32>
      %mul3A_297 = arith.constant 11.3137083 : f32
      %mul3A_298 = vector.broadcast %mul3A_297 : f32 to vector<16xf32>
      %mul3A_299 = arith.mulf %get3A_296, %mul3A_298 : vector<16xf32>
      %swap3A_300 = arith.index_cast %scan3A_246 : i32 to index
      %swap3A_301 = arith.constant 64 : index
      %swap3A_302 = tpu.vector_load %arg12[%swap3A_300, %swap3A_301] {strides = array<i32>} : memref<64x128xf32, #tpu.memory_space<vmem>>, vector<1x16xf32>,
      %swap3A_303 = vector.shape_cast %swap3A_302 : vector<1x16xf32> to vector<16xf32>
      %swap3A_304 = vector.shape_cast %mul3A_299 : vector<16xf32> to vector<1x16xf32>
      tpu.vector_store %arg12[%swap3A_300, %swap3A_301], %swap3A_304 {strides = array<i32>} : memref<64x128xf32, #tpu.memory_space<vmem>>, vector<1x16xf32>,
      %get3A_305 = arith.index_cast %scan3A_246 : i32 to index
      %get3A_306 = arith.constant 80 : index
      %get3A_307 = tpu.vector_load %arg8[%get3A_305, %get3A_306] {strides = array<i32>} : memref<64x128xf32, #tpu.memory_space<vmem>>, vector<1x16xf32>,
      %get3A_308 = vector.shape_cast %get3A_307 : vector<1x16xf32> to vector<16xf32>
      %mul3A_309 = arith.constant 11.3137083 : f32
      %mul3A_310 = vector.broadcast %mul3A_309 : f32 to vector<16xf32>
      %mul3A_311 = arith.mulf %get3A_308, %mul3A_310 : vector<16xf32>
      %swap3A_312 = arith.index_cast %scan3A_246 : i32 to index
      %swap3A_313 = arith.constant 80 : index
      %swap3A_314 = tpu.vector_load %arg12[%swap3A_312, %swap3A_313] {strides = array<i32>} : memref<64x128xf32, #tpu.memory_space<vmem>>, vector<1x16xf32>,
      %swap3A_315 = vector.shape_cast %swap3A_314 : vector<1x16xf32> to vector<16xf32>
      %swap3A_316 = vector.shape_cast %mul3A_311 : vector<16xf32> to vector<1x16xf32>
      tpu.vector_store %arg12[%swap3A_312, %swap3A_313], %swap3A_316 {strides = array<i32>} : memref<64x128xf32, #tpu.memory_space<vmem>>, vector<1x16xf32>,
      %get3A_317 = arith.index_cast %scan3A_246 : i32 to index
      %get3A_318 = arith.constant 96 : index
      %get3A_319 = tpu.vector_load %arg8[%get3A_317, %get3A_318] {strides = array<i32>} : memref<64x128xf32, #tpu.memory_space<vmem>>, vector<1x16xf32>,
      %get3A_320 = vector.shape_cast %get3A_319 : vector<1x16xf32> to vector<16xf32>
      %mul3A_321 = arith.constant 11.3137083 : f32
      %mul3A_322 = vector.broadcast %mul3A_321 : f32 to vector<16xf32>
      %mul3A_323 = arith.mulf %get3A_320, %mul3A_322 : vector<16xf32>
      %swap3A_324 = arith.index_cast %scan3A_246 : i32 to index
      %swap3A_325 = arith.constant 96 : index
      %swap3A_326 = tpu.vector_load %arg12[%swap3A_324, %swap3A_325] {strides = array<i32>} : memref<64x128xf32, #tpu.memory_space<vmem>>, vector<1x16xf32>,
      %swap3A_327 = vector.shape_cast %swap3A_326 : vector<1x16xf32> to vector<16xf32>
      %swap3A_328 = vector.shape_cast %mul3A_323 : vector<16xf32> to vector<1x16xf32>
      tpu.vector_store %arg12[%swap3A_324, %swap3A_325], %swap3A_328 {strides = array<i32>} : memref<64x128xf32, #tpu.memory_space<vmem>>, vector<1x16xf32>,
      %get3A_329 = arith.index_cast %scan3A_246 : i32 to index
      %get3A_330 = arith.constant 112 : index
      %get3A_331 = tpu.vector_load %arg8[%get3A_329, %get3A_330] {strides = array<i32>} : memref<64x128xf32, #tpu.memory_space<vmem>>, vector<1x16xf32>,
      %get3A_332 = vector.shape_cast %get3A_331 : vector<1x16xf32> to vector<16xf32>
      %mul3A_333 = arith.constant 11.3137083 : f32
      %mul3A_334 = vector.broadcast %mul3A_333 : f32 to vector<16xf32>
      %mul3A_335 = arith.mulf %get3A_332, %mul3A_334 : vector<16xf32>
      %swap3A_336 = arith.index_cast %scan3A_246 : i32 to index
      %swap3A_337 = arith.constant 112 : index
      %swap3A_338 = tpu.vector_load %arg12[%swap3A_336, %swap3A_337] {strides = array<i32>} : memref<64x128xf32, #tpu.memory_space<vmem>>, vector<1x16xf32>,
      %swap3A_339 = vector.shape_cast %swap3A_338 : vector<1x16xf32> to vector<16xf32>
      %swap3A_340 = vector.shape_cast %mul3A_335 : vector<16xf32> to vector<1x16xf32>
      tpu.vector_store %arg12[%swap3A_336, %swap3A_337], %swap3A_340 {strides = array<i32>} : memref<64x128xf32, #tpu.memory_space<vmem>>, vector<1x16xf32>,
    }
    %scan3A_92 = arith.constant 64 : i32
    %dma_start3A_93 = arith.constant 6 : i32
    %dma_start3A_94 = arith.constant 0 : i32
    %dma_start3A_95 = tpu.memref_slice %arg5[%dma_start3A_93, %dma_start3A_94] : memref<100x64xi32, #tpu.memory_space<vmem>> -> memref<1x64xi32, #tpu.memory_space<vmem>>
    %dma_start3A_96 = tpu.memref_squeeze %dma_start3A_95 : memref<1x64xi32, #tpu.memory_space<vmem>> -> memref<64xi32, #tpu.memory_space<vmem>>
    %dma_start3A_97 = arith.constant 0 : i32
    %dma_start3A_98 = arith.constant 0 : i32
    %dma_start3A_99 = tpu.memref_slice %arg3[%dma_start3A_97, %dma_start3A_98] : memref<100000x128xf32, #tpu.memory_space<hbm>> -> memref<100000x128xf32, #tpu.memory_space<hbm>>
    tpu.enqueue_indirect_dma source(%dma_start3A_99 : memref<100000x128xf32, #tpu.memory_space<hbm>>) target(%arg8 : memref<64x128xf32, #tpu.memory_space<vmem>>) offsets(%dma_start3A_96 : memref<64xi32, #tpu.memory_space<vmem>>) semaphore(%arg16 : memref<!tpu.dma_semaphore, #tpu.memory_space<semaphore_mem>>)
    %add3A_100 = arith.constant 128 : i32
    %add3A_101 = arith.addi %mul3A_2, %add3A_100 : i32
    %dma_start3A_102 = arith.constant 0 : i32
    %dma_start3A_103 = tpu.memref_slice %arg4[%add3A_101, %dma_start3A_102] : memref<204800x128xf32, #tpu.memory_space<hbm>> -> memref<64x128xf32, #tpu.memory_space<hbm>>
    %dma_start3A_104 = arith.constant 0 : i32
    %dma_start3A_105 = tpu.memref_slice %arg4[%add3A_101, %dma_start3A_104] : memref<204800x128xf32, #tpu.memory_space<hbm>> -> memref<64x128xf32, #tpu.memory_space<hbm>>
    tpu.enqueue_dma source(%arg12 : memref<64x128xf32, #tpu.memory_space<vmem>>) target(%dma_start3A_105 : memref<64x128xf32, #tpu.memory_space<hbm>>) target_semaphore(%arg20 : memref<!tpu.dma_semaphore, #tpu.memory_space<semaphore_mem>>)
    %dma_wait3A_106 = arith.constant 0 : i32
    %dma_wait3A_107 = arith.constant 0 : i32
    %dma_wait3A_108 = tpu.memref_slice %arg5[%dma_wait3A_106, %dma_wait3A_107] : memref<100x64xi32, #tpu.memory_space<vmem>> -> memref<1x64xi32, #tpu.memory_space<vmem>>
    %dma_wait3A_109 = tpu.memref_squeeze %dma_wait3A_108 : memref<1x64xi32, #tpu.memory_space<vmem>> -> memref<64xi32, #tpu.memory_space<vmem>>
    %dma_wait3A_110 = arith.constant 0 : i32
    %dma_wait3A_111 = arith.constant 0 : i32
    %dma_wait3A_112 = tpu.memref_slice %arg3[%dma_wait3A_110, %dma_wait3A_111] : memref<100000x128xf32, #tpu.memory_space<hbm>> -> memref<100000x128xf32, #tpu.memory_space<hbm>>
    tpu.wait_indirect_dma semaphore(%arg17 : memref<!tpu.dma_semaphore, #tpu.memory_space<semaphore_mem>>) src(%dma_wait3A_112 : memref<100000x128xf32, #tpu.memory_space<hbm>>) dst(%arg9 : memref<64x128xf32, #tpu.memory_space<vmem>>)
    %scan3A_113 = arith.constant 0 : i32
    %scan3A_114 = arith.constant 0 : i32
    %scan3A_115 = arith.constant 64 : i32
    %scan3A_116 = arith.addi %scan3A_114, %scan3A_115 : i32
    %scan3A_117 = arith.constant 1 : i32
    scf.for %scan3A_246 = %scan3A_114 to %scan3A_116 step %scan3A_117  : i32 {
      %get3A = arith.index_cast %scan3A_246 : i32 to index
      %get3A_247 = arith.constant 0 : index
      %get3A_248 = tpu.vector_load %arg9[%get3A, %get3A_247] {strides = array<i32>} : memref<64x128xf32, #tpu.memory_space<vmem>>, vector<1x16xf32>,
      %get3A_249 = vector.shape_cast %get3A_248 : vector<1x16xf32> to vector<16xf32>
      %mul3A_250 = arith.constant 11.3137083 : f32
      %mul3A_251 = vector.broadcast %mul3A_250 : f32 to vector<16xf32>
      %mul3A_252 = arith.mulf %get3A_249, %mul3A_251 : vector<16xf32>
      %swap3A = arith.index_cast %scan3A_246 : i32 to index
      %swap3A_253 = arith.constant 0 : index
      %swap3A_254 = tpu.vector_load %arg13[%swap3A, %swap3A_253] {strides = array<i32>} : memref<64x128xf32, #tpu.memory_space<vmem>>, vector<1x16xf32>,
      %swap3A_255 = vector.shape_cast %swap3A_254 : vector<1x16xf32> to vector<16xf32>
      %swap3A_256 = vector.shape_cast %mul3A_252 : vector<16xf32> to vector<1x16xf32>
      tpu.vector_store %arg13[%swap3A, %swap3A_253], %swap3A_256 {strides = array<i32>} : memref<64x128xf32, #tpu.memory_space<vmem>>, vector<1x16xf32>,
      %get3A_257 = arith.index_cast %scan3A_246 : i32 to index
      %get3A_258 = arith.constant 16 : index
      %get3A_259 = tpu.vector_load %arg9[%get3A_257, %get3A_258] {strides = array<i32>} : memref<64x128xf32, #tpu.memory_space<vmem>>, vector<1x16xf32>,
      %get3A_260 = vector.shape_cast %get3A_259 : vector<1x16xf32> to vector<16xf32>
      %mul3A_261 = arith.constant 11.3137083 : f32
      %mul3A_262 = vector.broadcast %mul3A_261 : f32 to vector<16xf32>
      %mul3A_263 = arith.mulf %get3A_260, %mul3A_262 : vector<16xf32>
      %swap3A_264 = arith.index_cast %scan3A_246 : i32 to index
      %swap3A_265 = arith.constant 16 : index
      %swap3A_266 = tpu.vector_load %arg13[%swap3A_264, %swap3A_265] {strides = array<i32>} : memref<64x128xf32, #tpu.memory_space<vmem>>, vector<1x16xf32>,
      %swap3A_267 = vector.shape_cast %swap3A_266 : vector<1x16xf32> to vector<16xf32>
      %swap3A_268 = vector.shape_cast %mul3A_263 : vector<16xf32> to vector<1x16xf32>
      tpu.vector_store %arg13[%swap3A_264, %swap3A_265], %swap3A_268 {strides = array<i32>} : memref<64x128xf32, #tpu.memory_space<vmem>>, vector<1x16xf32>,
      %get3A_269 = arith.index_cast %scan3A_246 : i32 to index
      %get3A_270 = arith.constant 32 : index
      %get3A_271 = tpu.vector_load %arg9[%get3A_269, %get3A_270] {strides = array<i32>} : memref<64x128xf32, #tpu.memory_space<vmem>>, vector<1x16xf32>,
      %get3A_272 = vector.shape_cast %get3A_271 : vector<1x16xf32> to vector<16xf32>
      %mul3A_273 = arith.constant 11.3137083 : f32
      %mul3A_274 = vector.broadcast %mul3A_273 : f32 to vector<16xf32>
      %mul3A_275 = arith.mulf %get3A_272, %mul3A_274 : vector<16xf32>
      %swap3A_276 = arith.index_cast %scan3A_246 : i32 to index
      %swap3A_277 = arith.constant 32 : index
      %swap3A_278 = tpu.vector_load %arg13[%swap3A_276, %swap3A_277] {strides = array<i32>} : memref<64x128xf32, #tpu.memory_space<vmem>>, vector<1x16xf32>,
      %swap3A_279 = vector.shape_cast %swap3A_278 : vector<1x16xf32> to vector<16xf32>
      %swap3A_280 = vector.shape_cast %mul3A_275 : vector<16xf32> to vector<1x16xf32>
      tpu.vector_store %arg13[%swap3A_276, %swap3A_277], %swap3A_280 {strides = array<i32>} : memref<64x128xf32, #tpu.memory_space<vmem>>, vector<1x16xf32>,
      %get3A_281 = arith.index_cast %scan3A_246 : i32 to index
      %get3A_282 = arith.constant 48 : index
      %get3A_283 = tpu.vector_load %arg9[%get3A_281, %get3A_282] {strides = array<i32>} : memref<64x128xf32, #tpu.memory_space<vmem>>, vector<1x16xf32>,
      %get3A_284 = vector.shape_cast %get3A_283 : vector<1x16xf32> to vector<16xf32>
      %mul3A_285 = arith.constant 11.3137083 : f32
      %mul3A_286 = vector.broadcast %mul3A_285 : f32 to vector<16xf32>
      %mul3A_287 = arith.mulf %get3A_284, %mul3A_286 : vector<16xf32>
      %swap3A_288 = arith.index_cast %scan3A_246 : i32 to index
      %swap3A_289 = arith.constant 48 : index
      %swap3A_290 = tpu.vector_load %arg13[%swap3A_288, %swap3A_289] {strides = array<i32>} : memref<64x128xf32, #tpu.memory_space<vmem>>, vector<1x16xf32>,
      %swap3A_291 = vector.shape_cast %swap3A_290 : vector<1x16xf32> to vector<16xf32>
      %swap3A_292 = vector.shape_cast %mul3A_287 : vector<16xf32> to vector<1x16xf32>
      tpu.vector_store %arg13[%swap3A_288, %swap3A_289], %swap3A_292 {strides = array<i32>} : memref<64x128xf32, #tpu.memory_space<vmem>>, vector<1x16xf32>,
      %get3A_293 = arith.index_cast %scan3A_246 : i32 to index
      %get3A_294 = arith.constant 64 : index
      %get3A_295 = tpu.vector_load %arg9[%get3A_293, %get3A_294] {strides = array<i32>} : memref<64x128xf32, #tpu.memory_space<vmem>>, vector<1x16xf32>,
      %get3A_296 = vector.shape_cast %get3A_295 : vector<1x16xf32> to vector<16xf32>
      %mul3A_297 = arith.constant 11.3137083 : f32
      %mul3A_298 = vector.broadcast %mul3A_297 : f32 to vector<16xf32>
      %mul3A_299 = arith.mulf %get3A_296, %mul3A_298 : vector<16xf32>
      %swap3A_300 = arith.index_cast %scan3A_246 : i32 to index
      %swap3A_301 = arith.constant 64 : index
      %swap3A_302 = tpu.vector_load %arg13[%swap3A_300, %swap3A_301] {strides = array<i32>} : memref<64x128xf32, #tpu.memory_space<vmem>>, vector<1x16xf32>,
      %swap3A_303 = vector.shape_cast %swap3A_302 : vector<1x16xf32> to vector<16xf32>
      %swap3A_304 = vector.shape_cast %mul3A_299 : vector<16xf32> to vector<1x16xf32>
      tpu.vector_store %arg13[%swap3A_300, %swap3A_301], %swap3A_304 {strides = array<i32>} : memref<64x128xf32, #tpu.memory_space<vmem>>, vector<1x16xf32>,
      %get3A_305 = arith.index_cast %scan3A_246 : i32 to index
      %get3A_306 = arith.constant 80 : index
      %get3A_307 = tpu.vector_load %arg9[%get3A_305, %get3A_306] {strides = array<i32>} : memref<64x128xf32, #tpu.memory_space<vmem>>, vector<1x16xf32>,
      %get3A_308 = vector.shape_cast %get3A_307 : vector<1x16xf32> to vector<16xf32>
      %mul3A_309 = arith.constant 11.3137083 : f32
      %mul3A_310 = vector.broadcast %mul3A_309 : f32 to vector<16xf32>
      %mul3A_311 = arith.mulf %get3A_308, %mul3A_310 : vector<16xf32>
      %swap3A_312 = arith.index_cast %scan3A_246 : i32 to index
      %swap3A_313 = arith.constant 80 : index
      %swap3A_314 = tpu.vector_load %arg13[%swap3A_312, %swap3A_313] {strides = array<i32>} : memref<64x128xf32, #tpu.memory_space<vmem>>, vector<1x16xf32>,
      %swap3A_315 = vector.shape_cast %swap3A_314 : vector<1x16xf32> to vector<16xf32>
      %swap3A_316 = vector.shape_cast %mul3A_311 : vector<16xf32> to vector<1x16xf32>
      tpu.vector_store %arg13[%swap3A_312, %swap3A_313], %swap3A_316 {strides = array<i32>} : memref<64x128xf32, #tpu.memory_space<vmem>>, vector<1x16xf32>,
      %get3A_317 = arith.index_cast %scan3A_246 : i32 to index
      %get3A_318 = arith.constant 96 : index
      %get3A_319 = tpu.vector_load %arg9[%get3A_317, %get3A_318] {strides = array<i32>} : memref<64x128xf32, #tpu.memory_space<vmem>>, vector<1x16xf32>,
      %get3A_320 = vector.shape_cast %get3A_319 : vector<1x16xf32> to vector<16xf32>
      %mul3A_321 = arith.constant 11.3137083 : f32
      %mul3A_322 = vector.broadcast %mul3A_321 : f32 to vector<16xf32>
      %mul3A_323 = arith.mulf %get3A_320, %mul3A_322 : vector<16xf32>
      %swap3A_324 = arith.index_cast %scan3A_246 : i32 to index
      %swap3A_325 = arith.constant 96 : index
      %swap3A_326 = tpu.vector_load %arg13[%swap3A_324, %swap3A_325] {strides = array<i32>} : memref<64x128xf32, #tpu.memory_space<vmem>>, vector<1x16xf32>,
      %swap3A_327 = vector.shape_cast %swap3A_326 : vector<1x16xf32> to vector<16xf32>
      %swap3A_328 = vector.shape_cast %mul3A_323 : vector<16xf32> to vector<1x16xf32>
      tpu.vector_store %arg13[%swap3A_324, %swap3A_325], %swap3A_328 {strides = array<i32>} : memref<64x128xf32, #tpu.memory_space<vmem>>, vector<1x16xf32>,
      %get3A_329 = arith.index_cast %scan3A_246 : i32 to index
      %get3A_330 = arith.constant 112 : index
      %get3A_331 = tpu.vector_load %arg9[%get3A_329, %get3A_330] {strides = array<i32>} : memref<64x128xf32, #tpu.memory_space<vmem>>, vector<1x16xf32>,
      %get3A_332 = vector.shape_cast %get3A_331 : vector<1x16xf32> to vector<16xf32>
      %mul3A_333 = arith.constant 11.3137083 : f32
      %mul3A_334 = vector.broadcast %mul3A_333 : f32 to vector<16xf32>
      %mul3A_335 = arith.mulf %get3A_332, %mul3A_334 : vector<16xf32>
      %swap3A_336 = arith.index_cast %scan3A_246 : i32 to index
      %swap3A_337 = arith.constant 112 : index
      %swap3A_338 = tpu.vector_load %arg13[%swap3A_336, %swap3A_337] {strides = array<i32>} : memref<64x128xf32, #tpu.memory_space<vmem>>, vector<1x16xf32>,
      %swap3A_339 = vector.shape_cast %swap3A_338 : vector<1x16xf32> to vector<16xf32>
      %swap3A_340 = vector.shape_cast %mul3A_335 : vector<16xf32> to vector<1x16xf32>
      tpu.vector_store %arg13[%swap3A_336, %swap3A_337], %swap3A_340 {strides = array<i32>} : memref<64x128xf32, #tpu.memory_space<vmem>>, vector<1x16xf32>,
    }
    %scan3A_118 = arith.constant 64 : i32
    %dma_start3A_119 = arith.constant 7 : i32
    %dma_start3A_120 = arith.constant 0 : i32
    %dma_start3A_121 = tpu.memref_slice %arg5[%dma_start3A_119, %dma_start3A_120] : memref<100x64xi32, #tpu.memory_space<vmem>> -> memref<1x64xi32, #tpu.memory_space<vmem>>
    %dma_start3A_122 = tpu.memref_squeeze %dma_start3A_121 : memref<1x64xi32, #tpu.memory_space<vmem>> -> memref<64xi32, #tpu.memory_space<vmem>>
    %dma_start3A_123 = arith.constant 0 : i32
    %dma_start3A_124 = arith.constant 0 : i32
    %dma_start3A_125 = tpu.memref_slice %arg3[%dma_start3A_123, %dma_start3A_124] : memref<100000x128xf32, #tpu.memory_space<hbm>> -> memref<100000x128xf32, #tpu.memory_space<hbm>>
    tpu.enqueue_indirect_dma source(%dma_start3A_125 : memref<100000x128xf32, #tpu.memory_space<hbm>>) target(%arg9 : memref<64x128xf32, #tpu.memory_space<vmem>>) offsets(%dma_start3A_122 : memref<64xi32, #tpu.memory_space<vmem>>) semaphore(%arg17 : memref<!tpu.dma_semaphore, #tpu.memory_space<semaphore_mem>>)
    %add3A_126 = arith.constant 192 : i32
    %add3A_127 = arith.addi %mul3A_2, %add3A_126 : i32
    %dma_start3A_128 = arith.constant 0 : i32
    %dma_start3A_129 = tpu.memref_slice %arg4[%add3A_127, %dma_start3A_128] : memref<204800x128xf32, #tpu.memory_space<hbm>> -> memref<64x128xf32, #tpu.memory_space<hbm>>
    %dma_start3A_130 = arith.constant 0 : i32
    %dma_start3A_131 = tpu.memref_slice %arg4[%add3A_127, %dma_start3A_130] : memref<204800x128xf32, #tpu.memory_space<hbm>> -> memref<64x128xf32, #tpu.memory_space<hbm>>
    tpu.enqueue_dma source(%arg13 : memref<64x128xf32, #tpu.memory_space<vmem>>) target(%dma_start3A_131 : memref<64x128xf32, #tpu.memory_space<hbm>>) target_semaphore(%arg21 : memref<!tpu.dma_semaphore, #tpu.memory_space<semaphore_mem>>)
    %scan3A_132 = arith.constant 0 : i32
    %scan3A_133 = arith.constant 1 : i32
    %scan3A_134 = arith.constant 23 : i32
    %scan3A_135 = arith.addi %scan3A_133, %scan3A_134 : i32
    %scan3A_136 = arith.constant 1 : i32
    scf.for %scan3A_246 = %scan3A_133 to %scan3A_135 step %scan3A_136  : i32 {
      %mul3A_247 = arith.constant 4 : i32
      %mul3A_248 = arith.muli %scan3A_246, %mul3A_247 : i32
      %add3A_249 = arith.constant 0 : i32
      %add3A_250 = arith.addi %mul3A_248, %add3A_249 : i32
      %dma_wait3A_251 = arith.constant 0 : i32
      %dma_wait3A_252 = arith.constant 0 : i32
      %dma_wait3A_253 = tpu.memref_slice %arg5[%dma_wait3A_251, %dma_wait3A_252] : memref<100x64xi32, #tpu.memory_space<vmem>> -> memref<1x64xi32, #tpu.memory_space<vmem>>
      %dma_wait3A_254 = tpu.memref_squeeze %dma_wait3A_253 : memref<1x64xi32, #tpu.memory_space<vmem>> -> memref<64xi32, #tpu.memory_space<vmem>>
      %dma_wait3A_255 = arith.constant 0 : i32
      %dma_wait3A_256 = arith.constant 0 : i32
      %dma_wait3A_257 = tpu.memref_slice %arg3[%dma_wait3A_255, %dma_wait3A_256] : memref<100000x128xf32, #tpu.memory_space<hbm>> -> memref<100000x128xf32, #tpu.memory_space<hbm>>
      tpu.wait_indirect_dma semaphore(%arg14 : memref<!tpu.dma_semaphore, #tpu.memory_space<semaphore_mem>>) src(%dma_wait3A_257 : memref<100000x128xf32, #tpu.memory_space<hbm>>) dst(%arg6 : memref<64x128xf32, #tpu.memory_space<vmem>>)
      %dma_wait3A_258 = arith.constant 0 : i32
      %dma_wait3A_259 = tpu.memref_slice %arg4[%mul3A_2, %dma_wait3A_258] : memref<204800x128xf32, #tpu.memory_space<hbm>> -> memref<64x128xf32, #tpu.memory_space<hbm>>
      %dma_wait3A_260 = arith.constant 0 : i32
      %dma_wait3A_261 = tpu.memref_slice %arg4[%mul3A_2, %dma_wait3A_260] : memref<204800x128xf32, #tpu.memory_space<hbm>> -> memref<64x128xf32, #tpu.memory_space<hbm>>
      tpu.wait_dma2 semaphore(%arg18 : memref<!tpu.dma_semaphore, #tpu.memory_space<semaphore_mem>>) src(%arg10 : memref<64x128xf32, #tpu.memory_space<vmem>>) dst(%dma_wait3A_261 : memref<64x128xf32, #tpu.memory_space<hbm>>)
      %scan3A_262 = arith.constant 0 : i32
      %scan3A_263 = arith.constant 0 : i32
      %scan3A_264 = arith.constant 64 : i32
      %scan3A_265 = arith.addi %scan3A_263, %scan3A_264 : i32
      %scan3A_266 = arith.constant 1 : i32
      scf.for %scan3A_391 = %scan3A_263 to %scan3A_265 step %scan3A_266  : i32 {
        %get3A = arith.index_cast %scan3A_391 : i32 to index
        %get3A_392 = arith.constant 0 : index
        %get3A_393 = tpu.vector_load %arg6[%get3A, %get3A_392] {strides = array<i32>} : memref<64x128xf32, #tpu.memory_space<vmem>>, vector<1x16xf32>,
        %get3A_394 = vector.shape_cast %get3A_393 : vector<1x16xf32> to vector<16xf32>
        %mul3A_395 = arith.constant 11.3137083 : f32
        %mul3A_396 = vector.broadcast %mul3A_395 : f32 to vector<16xf32>
        %mul3A_397 = arith.mulf %get3A_394, %mul3A_396 : vector<16xf32>
        %swap3A = arith.index_cast %scan3A_391 : i32 to index
        %swap3A_398 = arith.constant 0 : index
        %swap3A_399 = tpu.vector_load %arg10[%swap3A, %swap3A_398] {strides = array<i32>} : memref<64x128xf32, #tpu.memory_space<vmem>>, vector<1x16xf32>,
        %swap3A_400 = vector.shape_cast %swap3A_399 : vector<1x16xf32> to vector<16xf32>
        %swap3A_401 = vector.shape_cast %mul3A_397 : vector<16xf32> to vector<1x16xf32>
        tpu.vector_store %arg10[%swap3A, %swap3A_398], %swap3A_401 {strides = array<i32>} : memref<64x128xf32, #tpu.memory_space<vmem>>, vector<1x16xf32>,
        %get3A_402 = arith.index_cast %scan3A_391 : i32 to index
        %get3A_403 = arith.constant 16 : index
        %get3A_404 = tpu.vector_load %arg6[%get3A_402, %get3A_403] {strides = array<i32>} : memref<64x128xf32, #tpu.memory_space<vmem>>, vector<1x16xf32>,
        %get3A_405 = vector.shape_cast %get3A_404 : vector<1x16xf32> to vector<16xf32>
        %mul3A_406 = arith.constant 11.3137083 : f32
        %mul3A_407 = vector.broadcast %mul3A_406 : f32 to vector<16xf32>
        %mul3A_408 = arith.mulf %get3A_405, %mul3A_407 : vector<16xf32>
        %swap3A_409 = arith.index_cast %scan3A_391 : i32 to index
        %swap3A_410 = arith.constant 16 : index
        %swap3A_411 = tpu.vector_load %arg10[%swap3A_409, %swap3A_410] {strides = array<i32>} : memref<64x128xf32, #tpu.memory_space<vmem>>, vector<1x16xf32>,
        %swap3A_412 = vector.shape_cast %swap3A_411 : vector<1x16xf32> to vector<16xf32>
        %swap3A_413 = vector.shape_cast %mul3A_408 : vector<16xf32> to vector<1x16xf32>
        tpu.vector_store %arg10[%swap3A_409, %swap3A_410], %swap3A_413 {strides = array<i32>} : memref<64x128xf32, #tpu.memory_space<vmem>>, vector<1x16xf32>,
        %get3A_414 = arith.index_cast %scan3A_391 : i32 to index
        %get3A_415 = arith.constant 32 : index
        %get3A_416 = tpu.vector_load %arg6[%get3A_414, %get3A_415] {strides = array<i32>} : memref<64x128xf32, #tpu.memory_space<vmem>>, vector<1x16xf32>,
        %get3A_417 = vector.shape_cast %get3A_416 : vector<1x16xf32> to vector<16xf32>
        %mul3A_418 = arith.constant 11.3137083 : f32
        %mul3A_419 = vector.broadcast %mul3A_418 : f32 to vector<16xf32>
        %mul3A_420 = arith.mulf %get3A_417, %mul3A_419 : vector<16xf32>
        %swap3A_421 = arith.index_cast %scan3A_391 : i32 to index
        %swap3A_422 = arith.constant 32 : index
        %swap3A_423 = tpu.vector_load %arg10[%swap3A_421, %swap3A_422] {strides = array<i32>} : memref<64x128xf32, #tpu.memory_space<vmem>>, vector<1x16xf32>,
        %swap3A_424 = vector.shape_cast %swap3A_423 : vector<1x16xf32> to vector<16xf32>
        %swap3A_425 = vector.shape_cast %mul3A_420 : vector<16xf32> to vector<1x16xf32>
        tpu.vector_store %arg10[%swap3A_421, %swap3A_422], %swap3A_425 {strides = array<i32>} : memref<64x128xf32, #tpu.memory_space<vmem>>, vector<1x16xf32>,
        %get3A_426 = arith.index_cast %scan3A_391 : i32 to index
        %get3A_427 = arith.constant 48 : index
        %get3A_428 = tpu.vector_load %arg6[%get3A_426, %get3A_427] {strides = array<i32>} : memref<64x128xf32, #tpu.memory_space<vmem>>, vector<1x16xf32>,
        %get3A_429 = vector.shape_cast %get3A_428 : vector<1x16xf32> to vector<16xf32>
        %mul3A_430 = arith.constant 11.3137083 : f32
        %mul3A_431 = vector.broadcast %mul3A_430 : f32 to vector<16xf32>
        %mul3A_432 = arith.mulf %get3A_429, %mul3A_431 : vector<16xf32>
        %swap3A_433 = arith.index_cast %scan3A_391 : i32 to index
        %swap3A_434 = arith.constant 48 : index
        %swap3A_435 = tpu.vector_load %arg10[%swap3A_433, %swap3A_434] {strides = array<i32>} : memref<64x128xf32, #tpu.memory_space<vmem>>, vector<1x16xf32>,
        %swap3A_436 = vector.shape_cast %swap3A_435 : vector<1x16xf32> to vector<16xf32>
        %swap3A_437 = vector.shape_cast %mul3A_432 : vector<16xf32> to vector<1x16xf32>
        tpu.vector_store %arg10[%swap3A_433, %swap3A_434], %swap3A_437 {strides = array<i32>} : memref<64x128xf32, #tpu.memory_space<vmem>>, vector<1x16xf32>,
        %get3A_438 = arith.index_cast %scan3A_391 : i32 to index
        %get3A_439 = arith.constant 64 : index
        %get3A_440 = tpu.vector_load %arg6[%get3A_438, %get3A_439] {strides = array<i32>} : memref<64x128xf32, #tpu.memory_space<vmem>>, vector<1x16xf32>,
        %get3A_441 = vector.shape_cast %get3A_440 : vector<1x16xf32> to vector<16xf32>
        %mul3A_442 = arith.constant 11.3137083 : f32
        %mul3A_443 = vector.broadcast %mul3A_442 : f32 to vector<16xf32>
        %mul3A_444 = arith.mulf %get3A_441, %mul3A_443 : vector<16xf32>
        %swap3A_445 = arith.index_cast %scan3A_391 : i32 to index
        %swap3A_446 = arith.constant 64 : index
        %swap3A_447 = tpu.vector_load %arg10[%swap3A_445, %swap3A_446] {strides = array<i32>} : memref<64x128xf32, #tpu.memory_space<vmem>>, vector<1x16xf32>,
        %swap3A_448 = vector.shape_cast %swap3A_447 : vector<1x16xf32> to vector<16xf32>
        %swap3A_449 = vector.shape_cast %mul3A_444 : vector<16xf32> to vector<1x16xf32>
        tpu.vector_store %arg10[%swap3A_445, %swap3A_446], %swap3A_449 {strides = array<i32>} : memref<64x128xf32, #tpu.memory_space<vmem>>, vector<1x16xf32>,
        %get3A_450 = arith.index_cast %scan3A_391 : i32 to index
        %get3A_451 = arith.constant 80 : index
        %get3A_452 = tpu.vector_load %arg6[%get3A_450, %get3A_451] {strides = array<i32>} : memref<64x128xf32, #tpu.memory_space<vmem>>, vector<1x16xf32>,
        %get3A_453 = vector.shape_cast %get3A_452 : vector<1x16xf32> to vector<16xf32>
        %mul3A_454 = arith.constant 11.3137083 : f32
        %mul3A_455 = vector.broadcast %mul3A_454 : f32 to vector<16xf32>
        %mul3A_456 = arith.mulf %get3A_453, %mul3A_455 : vector<16xf32>
        %swap3A_457 = arith.index_cast %scan3A_391 : i32 to index
        %swap3A_458 = arith.constant 80 : index
        %swap3A_459 = tpu.vector_load %arg10[%swap3A_457, %swap3A_458] {strides = array<i32>} : memref<64x128xf32, #tpu.memory_space<vmem>>, vector<1x16xf32>,
        %swap3A_460 = vector.shape_cast %swap3A_459 : vector<1x16xf32> to vector<16xf32>
        %swap3A_461 = vector.shape_cast %mul3A_456 : vector<16xf32> to vector<1x16xf32>
        tpu.vector_store %arg10[%swap3A_457, %swap3A_458], %swap3A_461 {strides = array<i32>} : memref<64x128xf32, #tpu.memory_space<vmem>>, vector<1x16xf32>,
        %get3A_462 = arith.index_cast %scan3A_391 : i32 to index
        %get3A_463 = arith.constant 96 : index
        %get3A_464 = tpu.vector_load %arg6[%get3A_462, %get3A_463] {strides = array<i32>} : memref<64x128xf32, #tpu.memory_space<vmem>>, vector<1x16xf32>,
        %get3A_465 = vector.shape_cast %get3A_464 : vector<1x16xf32> to vector<16xf32>
        %mul3A_466 = arith.constant 11.3137083 : f32
        %mul3A_467 = vector.broadcast %mul3A_466 : f32 to vector<16xf32>
        %mul3A_468 = arith.mulf %get3A_465, %mul3A_467 : vector<16xf32>
        %swap3A_469 = arith.index_cast %scan3A_391 : i32 to index
        %swap3A_470 = arith.constant 96 : index
        %swap3A_471 = tpu.vector_load %arg10[%swap3A_469, %swap3A_470] {strides = array<i32>} : memref<64x128xf32, #tpu.memory_space<vmem>>, vector<1x16xf32>,
        %swap3A_472 = vector.shape_cast %swap3A_471 : vector<1x16xf32> to vector<16xf32>
        %swap3A_473 = vector.shape_cast %mul3A_468 : vector<16xf32> to vector<1x16xf32>
        tpu.vector_store %arg10[%swap3A_469, %swap3A_470], %swap3A_473 {strides = array<i32>} : memref<64x128xf32, #tpu.memory_space<vmem>>, vector<1x16xf32>,
        %get3A_474 = arith.index_cast %scan3A_391 : i32 to index
        %get3A_475 = arith.constant 112 : index
        %get3A_476 = tpu.vector_load %arg6[%get3A_474, %get3A_475] {strides = array<i32>} : memref<64x128xf32, #tpu.memory_space<vmem>>, vector<1x16xf32>,
        %get3A_477 = vector.shape_cast %get3A_476 : vector<1x16xf32> to vector<16xf32>
        %mul3A_478 = arith.constant 11.3137083 : f32
        %mul3A_479 = vector.broadcast %mul3A_478 : f32 to vector<16xf32>
        %mul3A_480 = arith.mulf %get3A_477, %mul3A_479 : vector<16xf32>
        %swap3A_481 = arith.index_cast %scan3A_391 : i32 to index
        %swap3A_482 = arith.constant 112 : index
        %swap3A_483 = tpu.vector_load %arg10[%swap3A_481, %swap3A_482] {strides = array<i32>} : memref<64x128xf32, #tpu.memory_space<vmem>>, vector<1x16xf32>,
        %swap3A_484 = vector.shape_cast %swap3A_483 : vector<1x16xf32> to vector<16xf32>
        %swap3A_485 = vector.shape_cast %mul3A_480 : vector<16xf32> to vector<1x16xf32>
        tpu.vector_store %arg10[%swap3A_481, %swap3A_482], %swap3A_485 {strides = array<i32>} : memref<64x128xf32, #tpu.memory_space<vmem>>, vector<1x16xf32>,
      }
      %scan3A_267 = arith.constant 64 : i32
      %add3A_268 = arith.constant 4 : i32
      %add3A_269 = arith.addi %add3A_250, %add3A_268 : i32
      %dma_start3A_270 = arith.constant 0 : i32
      %dma_start3A_271 = tpu.memref_slice %arg5[%add3A_269, %dma_start3A_270] : memref<100x64xi32, #tpu.memory_space<vmem>> -> memref<1x64xi32, #tpu.memory_space<vmem>>
      %dma_start3A_272 = tpu.memref_squeeze %dma_start3A_271 : memref<1x64xi32, #tpu.memory_space<vmem>> -> memref<64xi32, #tpu.memory_space<vmem>>
      %dma_start3A_273 = arith.constant 0 : i32
      %dma_start3A_274 = arith.constant 0 : i32
      %dma_start3A_275 = tpu.memref_slice %arg3[%dma_start3A_273, %dma_start3A_274] : memref<100000x128xf32, #tpu.memory_space<hbm>> -> memref<100000x128xf32, #tpu.memory_space<hbm>>
      tpu.enqueue_indirect_dma source(%dma_start3A_275 : memref<100000x128xf32, #tpu.memory_space<hbm>>) target(%arg6 : memref<64x128xf32, #tpu.memory_space<vmem>>) offsets(%dma_start3A_272 : memref<64xi32, #tpu.memory_space<vmem>>) semaphore(%arg14 : memref<!tpu.dma_semaphore, #tpu.memory_space<semaphore_mem>>)
      %mul3A_276 = arith.constant 64 : i32
      %mul3A_277 = arith.muli %add3A_250, %mul3A_276 : i32
      %add3A_278 = arith.addi %mul3A_2, %mul3A_277 : i32
      %dma_start3A_279 = arith.constant 0 : i32
      %dma_start3A_280 = tpu.memref_slice %arg4[%add3A_278, %dma_start3A_279] : memref<204800x128xf32, #tpu.memory_space<hbm>> -> memref<64x128xf32, #tpu.memory_space<hbm>>
      %dma_start3A_281 = arith.constant 0 : i32
      %dma_start3A_282 = tpu.memref_slice %arg4[%add3A_278, %dma_start3A_281] : memref<204800x128xf32, #tpu.memory_space<hbm>> -> memref<64x128xf32, #tpu.memory_space<hbm>>
      tpu.enqueue_dma source(%arg10 : memref<64x128xf32, #tpu.memory_space<vmem>>) target(%dma_start3A_282 : memref<64x128xf32, #tpu.memory_space<hbm>>) target_semaphore(%arg18 : memref<!tpu.dma_semaphore, #tpu.memory_space<semaphore_mem>>)
      %mul3A_283 = arith.constant 4 : i32
      %mul3A_284 = arith.muli %scan3A_246, %mul3A_283 : i32
      %add3A_285 = arith.constant 1 : i32
      %add3A_286 = arith.addi %mul3A_284, %add3A_285 : i32
      %dma_wait3A_287 = arith.constant 0 : i32
      %dma_wait3A_288 = arith.constant 0 : i32
      %dma_wait3A_289 = tpu.memref_slice %arg5[%dma_wait3A_287, %dma_wait3A_288] : memref<100x64xi32, #tpu.memory_space<vmem>> -> memref<1x64xi32, #tpu.memory_space<vmem>>
      %dma_wait3A_290 = tpu.memref_squeeze %dma_wait3A_289 : memref<1x64xi32, #tpu.memory_space<vmem>> -> memref<64xi32, #tpu.memory_space<vmem>>
      %dma_wait3A_291 = arith.constant 0 : i32
      %dma_wait3A_292 = arith.constant 0 : i32
      %dma_wait3A_293 = tpu.memref_slice %arg3[%dma_wait3A_291, %dma_wait3A_292] : memref<100000x128xf32, #tpu.memory_space<hbm>> -> memref<100000x128xf32, #tpu.memory_space<hbm>>
      tpu.wait_indirect_dma semaphore(%arg15 : memref<!tpu.dma_semaphore, #tpu.memory_space<semaphore_mem>>) src(%dma_wait3A_293 : memref<100000x128xf32, #tpu.memory_space<hbm>>) dst(%arg7 : memref<64x128xf32, #tpu.memory_space<vmem>>)
      %dma_wait3A_294 = arith.constant 0 : i32
      %dma_wait3A_295 = tpu.memref_slice %arg4[%mul3A_2, %dma_wait3A_294] : memref<204800x128xf32, #tpu.memory_space<hbm>> -> memref<64x128xf32, #tpu.memory_space<hbm>>
      %dma_wait3A_296 = arith.constant 0 : i32
      %dma_wait3A_297 = tpu.memref_slice %arg4[%mul3A_2, %dma_wait3A_296] : memref<204800x128xf32, #tpu.memory_space<hbm>> -> memref<64x128xf32, #tpu.memory_space<hbm>>
      tpu.wait_dma2 semaphore(%arg19 : memref<!tpu.dma_semaphore, #tpu.memory_space<semaphore_mem>>) src(%arg11 : memref<64x128xf32, #tpu.memory_space<vmem>>) dst(%dma_wait3A_297 : memref<64x128xf32, #tpu.memory_space<hbm>>)
      %scan3A_298 = arith.constant 0 : i32
      %scan3A_299 = arith.constant 0 : i32
      %scan3A_300 = arith.constant 64 : i32
      %scan3A_301 = arith.addi %scan3A_299, %scan3A_300 : i32
      %scan3A_302 = arith.constant 1 : i32
      scf.for %scan3A_391 = %scan3A_299 to %scan3A_301 step %scan3A_302  : i32 {
        %get3A = arith.index_cast %scan3A_391 : i32 to index
        %get3A_392 = arith.constant 0 : index
        %get3A_393 = tpu.vector_load %arg7[%get3A, %get3A_392] {strides = array<i32>} : memref<64x128xf32, #tpu.memory_space<vmem>>, vector<1x16xf32>,
        %get3A_394 = vector.shape_cast %get3A_393 : vector<1x16xf32> to vector<16xf32>
        %mul3A_395 = arith.constant 11.3137083 : f32
        %mul3A_396 = vector.broadcast %mul3A_395 : f32 to vector<16xf32>
        %mul3A_397 = arith.mulf %get3A_394, %mul3A_396 : vector<16xf32>
        %swap3A = arith.index_cast %scan3A_391 : i32 to index
        %swap3A_398 = arith.constant 0 : index
        %swap3A_399 = tpu.vector_load %arg11[%swap3A, %swap3A_398] {strides = array<i32>} : memref<64x128xf32, #tpu.memory_space<vmem>>, vector<1x16xf32>,
        %swap3A_400 = vector.shape_cast %swap3A_399 : vector<1x16xf32> to vector<16xf32>
        %swap3A_401 = vector.shape_cast %mul3A_397 : vector<16xf32> to vector<1x16xf32>
        tpu.vector_store %arg11[%swap3A, %swap3A_398], %swap3A_401 {strides = array<i32>} : memref<64x128xf32, #tpu.memory_space<vmem>>, vector<1x16xf32>,
        %get3A_402 = arith.index_cast %scan3A_391 : i32 to index
        %get3A_403 = arith.constant 16 : index
        %get3A_404 = tpu.vector_load %arg7[%get3A_402, %get3A_403] {strides = array<i32>} : memref<64x128xf32, #tpu.memory_space<vmem>>, vector<1x16xf32>,
        %get3A_405 = vector.shape_cast %get3A_404 : vector<1x16xf32> to vector<16xf32>
        %mul3A_406 = arith.constant 11.3137083 : f32
        %mul3A_407 = vector.broadcast %mul3A_406 : f32 to vector<16xf32>
        %mul3A_408 = arith.mulf %get3A_405, %mul3A_407 : vector<16xf32>
        %swap3A_409 = arith.index_cast %scan3A_391 : i32 to index
        %swap3A_410 = arith.constant 16 : index
        %swap3A_411 = tpu.vector_load %arg11[%swap3A_409, %swap3A_410] {strides = array<i32>} : memref<64x128xf32, #tpu.memory_space<vmem>>, vector<1x16xf32>,
        %swap3A_412 = vector.shape_cast %swap3A_411 : vector<1x16xf32> to vector<16xf32>
        %swap3A_413 = vector.shape_cast %mul3A_408 : vector<16xf32> to vector<1x16xf32>
        tpu.vector_store %arg11[%swap3A_409, %swap3A_410], %swap3A_413 {strides = array<i32>} : memref<64x128xf32, #tpu.memory_space<vmem>>, vector<1x16xf32>,
        %get3A_414 = arith.index_cast %scan3A_391 : i32 to index
        %get3A_415 = arith.constant 32 : index
        %get3A_416 = tpu.vector_load %arg7[%get3A_414, %get3A_415] {strides = array<i32>} : memref<64x128xf32, #tpu.memory_space<vmem>>, vector<1x16xf32>,
        %get3A_417 = vector.shape_cast %get3A_416 : vector<1x16xf32> to vector<16xf32>
        %mul3A_418 = arith.constant 11.3137083 : f32
        %mul3A_419 = vector.broadcast %mul3A_418 : f32 to vector<16xf32>
        %mul3A_420 = arith.mulf %get3A_417, %mul3A_419 : vector<16xf32>
        %swap3A_421 = arith.index_cast %scan3A_391 : i32 to index
        %swap3A_422 = arith.constant 32 : index
        %swap3A_423 = tpu.vector_load %arg11[%swap3A_421, %swap3A_422] {strides = array<i32>} : memref<64x128xf32, #tpu.memory_space<vmem>>, vector<1x16xf32>,
        %swap3A_424 = vector.shape_cast %swap3A_423 : vector<1x16xf32> to vector<16xf32>
        %swap3A_425 = vector.shape_cast %mul3A_420 : vector<16xf32> to vector<1x16xf32>
        tpu.vector_store %arg11[%swap3A_421, %swap3A_422], %swap3A_425 {strides = array<i32>} : memref<64x128xf32, #tpu.memory_space<vmem>>, vector<1x16xf32>,
        %get3A_426 = arith.index_cast %scan3A_391 : i32 to index
        %get3A_427 = arith.constant 48 : index
        %get3A_428 = tpu.vector_load %arg7[%get3A_426, %get3A_427] {strides = array<i32>} : memref<64x128xf32, #tpu.memory_space<vmem>>, vector<1x16xf32>,
        %get3A_429 = vector.shape_cast %get3A_428 : vector<1x16xf32> to vector<16xf32>
        %mul3A_430 = arith.constant 11.3137083 : f32
        %mul3A_431 = vector.broadcast %mul3A_430 : f32 to vector<16xf32>
        %mul3A_432 = arith.mulf %get3A_429, %mul3A_431 : vector<16xf32>
        %swap3A_433 = arith.index_cast %scan3A_391 : i32 to index
        %swap3A_434 = arith.constant 48 : index
        %swap3A_435 = tpu.vector_load %arg11[%swap3A_433, %swap3A_434] {strides = array<i32>} : memref<64x128xf32, #tpu.memory_space<vmem>>, vector<1x16xf32>,
        %swap3A_436 = vector.shape_cast %swap3A_435 : vector<1x16xf32> to vector<16xf32>
        %swap3A_437 = vector.shape_cast %mul3A_432 : vector<16xf32> to vector<1x16xf32>
        tpu.vector_store %arg11[%swap3A_433, %swap3A_434], %swap3A_437 {strides = array<i32>} : memref<64x128xf32, #tpu.memory_space<vmem>>, vector<1x16xf32>,
        %get3A_438 = arith.index_cast %scan3A_391 : i32 to index
        %get3A_439 = arith.constant 64 : index
        %get3A_440 = tpu.vector_load %arg7[%get3A_438, %get3A_439] {strides = array<i32>} : memref<64x128xf32, #tpu.memory_space<vmem>>, vector<1x16xf32>,
        %get3A_441 = vector.shape_cast %get3A_440 : vector<1x16xf32> to vector<16xf32>
        %mul3A_442 = arith.constant 11.3137083 : f32
        %mul3A_443 = vector.broadcast %mul3A_442 : f32 to vector<16xf32>
        %mul3A_444 = arith.mulf %get3A_441, %mul3A_443 : vector<16xf32>
        %swap3A_445 = arith.index_cast %scan3A_391 : i32 to index
        %swap3A_446 = arith.constant 64 : index
        %swap3A_447 = tpu.vector_load %arg11[%swap3A_445, %swap3A_446] {strides = array<i32>} : memref<64x128xf32, #tpu.memory_space<vmem>>, vector<1x16xf32>,
        %swap3A_448 = vector.shape_cast %swap3A_447 : vector<1x16xf32> to vector<16xf32>
        %swap3A_449 = vector.shape_cast %mul3A_444 : vector<16xf32> to vector<1x16xf32>
        tpu.vector_store %arg11[%swap3A_445, %swap3A_446], %swap3A_449 {strides = array<i32>} : memref<64x128xf32, #tpu.memory_space<vmem>>, vector<1x16xf32>,
        %get3A_450 = arith.index_cast %scan3A_391 : i32 to index
        %get3A_451 = arith.constant 80 : index
        %get3A_452 = tpu.vector_load %arg7[%get3A_450, %get3A_451] {strides = array<i32>} : memref<64x128xf32, #tpu.memory_space<vmem>>, vector<1x16xf32>,
        %get3A_453 = vector.shape_cast %get3A_452 : vector<1x16xf32> to vector<16xf32>
        %mul3A_454 = arith.constant 11.3137083 : f32
        %mul3A_455 = vector.broadcast %mul3A_454 : f32 to vector<16xf32>
        %mul3A_456 = arith.mulf %get3A_453, %mul3A_455 : vector<16xf32>
        %swap3A_457 = arith.index_cast %scan3A_391 : i32 to index
        %swap3A_458 = arith.constant 80 : index
        %swap3A_459 = tpu.vector_load %arg11[%swap3A_457, %swap3A_458] {strides = array<i32>} : memref<64x128xf32, #tpu.memory_space<vmem>>, vector<1x16xf32>,
        %swap3A_460 = vector.shape_cast %swap3A_459 : vector<1x16xf32> to vector<16xf32>
        %swap3A_461 = vector.shape_cast %mul3A_456 : vector<16xf32> to vector<1x16xf32>
        tpu.vector_store %arg11[%swap3A_457, %swap3A_458], %swap3A_461 {strides = array<i32>} : memref<64x128xf32, #tpu.memory_space<vmem>>, vector<1x16xf32>,
        %get3A_462 = arith.index_cast %scan3A_391 : i32 to index
        %get3A_463 = arith.constant 96 : index
        %get3A_464 = tpu.vector_load %arg7[%get3A_462, %get3A_463] {strides = array<i32>} : memref<64x128xf32, #tpu.memory_space<vmem>>, vector<1x16xf32>,
        %get3A_465 = vector.shape_cast %get3A_464 : vector<1x16xf32> to vector<16xf32>
        %mul3A_466 = arith.constant 11.3137083 : f32
        %mul3A_467 = vector.broadcast %mul3A_466 : f32 to vector<16xf32>
        %mul3A_468 = arith.mulf %get3A_465, %mul3A_467 : vector<16xf32>
        %swap3A_469 = arith.index_cast %scan3A_391 : i32 to index
        %swap3A_470 = arith.constant 96 : index
        %swap3A_471 = tpu.vector_load %arg11[%swap3A_469, %swap3A_470] {strides = array<i32>} : memref<64x128xf32, #tpu.memory_space<vmem>>, vector<1x16xf32>,
        %swap3A_472 = vector.shape_cast %swap3A_471 : vector<1x16xf32> to vector<16xf32>
        %swap3A_473 = vector.shape_cast %mul3A_468 : vector<16xf32> to vector<1x16xf32>
        tpu.vector_store %arg11[%swap3A_469, %swap3A_470], %swap3A_473 {strides = array<i32>} : memref<64x128xf32, #tpu.memory_space<vmem>>, vector<1x16xf32>,
        %get3A_474 = arith.index_cast %scan3A_391 : i32 to index
        %get3A_475 = arith.constant 112 : index
        %get3A_476 = tpu.vector_load %arg7[%get3A_474, %get3A_475] {strides = array<i32>} : memref<64x128xf32, #tpu.memory_space<vmem>>, vector<1x16xf32>,
        %get3A_477 = vector.shape_cast %get3A_476 : vector<1x16xf32> to vector<16xf32>
        %mul3A_478 = arith.constant 11.3137083 : f32
        %mul3A_479 = vector.broadcast %mul3A_478 : f32 to vector<16xf32>
        %mul3A_480 = arith.mulf %get3A_477, %mul3A_479 : vector<16xf32>
        %swap3A_481 = arith.index_cast %scan3A_391 : i32 to index
        %swap3A_482 = arith.constant 112 : index
        %swap3A_483 = tpu.vector_load %arg11[%swap3A_481, %swap3A_482] {strides = array<i32>} : memref<64x128xf32, #tpu.memory_space<vmem>>, vector<1x16xf32>,
        %swap3A_484 = vector.shape_cast %swap3A_483 : vector<1x16xf32> to vector<16xf32>
        %swap3A_485 = vector.shape_cast %mul3A_480 : vector<16xf32> to vector<1x16xf32>
        tpu.vector_store %arg11[%swap3A_481, %swap3A_482], %swap3A_485 {strides = array<i32>} : memref<64x128xf32, #tpu.memory_space<vmem>>, vector<1x16xf32>,
      }
      %scan3A_303 = arith.constant 64 : i32
      %add3A_304 = arith.constant 4 : i32
      %add3A_305 = arith.addi %add3A_286, %add3A_304 : i32
      %dma_start3A_306 = arith.constant 0 : i32
      %dma_start3A_307 = tpu.memref_slice %arg5[%add3A_305, %dma_start3A_306] : memref<100x64xi32, #tpu.memory_space<vmem>> -> memref<1x64xi32, #tpu.memory_space<vmem>>
      %dma_start3A_308 = tpu.memref_squeeze %dma_start3A_307 : memref<1x64xi32, #tpu.memory_space<vmem>> -> memref<64xi32, #tpu.memory_space<vmem>>
      %dma_start3A_309 = arith.constant 0 : i32
      %dma_start3A_310 = arith.constant 0 : i32
      %dma_start3A_311 = tpu.memref_slice %arg3[%dma_start3A_309, %dma_start3A_310] : memref<100000x128xf32, #tpu.memory_space<hbm>> -> memref<100000x128xf32, #tpu.memory_space<hbm>>
      tpu.enqueue_indirect_dma source(%dma_start3A_311 : memref<100000x128xf32, #tpu.memory_space<hbm>>) target(%arg7 : memref<64x128xf32, #tpu.memory_space<vmem>>) offsets(%dma_start3A_308 : memref<64xi32, #tpu.memory_space<vmem>>) semaphore(%arg15 : memref<!tpu.dma_semaphore, #tpu.memory_space<semaphore_mem>>)
      %mul3A_312 = arith.constant 64 : i32
      %mul3A_313 = arith.muli %add3A_286, %mul3A_312 : i32
      %add3A_314 = arith.addi %mul3A_2, %mul3A_313 : i32
      %dma_start3A_315 = arith.constant 0 : i32
      %dma_start3A_316 = tpu.memref_slice %arg4[%add3A_314, %dma_start3A_315] : memref<204800x128xf32, #tpu.memory_space<hbm>> -> memref<64x128xf32, #tpu.memory_space<hbm>>
      %dma_start3A_317 = arith.constant 0 : i32
      %dma_start3A_318 = tpu.memref_slice %arg4[%add3A_314, %dma_start3A_317] : memref<204800x128xf32, #tpu.memory_space<hbm>> -> memref<64x128xf32, #tpu.memory_space<hbm>>
      tpu.enqueue_dma source(%arg11 : memref<64x128xf32, #tpu.memory_space<vmem>>) target(%dma_start3A_318 : memref<64x128xf32, #tpu.memory_space<hbm>>) target_semaphore(%arg19 : memref<!tpu.dma_semaphore, #tpu.memory_space<semaphore_mem>>)
      %mul3A_319 = arith.constant 4 : i32
      %mul3A_320 = arith.muli %scan3A_246, %mul3A_319 : i32
      %add3A_321 = arith.constant 2 : i32
      %add3A_322 = arith.addi %mul3A_320, %add3A_321 : i32
      %dma_wait3A_323 = arith.constant 0 : i32
      %dma_wait3A_324 = arith.constant 0 : i32
      %dma_wait3A_325 = tpu.memref_slice %arg5[%dma_wait3A_323, %dma_wait3A_324] : memref<100x64xi32, #tpu.memory_space<vmem>> -> memref<1x64xi32, #tpu.memory_space<vmem>>
      %dma_wait3A_326 = tpu.memref_squeeze %dma_wait3A_325 : memref<1x64xi32, #tpu.memory_space<vmem>> -> memref<64xi32, #tpu.memory_space<vmem>>
      %dma_wait3A_327 = arith.constant 0 : i32
      %dma_wait3A_328 = arith.constant 0 : i32
      %dma_wait3A_329 = tpu.memref_slice %arg3[%dma_wait3A_327, %dma_wait3A_328] : memref<100000x128xf32, #tpu.memory_space<hbm>> -> memref<100000x128xf32, #tpu.memory_space<hbm>>
      tpu.wait_indirect_dma semaphore(%arg16 : memref<!tpu.dma_semaphore, #tpu.memory_space<semaphore_mem>>) src(%dma_wait3A_329 : memref<100000x128xf32, #tpu.memory_space<hbm>>) dst(%arg8 : memref<64x128xf32, #tpu.memory_space<vmem>>)
      %dma_wait3A_330 = arith.constant 0 : i32
      %dma_wait3A_331 = tpu.memref_slice %arg4[%mul3A_2, %dma_wait3A_330] : memref<204800x128xf32, #tpu.memory_space<hbm>> -> memref<64x128xf32, #tpu.memory_space<hbm>>
      %dma_wait3A_332 = arith.constant 0 : i32
      %dma_wait3A_333 = tpu.memref_slice %arg4[%mul3A_2, %dma_wait3A_332] : memref<204800x128xf32, #tpu.memory_space<hbm>> -> memref<64x128xf32, #tpu.memory_space<hbm>>
      tpu.wait_dma2 semaphore(%arg20 : memref<!tpu.dma_semaphore, #tpu.memory_space<semaphore_mem>>) src(%arg12 : memref<64x128xf32, #tpu.memory_space<vmem>>) dst(%dma_wait3A_333 : memref<64x128xf32, #tpu.memory_space<hbm>>)
      %scan3A_334 = arith.constant 0 : i32
      %scan3A_335 = arith.constant 0 : i32
      %scan3A_336 = arith.constant 64 : i32
      %scan3A_337 = arith.addi %scan3A_335, %scan3A_336 : i32
      %scan3A_338 = arith.constant 1 : i32
      scf.for %scan3A_391 = %scan3A_335 to %scan3A_337 step %scan3A_338  : i32 {
        %get3A = arith.index_cast %scan3A_391 : i32 to index
        %get3A_392 = arith.constant 0 : index
        %get3A_393 = tpu.vector_load %arg8[%get3A, %get3A_392] {strides = array<i32>} : memref<64x128xf32, #tpu.memory_space<vmem>>, vector<1x16xf32>,
        %get3A_394 = vector.shape_cast %get3A_393 : vector<1x16xf32> to vector<16xf32>
        %mul3A_395 = arith.constant 11.3137083 : f32
        %mul3A_396 = vector.broadcast %mul3A_395 : f32 to vector<16xf32>
        %mul3A_397 = arith.mulf %get3A_394, %mul3A_396 : vector<16xf32>
        %swap3A = arith.index_cast %scan3A_391 : i32 to index
        %swap3A_398 = arith.constant 0 : index
        %swap3A_399 = tpu.vector_load %arg12[%swap3A, %swap3A_398] {strides = array<i32>} : memref<64x128xf32, #tpu.memory_space<vmem>>, vector<1x16xf32>,
        %swap3A_400 = vector.shape_cast %swap3A_399 : vector<1x16xf32> to vector<16xf32>
        %swap3A_401 = vector.shape_cast %mul3A_397 : vector<16xf32> to vector<1x16xf32>
        tpu.vector_store %arg12[%swap3A, %swap3A_398], %swap3A_401 {strides = array<i32>} : memref<64x128xf32, #tpu.memory_space<vmem>>, vector<1x16xf32>,
        %get3A_402 = arith.index_cast %scan3A_391 : i32 to index
        %get3A_403 = arith.constant 16 : index
        %get3A_404 = tpu.vector_load %arg8[%get3A_402, %get3A_403] {strides = array<i32>} : memref<64x128xf32, #tpu.memory_space<vmem>>, vector<1x16xf32>,
        %get3A_405 = vector.shape_cast %get3A_404 : vector<1x16xf32> to vector<16xf32>
        %mul3A_406 = arith.constant 11.3137083 : f32
        %mul3A_407 = vector.broadcast %mul3A_406 : f32 to vector<16xf32>
        %mul3A_408 = arith.mulf %get3A_405, %mul3A_407 : vector<16xf32>
        %swap3A_409 = arith.index_cast %scan3A_391 : i32 to index
        %swap3A_410 = arith.constant 16 : index
        %swap3A_411 = tpu.vector_load %arg12[%swap3A_409, %swap3A_410] {strides = array<i32>} : memref<64x128xf32, #tpu.memory_space<vmem>>, vector<1x16xf32>,
        %swap3A_412 = vector.shape_cast %swap3A_411 : vector<1x16xf32> to vector<16xf32>
        %swap3A_413 = vector.shape_cast %mul3A_408 : vector<16xf32> to vector<1x16xf32>
        tpu.vector_store %arg12[%swap3A_409, %swap3A_410], %swap3A_413 {strides = array<i32>} : memref<64x128xf32, #tpu.memory_space<vmem>>, vector<1x16xf32>,
        %get3A_414 = arith.index_cast %scan3A_391 : i32 to index
        %get3A_415 = arith.constant 32 : index
        %get3A_416 = tpu.vector_load %arg8[%get3A_414, %get3A_415] {strides = array<i32>} : memref<64x128xf32, #tpu.memory_space<vmem>>, vector<1x16xf32>,
        %get3A_417 = vector.shape_cast %get3A_416 : vector<1x16xf32> to vector<16xf32>
        %mul3A_418 = arith.constant 11.3137083 : f32
        %mul3A_419 = vector.broadcast %mul3A_418 : f32 to vector<16xf32>
        %mul3A_420 = arith.mulf %get3A_417, %mul3A_419 : vector<16xf32>
        %swap3A_421 = arith.index_cast %scan3A_391 : i32 to index
        %swap3A_422 = arith.constant 32 : index
        %swap3A_423 = tpu.vector_load %arg12[%swap3A_421, %swap3A_422] {strides = array<i32>} : memref<64x128xf32, #tpu.memory_space<vmem>>, vector<1x16xf32>,
        %swap3A_424 = vector.shape_cast %swap3A_423 : vector<1x16xf32> to vector<16xf32>
        %swap3A_425 = vector.shape_cast %mul3A_420 : vector<16xf32> to vector<1x16xf32>
        tpu.vector_store %arg12[%swap3A_421, %swap3A_422], %swap3A_425 {strides = array<i32>} : memref<64x128xf32, #tpu.memory_space<vmem>>, vector<1x16xf32>,
        %get3A_426 = arith.index_cast %scan3A_391 : i32 to index
        %get3A_427 = arith.constant 48 : index
        %get3A_428 = tpu.vector_load %arg8[%get3A_426, %get3A_427] {strides = array<i32>} : memref<64x128xf32, #tpu.memory_space<vmem>>, vector<1x16xf32>,
        %get3A_429 = vector.shape_cast %get3A_428 : vector<1x16xf32> to vector<16xf32>
        %mul3A_430 = arith.constant 11.3137083 : f32
        %mul3A_431 = vector.broadcast %mul3A_430 : f32 to vector<16xf32>
        %mul3A_432 = arith.mulf %get3A_429, %mul3A_431 : vector<16xf32>
        %swap3A_433 = arith.index_cast %scan3A_391 : i32 to index
        %swap3A_434 = arith.constant 48 : index
        %swap3A_435 = tpu.vector_load %arg12[%swap3A_433, %swap3A_434] {strides = array<i32>} : memref<64x128xf32, #tpu.memory_space<vmem>>, vector<1x16xf32>,
        %swap3A_436 = vector.shape_cast %swap3A_435 : vector<1x16xf32> to vector<16xf32>
        %swap3A_437 = vector.shape_cast %mul3A_432 : vector<16xf32> to vector<1x16xf32>
        tpu.vector_store %arg12[%swap3A_433, %swap3A_434], %swap3A_437 {strides = array<i32>} : memref<64x128xf32, #tpu.memory_space<vmem>>, vector<1x16xf32>,
        %get3A_438 = arith.index_cast %scan3A_391 : i32 to index
        %get3A_439 = arith.constant 64 : index
        %get3A_440 = tpu.vector_load %arg8[%get3A_438, %get3A_439] {strides = array<i32>} : memref<64x128xf32, #tpu.memory_space<vmem>>, vector<1x16xf32>,
        %get3A_441 = vector.shape_cast %get3A_440 : vector<1x16xf32> to vector<16xf32>
        %mul3A_442 = arith.constant 11.3137083 : f32
        %mul3A_443 = vector.broadcast %mul3A_442 : f32 to vector<16xf32>
        %mul3A_444 = arith.mulf %get3A_441, %mul3A_443 : vector<16xf32>
        %swap3A_445 = arith.index_cast %scan3A_391 : i32 to index
        %swap3A_446 = arith.constant 64 : index
        %swap3A_447 = tpu.vector_load %arg12[%swap3A_445, %swap3A_446] {strides = array<i32>} : memref<64x128xf32, #tpu.memory_space<vmem>>, vector<1x16xf32>,
        %swap3A_448 = vector.shape_cast %swap3A_447 : vector<1x16xf32> to vector<16xf32>
        %swap3A_449 = vector.shape_cast %mul3A_444 : vector<16xf32> to vector<1x16xf32>
        tpu.vector_store %arg12[%swap3A_445, %swap3A_446], %swap3A_449 {strides = array<i32>} : memref<64x128xf32, #tpu.memory_space<vmem>>, vector<1x16xf32>,
        %get3A_450 = arith.index_cast %scan3A_391 : i32 to index
        %get3A_451 = arith.constant 80 : index
        %get3A_452 = tpu.vector_load %arg8[%get3A_450, %get3A_451] {strides = array<i32>} : memref<64x128xf32, #tpu.memory_space<vmem>>, vector<1x16xf32>,
        %get3A_453 = vector.shape_cast %get3A_452 : vector<1x16xf32> to vector<16xf32>
        %mul3A_454 = arith.constant 11.3137083 : f32
        %mul3A_455 = vector.broadcast %mul3A_454 : f32 to vector<16xf32>
        %mul3A_456 = arith.mulf %get3A_453, %mul3A_455 : vector<16xf32>
        %swap3A_457 = arith.index_cast %scan3A_391 : i32 to index
        %swap3A_458 = arith.constant 80 : index
        %swap3A_459 = tpu.vector_load %arg12[%swap3A_457, %swap3A_458] {strides = array<i32>} : memref<64x128xf32, #tpu.memory_space<vmem>>, vector<1x16xf32>,
        %swap3A_460 = vector.shape_cast %swap3A_459 : vector<1x16xf32> to vector<16xf32>
        %swap3A_461 = vector.shape_cast %mul3A_456 : vector<16xf32> to vector<1x16xf32>
        tpu.vector_store %arg12[%swap3A_457, %swap3A_458], %swap3A_461 {strides = array<i32>} : memref<64x128xf32, #tpu.memory_space<vmem>>, vector<1x16xf32>,
        %get3A_462 = arith.index_cast %scan3A_391 : i32 to index
        %get3A_463 = arith.constant 96 : index
        %get3A_464 = tpu.vector_load %arg8[%get3A_462, %get3A_463] {strides = array<i32>} : memref<64x128xf32, #tpu.memory_space<vmem>>, vector<1x16xf32>,
        %get3A_465 = vector.shape_cast %get3A_464 : vector<1x16xf32> to vector<16xf32>
        %mul3A_466 = arith.constant 11.3137083 : f32
        %mul3A_467 = vector.broadcast %mul3A_466 : f32 to vector<16xf32>
        %mul3A_468 = arith.mulf %get3A_465, %mul3A_467 : vector<16xf32>
        %swap3A_469 = arith.index_cast %scan3A_391 : i32 to index
        %swap3A_470 = arith.constant 96 : index
        %swap3A_471 = tpu.vector_load %arg12[%swap3A_469, %swap3A_470] {strides = array<i32>} : memref<64x128xf32, #tpu.memory_space<vmem>>, vector<1x16xf32>,
        %swap3A_472 = vector.shape_cast %swap3A_471 : vector<1x16xf32> to vector<16xf32>
        %swap3A_473 = vector.shape_cast %mul3A_468 : vector<16xf32> to vector<1x16xf32>
        tpu.vector_store %arg12[%swap3A_469, %swap3A_470], %swap3A_473 {strides = array<i32>} : memref<64x128xf32, #tpu.memory_space<vmem>>, vector<1x16xf32>,
        %get3A_474 = arith.index_cast %scan3A_391 : i32 to index
        %get3A_475 = arith.constant 112 : index
        %get3A_476 = tpu.vector_load %arg8[%get3A_474, %get3A_475] {strides = array<i32>} : memref<64x128xf32, #tpu.memory_space<vmem>>, vector<1x16xf32>,
        %get3A_477 = vector.shape_cast %get3A_476 : vector<1x16xf32> to vector<16xf32>
        %mul3A_478 = arith.constant 11.3137083 : f32
        %mul3A_479 = vector.broadcast %mul3A_478 : f32 to vector<16xf32>
        %mul3A_480 = arith.mulf %get3A_477, %mul3A_479 : vector<16xf32>
        %swap3A_481 = arith.index_cast %scan3A_391 : i32 to index
        %swap3A_482 = arith.constant 112 : index
        %swap3A_483 = tpu.vector_load %arg12[%swap3A_481, %swap3A_482] {strides = array<i32>} : memref<64x128xf32, #tpu.memory_space<vmem>>, vector<1x16xf32>,
        %swap3A_484 = vector.shape_cast %swap3A_483 : vector<1x16xf32> to vector<16xf32>
        %swap3A_485 = vector.shape_cast %mul3A_480 : vector<16xf32> to vector<1x16xf32>
        tpu.vector_store %arg12[%swap3A_481, %swap3A_482], %swap3A_485 {strides = array<i32>} : memref<64x128xf32, #tpu.memory_space<vmem>>, vector<1x16xf32>,
      }
      %scan3A_339 = arith.constant 64 : i32
      %add3A_340 = arith.constant 4 : i32
      %add3A_341 = arith.addi %add3A_322, %add3A_340 : i32
      %dma_start3A_342 = arith.constant 0 : i32
      %dma_start3A_343 = tpu.memref_slice %arg5[%add3A_341, %dma_start3A_342] : memref<100x64xi32, #tpu.memory_space<vmem>> -> memref<1x64xi32, #tpu.memory_space<vmem>>
      %dma_start3A_344 = tpu.memref_squeeze %dma_start3A_343 : memref<1x64xi32, #tpu.memory_space<vmem>> -> memref<64xi32, #tpu.memory_space<vmem>>
      %dma_start3A_345 = arith.constant 0 : i32
      %dma_start3A_346 = arith.constant 0 : i32
      %dma_start3A_347 = tpu.memref_slice %arg3[%dma_start3A_345, %dma_start3A_346] : memref<100000x128xf32, #tpu.memory_space<hbm>> -> memref<100000x128xf32, #tpu.memory_space<hbm>>
      tpu.enqueue_indirect_dma source(%dma_start3A_347 : memref<100000x128xf32, #tpu.memory_space<hbm>>) target(%arg8 : memref<64x128xf32, #tpu.memory_space<vmem>>) offsets(%dma_start3A_344 : memref<64xi32, #tpu.memory_space<vmem>>) semaphore(%arg16 : memref<!tpu.dma_semaphore, #tpu.memory_space<semaphore_mem>>)
      %mul3A_348 = arith.constant 64 : i32
      %mul3A_349 = arith.muli %add3A_322, %mul3A_348 : i32
      %add3A_350 = arith.addi %mul3A_2, %mul3A_349 : i32
      %dma_start3A_351 = arith.constant 0 : i32
      %dma_start3A_352 = tpu.memref_slice %arg4[%add3A_350, %dma_start3A_351] : memref<204800x128xf32, #tpu.memory_space<hbm>> -> memref<64x128xf32, #tpu.memory_space<hbm>>
      %dma_start3A_353 = arith.constant 0 : i32
      %dma_start3A_354 = tpu.memref_slice %arg4[%add3A_350, %dma_start3A_353] : memref<204800x128xf32, #tpu.memory_space<hbm>> -> memref<64x128xf32, #tpu.memory_space<hbm>>
      tpu.enqueue_dma source(%arg12 : memref<64x128xf32, #tpu.memory_space<vmem>>) target(%dma_start3A_354 : memref<64x128xf32, #tpu.memory_space<hbm>>) target_semaphore(%arg20 : memref<!tpu.dma_semaphore, #tpu.memory_space<semaphore_mem>>)
      %mul3A_355 = arith.constant 4 : i32
      %mul3A_356 = arith.muli %scan3A_246, %mul3A_355 : i32
      %add3A_357 = arith.constant 3 : i32
      %add3A_358 = arith.addi %mul3A_356, %add3A_357 : i32
      %dma_wait3A_359 = arith.constant 0 : i32
      %dma_wait3A_360 = arith.constant 0 : i32
      %dma_wait3A_361 = tpu.memref_slice %arg5[%dma_wait3A_359, %dma_wait3A_360] : memref<100x64xi32, #tpu.memory_space<vmem>> -> memref<1x64xi32, #tpu.memory_space<vmem>>
      %dma_wait3A_362 = tpu.memref_squeeze %dma_wait3A_361 : memref<1x64xi32, #tpu.memory_space<vmem>> -> memref<64xi32, #tpu.memory_space<vmem>>
      %dma_wait3A_363 = arith.constant 0 : i32
      %dma_wait3A_364 = arith.constant 0 : i32
      %dma_wait3A_365 = tpu.memref_slice %arg3[%dma_wait3A_363, %dma_wait3A_364] : memref<100000x128xf32, #tpu.memory_space<hbm>> -> memref<100000x128xf32, #tpu.memory_space<hbm>>
      tpu.wait_indirect_dma semaphore(%arg17 : memref<!tpu.dma_semaphore, #tpu.memory_space<semaphore_mem>>) src(%dma_wait3A_365 : memref<100000x128xf32, #tpu.memory_space<hbm>>) dst(%arg9 : memref<64x128xf32, #tpu.memory_space<vmem>>)
      %dma_wait3A_366 = arith.constant 0 : i32
      %dma_wait3A_367 = tpu.memref_slice %arg4[%mul3A_2, %dma_wait3A_366] : memref<204800x128xf32, #tpu.memory_space<hbm>> -> memref<64x128xf32, #tpu.memory_space<hbm>>
      %dma_wait3A_368 = arith.constant 0 : i32
      %dma_wait3A_369 = tpu.memref_slice %arg4[%mul3A_2, %dma_wait3A_368] : memref<204800x128xf32, #tpu.memory_space<hbm>> -> memref<64x128xf32, #tpu.memory_space<hbm>>
      tpu.wait_dma2 semaphore(%arg21 : memref<!tpu.dma_semaphore, #tpu.memory_space<semaphore_mem>>) src(%arg13 : memref<64x128xf32, #tpu.memory_space<vmem>>) dst(%dma_wait3A_369 : memref<64x128xf32, #tpu.memory_space<hbm>>)
      %scan3A_370 = arith.constant 0 : i32
      %scan3A_371 = arith.constant 0 : i32
      %scan3A_372 = arith.constant 64 : i32
      %scan3A_373 = arith.addi %scan3A_371, %scan3A_372 : i32
      %scan3A_374 = arith.constant 1 : i32
      scf.for %scan3A_391 = %scan3A_371 to %scan3A_373 step %scan3A_374  : i32 {
        %get3A = arith.index_cast %scan3A_391 : i32 to index
        %get3A_392 = arith.constant 0 : index
        %get3A_393 = tpu.vector_load %arg9[%get3A, %get3A_392] {strides = array<i32>} : memref<64x128xf32, #tpu.memory_space<vmem>>, vector<1x16xf32>,
        %get3A_394 = vector.shape_cast %get3A_393 : vector<1x16xf32> to vector<16xf32>
        %mul3A_395 = arith.constant 11.3137083 : f32
        %mul3A_396 = vector.broadcast %mul3A_395 : f32 to vector<16xf32>
        %mul3A_397 = arith.mulf %get3A_394, %mul3A_396 : vector<16xf32>
        %swap3A = arith.index_cast %scan3A_391 : i32 to index
        %swap3A_398 = arith.constant 0 : index
        %swap3A_399 = tpu.vector_load %arg13[%swap3A, %swap3A_398] {strides = array<i32>} : memref<64x128xf32, #tpu.memory_space<vmem>>, vector<1x16xf32>,
        %swap3A_400 = vector.shape_cast %swap3A_399 : vector<1x16xf32> to vector<16xf32>
        %swap3A_401 = vector.shape_cast %mul3A_397 : vector<16xf32> to vector<1x16xf32>
        tpu.vector_store %arg13[%swap3A, %swap3A_398], %swap3A_401 {strides = array<i32>} : memref<64x128xf32, #tpu.memory_space<vmem>>, vector<1x16xf32>,
        %get3A_402 = arith.index_cast %scan3A_391 : i32 to index
        %get3A_403 = arith.constant 16 : index
        %get3A_404 = tpu.vector_load %arg9[%get3A_402, %get3A_403] {strides = array<i32>} : memref<64x128xf32, #tpu.memory_space<vmem>>, vector<1x16xf32>,
        %get3A_405 = vector.shape_cast %get3A_404 : vector<1x16xf32> to vector<16xf32>
        %mul3A_406 = arith.constant 11.3137083 : f32
        %mul3A_407 = vector.broadcast %mul3A_406 : f32 to vector<16xf32>
        %mul3A_408 = arith.mulf %get3A_405, %mul3A_407 : vector<16xf32>
        %swap3A_409 = arith.index_cast %scan3A_391 : i32 to index
        %swap3A_410 = arith.constant 16 : index
        %swap3A_411 = tpu.vector_load %arg13[%swap3A_409, %swap3A_410] {strides = array<i32>} : memref<64x128xf32, #tpu.memory_space<vmem>>, vector<1x16xf32>,
        %swap3A_412 = vector.shape_cast %swap3A_411 : vector<1x16xf32> to vector<16xf32>
        %swap3A_413 = vector.shape_cast %mul3A_408 : vector<16xf32> to vector<1x16xf32>
        tpu.vector_store %arg13[%swap3A_409, %swap3A_410], %swap3A_413 {strides = array<i32>} : memref<64x128xf32, #tpu.memory_space<vmem>>, vector<1x16xf32>,
        %get3A_414 = arith.index_cast %scan3A_391 : i32 to index
        %get3A_415 = arith.constant 32 : index
        %get3A_416 = tpu.vector_load %arg9[%get3A_414, %get3A_415] {strides = array<i32>} : memref<64x128xf32, #tpu.memory_space<vmem>>, vector<1x16xf32>,
        %get3A_417 = vector.shape_cast %get3A_416 : vector<1x16xf32> to vector<16xf32>
        %mul3A_418 = arith.constant 11.3137083 : f32
        %mul3A_419 = vector.broadcast %mul3A_418 : f32 to vector<16xf32>
        %mul3A_420 = arith.mulf %get3A_417, %mul3A_419 : vector<16xf32>
        %swap3A_421 = arith.index_cast %scan3A_391 : i32 to index
        %swap3A_422 = arith.constant 32 : index
        %swap3A_423 = tpu.vector_load %arg13[%swap3A_421, %swap3A_422] {strides = array<i32>} : memref<64x128xf32, #tpu.memory_space<vmem>>, vector<1x16xf32>,
        %swap3A_424 = vector.shape_cast %swap3A_423 : vector<1x16xf32> to vector<16xf32>
        %swap3A_425 = vector.shape_cast %mul3A_420 : vector<16xf32> to vector<1x16xf32>
        tpu.vector_store %arg13[%swap3A_421, %swap3A_422], %swap3A_425 {strides = array<i32>} : memref<64x128xf32, #tpu.memory_space<vmem>>, vector<1x16xf32>,
        %get3A_426 = arith.index_cast %scan3A_391 : i32 to index
        %get3A_427 = arith.constant 48 : index
        %get3A_428 = tpu.vector_load %arg9[%get3A_426, %get3A_427] {strides = array<i32>} : memref<64x128xf32, #tpu.memory_space<vmem>>, vector<1x16xf32>,
        %get3A_429 = vector.shape_cast %get3A_428 : vector<1x16xf32> to vector<16xf32>
        %mul3A_430 = arith.constant 11.3137083 : f32
        %mul3A_431 = vector.broadcast %mul3A_430 : f32 to vector<16xf32>
        %mul3A_432 = arith.mulf %get3A_429, %mul3A_431 : vector<16xf32>
        %swap3A_433 = arith.index_cast %scan3A_391 : i32 to index
        %swap3A_434 = arith.constant 48 : index
        %swap3A_435 = tpu.vector_load %arg13[%swap3A_433, %swap3A_434] {strides = array<i32>} : memref<64x128xf32, #tpu.memory_space<vmem>>, vector<1x16xf32>,
        %swap3A_436 = vector.shape_cast %swap3A_435 : vector<1x16xf32> to vector<16xf32>
        %swap3A_437 = vector.shape_cast %mul3A_432 : vector<16xf32> to vector<1x16xf32>
        tpu.vector_store %arg13[%swap3A_433, %swap3A_434], %swap3A_437 {strides = array<i32>} : memref<64x128xf32, #tpu.memory_space<vmem>>, vector<1x16xf32>,
        %get3A_438 = arith.index_cast %scan3A_391 : i32 to index
        %get3A_439 = arith.constant 64 : index
        %get3A_440 = tpu.vector_load %arg9[%get3A_438, %get3A_439] {strides = array<i32>} : memref<64x128xf32, #tpu.memory_space<vmem>>, vector<1x16xf32>,
        %get3A_441 = vector.shape_cast %get3A_440 : vector<1x16xf32> to vector<16xf32>
        %mul3A_442 = arith.constant 11.3137083 : f32
        %mul3A_443 = vector.broadcast %mul3A_442 : f32 to vector<16xf32>
        %mul3A_444 = arith.mulf %get3A_441, %mul3A_443 : vector<16xf32>
        %swap3A_445 = arith.index_cast %scan3A_391 : i32 to index
        %swap3A_446 = arith.constant 64 : index
        %swap3A_447 = tpu.vector_load %arg13[%swap3A_445, %swap3A_446] {strides = array<i32>} : memref<64x128xf32, #tpu.memory_space<vmem>>, vector<1x16xf32>,
        %swap3A_448 = vector.shape_cast %swap3A_447 : vector<1x16xf32> to vector<16xf32>
        %swap3A_449 = vector.shape_cast %mul3A_444 : vector<16xf32> to vector<1x16xf32>
        tpu.vector_store %arg13[%swap3A_445, %swap3A_446], %swap3A_449 {strides = array<i32>} : memref<64x128xf32, #tpu.memory_space<vmem>>, vector<1x16xf32>,
        %get3A_450 = arith.index_cast %scan3A_391 : i32 to index
        %get3A_451 = arith.constant 80 : index
        %get3A_452 = tpu.vector_load %arg9[%get3A_450, %get3A_451] {strides = array<i32>} : memref<64x128xf32, #tpu.memory_space<vmem>>, vector<1x16xf32>,
        %get3A_453 = vector.shape_cast %get3A_452 : vector<1x16xf32> to vector<16xf32>
        %mul3A_454 = arith.constant 11.3137083 : f32
        %mul3A_455 = vector.broadcast %mul3A_454 : f32 to vector<16xf32>
        %mul3A_456 = arith.mulf %get3A_453, %mul3A_455 : vector<16xf32>
        %swap3A_457 = arith.index_cast %scan3A_391 : i32 to index
        %swap3A_458 = arith.constant 80 : index
        %swap3A_459 = tpu.vector_load %arg13[%swap3A_457, %swap3A_458] {strides = array<i32>} : memref<64x128xf32, #tpu.memory_space<vmem>>, vector<1x16xf32>,
        %swap3A_460 = vector.shape_cast %swap3A_459 : vector<1x16xf32> to vector<16xf32>
        %swap3A_461 = vector.shape_cast %mul3A_456 : vector<16xf32> to vector<1x16xf32>
        tpu.vector_store %arg13[%swap3A_457, %swap3A_458], %swap3A_461 {strides = array<i32>} : memref<64x128xf32, #tpu.memory_space<vmem>>, vector<1x16xf32>,
        %get3A_462 = arith.index_cast %scan3A_391 : i32 to index
        %get3A_463 = arith.constant 96 : index
        %get3A_464 = tpu.vector_load %arg9[%get3A_462, %get3A_463] {strides = array<i32>} : memref<64x128xf32, #tpu.memory_space<vmem>>, vector<1x16xf32>,
        %get3A_465 = vector.shape_cast %get3A_464 : vector<1x16xf32> to vector<16xf32>
        %mul3A_466 = arith.constant 11.3137083 : f32
        %mul3A_467 = vector.broadcast %mul3A_466 : f32 to vector<16xf32>
        %mul3A_468 = arith.mulf %get3A_465, %mul3A_467 : vector<16xf32>
        %swap3A_469 = arith.index_cast %scan3A_391 : i32 to index
        %swap3A_470 = arith.constant 96 : index
        %swap3A_471 = tpu.vector_load %arg13[%swap3A_469, %swap3A_470] {strides = array<i32>} : memref<64x128xf32, #tpu.memory_space<vmem>>, vector<1x16xf32>,
        %swap3A_472 = vector.shape_cast %swap3A_471 : vector<1x16xf32> to vector<16xf32>
        %swap3A_473 = vector.shape_cast %mul3A_468 : vector<16xf32> to vector<1x16xf32>
        tpu.vector_store %arg13[%swap3A_469, %swap3A_470], %swap3A_473 {strides = array<i32>} : memref<64x128xf32, #tpu.memory_space<vmem>>, vector<1x16xf32>,
        %get3A_474 = arith.index_cast %scan3A_391 : i32 to index
        %get3A_475 = arith.constant 112 : index
        %get3A_476 = tpu.vector_load %arg9[%get3A_474, %get3A_475] {strides = array<i32>} : memref<64x128xf32, #tpu.memory_space<vmem>>, vector<1x16xf32>,
        %get3A_477 = vector.shape_cast %get3A_476 : vector<1x16xf32> to vector<16xf32>
        %mul3A_478 = arith.constant 11.3137083 : f32
        %mul3A_479 = vector.broadcast %mul3A_478 : f32 to vector<16xf32>
        %mul3A_480 = arith.mulf %get3A_477, %mul3A_479 : vector<16xf32>
        %swap3A_481 = arith.index_cast %scan3A_391 : i32 to index
        %swap3A_482 = arith.constant 112 : index
        %swap3A_483 = tpu.vector_load %arg13[%swap3A_481, %swap3A_482] {strides = array<i32>} : memref<64x128xf32, #tpu.memory_space<vmem>>, vector<1x16xf32>,
        %swap3A_484 = vector.shape_cast %swap3A_483 : vector<1x16xf32> to vector<16xf32>
        %swap3A_485 = vector.shape_cast %mul3A_480 : vector<16xf32> to vector<1x16xf32>
        tpu.vector_store %arg13[%swap3A_481, %swap3A_482], %swap3A_485 {strides = array<i32>} : memref<64x128xf32, #tpu.memory_space<vmem>>, vector<1x16xf32>,
      }
      %scan3A_375 = arith.constant 64 : i32
      %add3A_376 = arith.constant 4 : i32
      %add3A_377 = arith.addi %add3A_358, %add3A_376 : i32
      %dma_start3A_378 = arith.constant 0 : i32
      %dma_start3A_379 = tpu.memref_slice %arg5[%add3A_377, %dma_start3A_378] : memref<100x64xi32, #tpu.memory_space<vmem>> -> memref<1x64xi32, #tpu.memory_space<vmem>>
      %dma_start3A_380 = tpu.memref_squeeze %dma_start3A_379 : memref<1x64xi32, #tpu.memory_space<vmem>> -> memref<64xi32, #tpu.memory_space<vmem>>
      %dma_start3A_381 = arith.constant 0 : i32
      %dma_start3A_382 = arith.constant 0 : i32
      %dma_start3A_383 = tpu.memref_slice %arg3[%dma_start3A_381, %dma_start3A_382] : memref<100000x128xf32, #tpu.memory_space<hbm>> -> memref<100000x128xf32, #tpu.memory_space<hbm>>
      tpu.enqueue_indirect_dma source(%dma_start3A_383 : memref<100000x128xf32, #tpu.memory_space<hbm>>) target(%arg9 : memref<64x128xf32, #tpu.memory_space<vmem>>) offsets(%dma_start3A_380 : memref<64xi32, #tpu.memory_space<vmem>>) semaphore(%arg17 : memref<!tpu.dma_semaphore, #tpu.memory_space<semaphore_mem>>)
      %mul3A_384 = arith.constant 64 : i32
      %mul3A_385 = arith.muli %add3A_358, %mul3A_384 : i32
      %add3A_386 = arith.addi %mul3A_2, %mul3A_385 : i32
      %dma_start3A_387 = arith.constant 0 : i32
      %dma_start3A_388 = tpu.memref_slice %arg4[%add3A_386, %dma_start3A_387] : memref<204800x128xf32, #tpu.memory_space<hbm>> -> memref<64x128xf32, #tpu.memory_space<hbm>>
      %dma_start3A_389 = arith.constant 0 : i32
      %dma_start3A_390 = tpu.memref_slice %arg4[%add3A_386, %dma_start3A_389] : memref<204800x128xf32, #tpu.memory_space<hbm>> -> memref<64x128xf32, #tpu.memory_space<hbm>>
      tpu.enqueue_dma source(%arg13 : memref<64x128xf32, #tpu.memory_space<vmem>>) target(%dma_start3A_390 : memref<64x128xf32, #tpu.memory_space<hbm>>) target_semaphore(%arg21 : memref<!tpu.dma_semaphore, #tpu.memory_space<semaphore_mem>>)
    }
    %scan3A_137 = arith.constant 23 : i32
    %dma_wait3A_138 = arith.constant 0 : i32
    %dma_wait3A_139 = arith.constant 0 : i32
    %dma_wait3A_140 = tpu.memref_slice %arg5[%dma_wait3A_138, %dma_wait3A_139] : memref<100x64xi32, #tpu.memory_space<vmem>> -> memref<1x64xi32, #tpu.memory_space<vmem>>
    %dma_wait3A_141 = tpu.memref_squeeze %dma_wait3A_140 : memref<1x64xi32, #tpu.memory_space<vmem>> -> memref<64xi32, #tpu.memory_space<vmem>>
    %dma_wait3A_142 = arith.constant 0 : i32
    %dma_wait3A_143 = arith.constant 0 : i32
    %dma_wait3A_144 = tpu.memref_slice %arg3[%dma_wait3A_142, %dma_wait3A_143] : memref<100000x128xf32, #tpu.memory_space<hbm>> -> memref<100000x128xf32, #tpu.memory_space<hbm>>
    tpu.wait_indirect_dma semaphore(%arg14 : memref<!tpu.dma_semaphore, #tpu.memory_space<semaphore_mem>>) src(%dma_wait3A_144 : memref<100000x128xf32, #tpu.memory_space<hbm>>) dst(%arg6 : memref<64x128xf32, #tpu.memory_space<vmem>>)
    %dma_wait3A_145 = arith.constant 0 : i32
    %dma_wait3A_146 = tpu.memref_slice %arg4[%mul3A_2, %dma_wait3A_145] : memref<204800x128xf32, #tpu.memory_space<hbm>> -> memref<64x128xf32, #tpu.memory_space<hbm>>
    %dma_wait3A_147 = arith.constant 0 : i32
    %dma_wait3A_148 = tpu.memref_slice %arg4[%mul3A_2, %dma_wait3A_147] : memref<204800x128xf32, #tpu.memory_space<hbm>> -> memref<64x128xf32, #tpu.memory_space<hbm>>
    tpu.wait_dma2 semaphore(%arg18 : memref<!tpu.dma_semaphore, #tpu.memory_space<semaphore_mem>>) src(%arg10 : memref<64x128xf32, #tpu.memory_space<vmem>>) dst(%dma_wait3A_148 : memref<64x128xf32, #tpu.memory_space<hbm>>)
    %scan3A_149 = arith.constant 0 : i32
    %scan3A_150 = arith.constant 0 : i32
    %scan3A_151 = arith.constant 64 : i32
    %scan3A_152 = arith.addi %scan3A_150, %scan3A_151 : i32
    %scan3A_153 = arith.constant 1 : i32
    scf.for %scan3A_246 = %scan3A_150 to %scan3A_152 step %scan3A_153  : i32 {
      %get3A = arith.index_cast %scan3A_246 : i32 to index
      %get3A_247 = arith.constant 0 : index
      %get3A_248 = tpu.vector_load %arg6[%get3A, %get3A_247] {strides = array<i32>} : memref<64x128xf32, #tpu.memory_space<vmem>>, vector<1x16xf32>,
      %get3A_249 = vector.shape_cast %get3A_248 : vector<1x16xf32> to vector<16xf32>
      %mul3A_250 = arith.constant 11.3137083 : f32
      %mul3A_251 = vector.broadcast %mul3A_250 : f32 to vector<16xf32>
      %mul3A_252 = arith.mulf %get3A_249, %mul3A_251 : vector<16xf32>
      %swap3A = arith.index_cast %scan3A_246 : i32 to index
      %swap3A_253 = arith.constant 0 : index
      %swap3A_254 = tpu.vector_load %arg10[%swap3A, %swap3A_253] {strides = array<i32>} : memref<64x128xf32, #tpu.memory_space<vmem>>, vector<1x16xf32>,
      %swap3A_255 = vector.shape_cast %swap3A_254 : vector<1x16xf32> to vector<16xf32>
      %swap3A_256 = vector.shape_cast %mul3A_252 : vector<16xf32> to vector<1x16xf32>
      tpu.vector_store %arg10[%swap3A, %swap3A_253], %swap3A_256 {strides = array<i32>} : memref<64x128xf32, #tpu.memory_space<vmem>>, vector<1x16xf32>,
      %get3A_257 = arith.index_cast %scan3A_246 : i32 to index
      %get3A_258 = arith.constant 16 : index
      %get3A_259 = tpu.vector_load %arg6[%get3A_257, %get3A_258] {strides = array<i32>} : memref<64x128xf32, #tpu.memory_space<vmem>>, vector<1x16xf32>,
      %get3A_260 = vector.shape_cast %get3A_259 : vector<1x16xf32> to vector<16xf32>
      %mul3A_261 = arith.constant 11.3137083 : f32
      %mul3A_262 = vector.broadcast %mul3A_261 : f32 to vector<16xf32>
      %mul3A_263 = arith.mulf %get3A_260, %mul3A_262 : vector<16xf32>
      %swap3A_264 = arith.index_cast %scan3A_246 : i32 to index
      %swap3A_265 = arith.constant 16 : index
      %swap3A_266 = tpu.vector_load %arg10[%swap3A_264, %swap3A_265] {strides = array<i32>} : memref<64x128xf32, #tpu.memory_space<vmem>>, vector<1x16xf32>,
      %swap3A_267 = vector.shape_cast %swap3A_266 : vector<1x16xf32> to vector<16xf32>
      %swap3A_268 = vector.shape_cast %mul3A_263 : vector<16xf32> to vector<1x16xf32>
      tpu.vector_store %arg10[%swap3A_264, %swap3A_265], %swap3A_268 {strides = array<i32>} : memref<64x128xf32, #tpu.memory_space<vmem>>, vector<1x16xf32>,
      %get3A_269 = arith.index_cast %scan3A_246 : i32 to index
      %get3A_270 = arith.constant 32 : index
      %get3A_271 = tpu.vector_load %arg6[%get3A_269, %get3A_270] {strides = array<i32>} : memref<64x128xf32, #tpu.memory_space<vmem>>, vector<1x16xf32>,
      %get3A_272 = vector.shape_cast %get3A_271 : vector<1x16xf32> to vector<16xf32>
      %mul3A_273 = arith.constant 11.3137083 : f32
      %mul3A_274 = vector.broadcast %mul3A_273 : f32 to vector<16xf32>
      %mul3A_275 = arith.mulf %get3A_272, %mul3A_274 : vector<16xf32>
      %swap3A_276 = arith.index_cast %scan3A_246 : i32 to index
      %swap3A_277 = arith.constant 32 : index
      %swap3A_278 = tpu.vector_load %arg10[%swap3A_276, %swap3A_277] {strides = array<i32>} : memref<64x128xf32, #tpu.memory_space<vmem>>, vector<1x16xf32>,
      %swap3A_279 = vector.shape_cast %swap3A_278 : vector<1x16xf32> to vector<16xf32>
      %swap3A_280 = vector.shape_cast %mul3A_275 : vector<16xf32> to vector<1x16xf32>
      tpu.vector_store %arg10[%swap3A_276, %swap3A_277], %swap3A_280 {strides = array<i32>} : memref<64x128xf32, #tpu.memory_space<vmem>>, vector<1x16xf32>,
      %get3A_281 = arith.index_cast %scan3A_246 : i32 to index
      %get3A_282 = arith.constant 48 : index
      %get3A_283 = tpu.vector_load %arg6[%get3A_281, %get3A_282] {strides = array<i32>} : memref<64x128xf32, #tpu.memory_space<vmem>>, vector<1x16xf32>,
      %get3A_284 = vector.shape_cast %get3A_283 : vector<1x16xf32> to vector<16xf32>
      %mul3A_285 = arith.constant 11.3137083 : f32
      %mul3A_286 = vector.broadcast %mul3A_285 : f32 to vector<16xf32>
      %mul3A_287 = arith.mulf %get3A_284, %mul3A_286 : vector<16xf32>
      %swap3A_288 = arith.index_cast %scan3A_246 : i32 to index
      %swap3A_289 = arith.constant 48 : index
      %swap3A_290 = tpu.vector_load %arg10[%swap3A_288, %swap3A_289] {strides = array<i32>} : memref<64x128xf32, #tpu.memory_space<vmem>>, vector<1x16xf32>,
      %swap3A_291 = vector.shape_cast %swap3A_290 : vector<1x16xf32> to vector<16xf32>
      %swap3A_292 = vector.shape_cast %mul3A_287 : vector<16xf32> to vector<1x16xf32>
      tpu.vector_store %arg10[%swap3A_288, %swap3A_289], %swap3A_292 {strides = array<i32>} : memref<64x128xf32, #tpu.memory_space<vmem>>, vector<1x16xf32>,
      %get3A_293 = arith.index_cast %scan3A_246 : i32 to index
      %get3A_294 = arith.constant 64 : index
      %get3A_295 = tpu.vector_load %arg6[%get3A_293, %get3A_294] {strides = array<i32>} : memref<64x128xf32, #tpu.memory_space<vmem>>, vector<1x16xf32>,
      %get3A_296 = vector.shape_cast %get3A_295 : vector<1x16xf32> to vector<16xf32>
      %mul3A_297 = arith.constant 11.3137083 : f32
      %mul3A_298 = vector.broadcast %mul3A_297 : f32 to vector<16xf32>
      %mul3A_299 = arith.mulf %get3A_296, %mul3A_298 : vector<16xf32>
      %swap3A_300 = arith.index_cast %scan3A_246 : i32 to index
      %swap3A_301 = arith.constant 64 : index
      %swap3A_302 = tpu.vector_load %arg10[%swap3A_300, %swap3A_301] {strides = array<i32>} : memref<64x128xf32, #tpu.memory_space<vmem>>, vector<1x16xf32>,
      %swap3A_303 = vector.shape_cast %swap3A_302 : vector<1x16xf32> to vector<16xf32>
      %swap3A_304 = vector.shape_cast %mul3A_299 : vector<16xf32> to vector<1x16xf32>
      tpu.vector_store %arg10[%swap3A_300, %swap3A_301], %swap3A_304 {strides = array<i32>} : memref<64x128xf32, #tpu.memory_space<vmem>>, vector<1x16xf32>,
      %get3A_305 = arith.index_cast %scan3A_246 : i32 to index
      %get3A_306 = arith.constant 80 : index
      %get3A_307 = tpu.vector_load %arg6[%get3A_305, %get3A_306] {strides = array<i32>} : memref<64x128xf32, #tpu.memory_space<vmem>>, vector<1x16xf32>,
      %get3A_308 = vector.shape_cast %get3A_307 : vector<1x16xf32> to vector<16xf32>
      %mul3A_309 = arith.constant 11.3137083 : f32
      %mul3A_310 = vector.broadcast %mul3A_309 : f32 to vector<16xf32>
      %mul3A_311 = arith.mulf %get3A_308, %mul3A_310 : vector<16xf32>
      %swap3A_312 = arith.index_cast %scan3A_246 : i32 to index
      %swap3A_313 = arith.constant 80 : index
      %swap3A_314 = tpu.vector_load %arg10[%swap3A_312, %swap3A_313] {strides = array<i32>} : memref<64x128xf32, #tpu.memory_space<vmem>>, vector<1x16xf32>,
      %swap3A_315 = vector.shape_cast %swap3A_314 : vector<1x16xf32> to vector<16xf32>
      %swap3A_316 = vector.shape_cast %mul3A_311 : vector<16xf32> to vector<1x16xf32>
      tpu.vector_store %arg10[%swap3A_312, %swap3A_313], %swap3A_316 {strides = array<i32>} : memref<64x128xf32, #tpu.memory_space<vmem>>, vector<1x16xf32>,
      %get3A_317 = arith.index_cast %scan3A_246 : i32 to index
      %get3A_318 = arith.constant 96 : index
      %get3A_319 = tpu.vector_load %arg6[%get3A_317, %get3A_318] {strides = array<i32>} : memref<64x128xf32, #tpu.memory_space<vmem>>, vector<1x16xf32>,
      %get3A_320 = vector.shape_cast %get3A_319 : vector<1x16xf32> to vector<16xf32>
      %mul3A_321 = arith.constant 11.3137083 : f32
      %mul3A_322 = vector.broadcast %mul3A_321 : f32 to vector<16xf32>
      %mul3A_323 = arith.mulf %get3A_320, %mul3A_322 : vector<16xf32>
      %swap3A_324 = arith.index_cast %scan3A_246 : i32 to index
      %swap3A_325 = arith.constant 96 : index
      %swap3A_326 = tpu.vector_load %arg10[%swap3A_324, %swap3A_325] {strides = array<i32>} : memref<64x128xf32, #tpu.memory_space<vmem>>, vector<1x16xf32>,
      %swap3A_327 = vector.shape_cast %swap3A_326 : vector<1x16xf32> to vector<16xf32>
      %swap3A_328 = vector.shape_cast %mul3A_323 : vector<16xf32> to vector<1x16xf32>
      tpu.vector_store %arg10[%swap3A_324, %swap3A_325], %swap3A_328 {strides = array<i32>} : memref<64x128xf32, #tpu.memory_space<vmem>>, vector<1x16xf32>,
      %get3A_329 = arith.index_cast %scan3A_246 : i32 to index
      %get3A_330 = arith.constant 112 : index
      %get3A_331 = tpu.vector_load %arg6[%get3A_329, %get3A_330] {strides = array<i32>} : memref<64x128xf32, #tpu.memory_space<vmem>>, vector<1x16xf32>,
      %get3A_332 = vector.shape_cast %get3A_331 : vector<1x16xf32> to vector<16xf32>
      %mul3A_333 = arith.constant 11.3137083 : f32
      %mul3A_334 = vector.broadcast %mul3A_333 : f32 to vector<16xf32>
      %mul3A_335 = arith.mulf %get3A_332, %mul3A_334 : vector<16xf32>
      %swap3A_336 = arith.index_cast %scan3A_246 : i32 to index
      %swap3A_337 = arith.constant 112 : index
      %swap3A_338 = tpu.vector_load %arg10[%swap3A_336, %swap3A_337] {strides = array<i32>} : memref<64x128xf32, #tpu.memory_space<vmem>>, vector<1x16xf32>,
      %swap3A_339 = vector.shape_cast %swap3A_338 : vector<1x16xf32> to vector<16xf32>
      %swap3A_340 = vector.shape_cast %mul3A_335 : vector<16xf32> to vector<1x16xf32>
      tpu.vector_store %arg10[%swap3A_336, %swap3A_337], %swap3A_340 {strides = array<i32>} : memref<64x128xf32, #tpu.memory_space<vmem>>, vector<1x16xf32>,
    }
    %scan3A_154 = arith.constant 64 : i32
    %add3A_155 = arith.constant 6144 : i32
    %add3A_156 = arith.addi %mul3A_2, %add3A_155 : i32
    %dma_start3A_157 = arith.constant 0 : i32
    %dma_start3A_158 = tpu.memref_slice %arg4[%add3A_156, %dma_start3A_157] : memref<204800x128xf32, #tpu.memory_space<hbm>> -> memref<64x128xf32, #tpu.memory_space<hbm>>
    %dma_start3A_159 = arith.constant 0 : i32
    %dma_start3A_160 = tpu.memref_slice %arg4[%add3A_156, %dma_start3A_159] : memref<204800x128xf32, #tpu.memory_space<hbm>> -> memref<64x128xf32, #tpu.memory_space<hbm>>
    tpu.enqueue_dma source(%arg10 : memref<64x128xf32, #tpu.memory_space<vmem>>) target(%dma_start3A_160 : memref<64x128xf32, #tpu.memory_space<hbm>>) target_semaphore(%arg18 : memref<!tpu.dma_semaphore, #tpu.memory_space<semaphore_mem>>)
    %dma_wait3A_161 = arith.constant 0 : i32
    %dma_wait3A_162 = arith.constant 0 : i32
    %dma_wait3A_163 = tpu.memref_slice %arg5[%dma_wait3A_161, %dma_wait3A_162] : memref<100x64xi32, #tpu.memory_space<vmem>> -> memref<1x64xi32, #tpu.memory_space<vmem>>
    %dma_wait3A_164 = tpu.memref_squeeze %dma_wait3A_163 : memref<1x64xi32, #tpu.memory_space<vmem>> -> memref<64xi32, #tpu.memory_space<vmem>>
    %dma_wait3A_165 = arith.constant 0 : i32
    %dma_wait3A_166 = arith.constant 0 : i32
    %dma_wait3A_167 = tpu.memref_slice %arg3[%dma_wait3A_165, %dma_wait3A_166] : memref<100000x128xf32, #tpu.memory_space<hbm>> -> memref<100000x128xf32, #tpu.memory_space<hbm>>
    tpu.wait_indirect_dma semaphore(%arg15 : memref<!tpu.dma_semaphore, #tpu.memory_space<semaphore_mem>>) src(%dma_wait3A_167 : memref<100000x128xf32, #tpu.memory_space<hbm>>) dst(%arg7 : memref<64x128xf32, #tpu.memory_space<vmem>>)
    %dma_wait3A_168 = arith.constant 0 : i32
    %dma_wait3A_169 = tpu.memref_slice %arg4[%mul3A_2, %dma_wait3A_168] : memref<204800x128xf32, #tpu.memory_space<hbm>> -> memref<64x128xf32, #tpu.memory_space<hbm>>
    %dma_wait3A_170 = arith.constant 0 : i32
    %dma_wait3A_171 = tpu.memref_slice %arg4[%mul3A_2, %dma_wait3A_170] : memref<204800x128xf32, #tpu.memory_space<hbm>> -> memref<64x128xf32, #tpu.memory_space<hbm>>
    tpu.wait_dma2 semaphore(%arg19 : memref<!tpu.dma_semaphore, #tpu.memory_space<semaphore_mem>>) src(%arg11 : memref<64x128xf32, #tpu.memory_space<vmem>>) dst(%dma_wait3A_171 : memref<64x128xf32, #tpu.memory_space<hbm>>)
    %scan3A_172 = arith.constant 0 : i32
    %scan3A_173 = arith.constant 0 : i32
    %scan3A_174 = arith.constant 64 : i32
    %scan3A_175 = arith.addi %scan3A_173, %scan3A_174 : i32
    %scan3A_176 = arith.constant 1 : i32
    scf.for %scan3A_246 = %scan3A_173 to %scan3A_175 step %scan3A_176  : i32 {
      %get3A = arith.index_cast %scan3A_246 : i32 to index
      %get3A_247 = arith.constant 0 : index
      %get3A_248 = tpu.vector_load %arg7[%get3A, %get3A_247] {strides = array<i32>} : memref<64x128xf32, #tpu.memory_space<vmem>>, vector<1x16xf32>,
      %get3A_249 = vector.shape_cast %get3A_248 : vector<1x16xf32> to vector<16xf32>
      %mul3A_250 = arith.constant 11.3137083 : f32
      %mul3A_251 = vector.broadcast %mul3A_250 : f32 to vector<16xf32>
      %mul3A_252 = arith.mulf %get3A_249, %mul3A_251 : vector<16xf32>
      %swap3A = arith.index_cast %scan3A_246 : i32 to index
      %swap3A_253 = arith.constant 0 : index
      %swap3A_254 = tpu.vector_load %arg11[%swap3A, %swap3A_253] {strides = array<i32>} : memref<64x128xf32, #tpu.memory_space<vmem>>, vector<1x16xf32>,
      %swap3A_255 = vector.shape_cast %swap3A_254 : vector<1x16xf32> to vector<16xf32>
      %swap3A_256 = vector.shape_cast %mul3A_252 : vector<16xf32> to vector<1x16xf32>
      tpu.vector_store %arg11[%swap3A, %swap3A_253], %swap3A_256 {strides = array<i32>} : memref<64x128xf32, #tpu.memory_space<vmem>>, vector<1x16xf32>,
      %get3A_257 = arith.index_cast %scan3A_246 : i32 to index
      %get3A_258 = arith.constant 16 : index
      %get3A_259 = tpu.vector_load %arg7[%get3A_257, %get3A_258] {strides = array<i32>} : memref<64x128xf32, #tpu.memory_space<vmem>>, vector<1x16xf32>,
      %get3A_260 = vector.shape_cast %get3A_259 : vector<1x16xf32> to vector<16xf32>
      %mul3A_261 = arith.constant 11.3137083 : f32
      %mul3A_262 = vector.broadcast %mul3A_261 : f32 to vector<16xf32>
      %mul3A_263 = arith.mulf %get3A_260, %mul3A_262 : vector<16xf32>
      %swap3A_264 = arith.index_cast %scan3A_246 : i32 to index
      %swap3A_265 = arith.constant 16 : index
      %swap3A_266 = tpu.vector_load %arg11[%swap3A_264, %swap3A_265] {strides = array<i32>} : memref<64x128xf32, #tpu.memory_space<vmem>>, vector<1x16xf32>,
      %swap3A_267 = vector.shape_cast %swap3A_266 : vector<1x16xf32> to vector<16xf32>
      %swap3A_268 = vector.shape_cast %mul3A_263 : vector<16xf32> to vector<1x16xf32>
      tpu.vector_store %arg11[%swap3A_264, %swap3A_265], %swap3A_268 {strides = array<i32>} : memref<64x128xf32, #tpu.memory_space<vmem>>, vector<1x16xf32>,
      %get3A_269 = arith.index_cast %scan3A_246 : i32 to index
      %get3A_270 = arith.constant 32 : index
      %get3A_271 = tpu.vector_load %arg7[%get3A_269, %get3A_270] {strides = array<i32>} : memref<64x128xf32, #tpu.memory_space<vmem>>, vector<1x16xf32>,
      %get3A_272 = vector.shape_cast %get3A_271 : vector<1x16xf32> to vector<16xf32>
      %mul3A_273 = arith.constant 11.3137083 : f32
      %mul3A_274 = vector.broadcast %mul3A_273 : f32 to vector<16xf32>
      %mul3A_275 = arith.mulf %get3A_272, %mul3A_274 : vector<16xf32>
      %swap3A_276 = arith.index_cast %scan3A_246 : i32 to index
      %swap3A_277 = arith.constant 32 : index
      %swap3A_278 = tpu.vector_load %arg11[%swap3A_276, %swap3A_277] {strides = array<i32>} : memref<64x128xf32, #tpu.memory_space<vmem>>, vector<1x16xf32>,
      %swap3A_279 = vector.shape_cast %swap3A_278 : vector<1x16xf32> to vector<16xf32>
      %swap3A_280 = vector.shape_cast %mul3A_275 : vector<16xf32> to vector<1x16xf32>
      tpu.vector_store %arg11[%swap3A_276, %swap3A_277], %swap3A_280 {strides = array<i32>} : memref<64x128xf32, #tpu.memory_space<vmem>>, vector<1x16xf32>,
      %get3A_281 = arith.index_cast %scan3A_246 : i32 to index
      %get3A_282 = arith.constant 48 : index
      %get3A_283 = tpu.vector_load %arg7[%get3A_281, %get3A_282] {strides = array<i32>} : memref<64x128xf32, #tpu.memory_space<vmem>>, vector<1x16xf32>,
      %get3A_284 = vector.shape_cast %get3A_283 : vector<1x16xf32> to vector<16xf32>
      %mul3A_285 = arith.constant 11.3137083 : f32
      %mul3A_286 = vector.broadcast %mul3A_285 : f32 to vector<16xf32>
      %mul3A_287 = arith.mulf %get3A_284, %mul3A_286 : vector<16xf32>
      %swap3A_288 = arith.index_cast %scan3A_246 : i32 to index
      %swap3A_289 = arith.constant 48 : index
      %swap3A_290 = tpu.vector_load %arg11[%swap3A_288, %swap3A_289] {strides = array<i32>} : memref<64x128xf32, #tpu.memory_space<vmem>>, vector<1x16xf32>,
      %swap3A_291 = vector.shape_cast %swap3A_290 : vector<1x16xf32> to vector<16xf32>
      %swap3A_292 = vector.shape_cast %mul3A_287 : vector<16xf32> to vector<1x16xf32>
      tpu.vector_store %arg11[%swap3A_288, %swap3A_289], %swap3A_292 {strides = array<i32>} : memref<64x128xf32, #tpu.memory_space<vmem>>, vector<1x16xf32>,
      %get3A_293 = arith.index_cast %scan3A_246 : i32 to index
      %get3A_294 = arith.constant 64 : index
      %get3A_295 = tpu.vector_load %arg7[%get3A_293, %get3A_294] {strides = array<i32>} : memref<64x128xf32, #tpu.memory_space<vmem>>, vector<1x16xf32>,
      %get3A_296 = vector.shape_cast %get3A_295 : vector<1x16xf32> to vector<16xf32>
      %mul3A_297 = arith.constant 11.3137083 : f32
      %mul3A_298 = vector.broadcast %mul3A_297 : f32 to vector<16xf32>
      %mul3A_299 = arith.mulf %get3A_296, %mul3A_298 : vector<16xf32>
      %swap3A_300 = arith.index_cast %scan3A_246 : i32 to index
      %swap3A_301 = arith.constant 64 : index
      %swap3A_302 = tpu.vector_load %arg11[%swap3A_300, %swap3A_301] {strides = array<i32>} : memref<64x128xf32, #tpu.memory_space<vmem>>, vector<1x16xf32>,
      %swap3A_303 = vector.shape_cast %swap3A_302 : vector<1x16xf32> to vector<16xf32>
      %swap3A_304 = vector.shape_cast %mul3A_299 : vector<16xf32> to vector<1x16xf32>
      tpu.vector_store %arg11[%swap3A_300, %swap3A_301], %swap3A_304 {strides = array<i32>} : memref<64x128xf32, #tpu.memory_space<vmem>>, vector<1x16xf32>,
      %get3A_305 = arith.index_cast %scan3A_246 : i32 to index
      %get3A_306 = arith.constant 80 : index
      %get3A_307 = tpu.vector_load %arg7[%get3A_305, %get3A_306] {strides = array<i32>} : memref<64x128xf32, #tpu.memory_space<vmem>>, vector<1x16xf32>,
      %get3A_308 = vector.shape_cast %get3A_307 : vector<1x16xf32> to vector<16xf32>
      %mul3A_309 = arith.constant 11.3137083 : f32
      %mul3A_310 = vector.broadcast %mul3A_309 : f32 to vector<16xf32>
      %mul3A_311 = arith.mulf %get3A_308, %mul3A_310 : vector<16xf32>
      %swap3A_312 = arith.index_cast %scan3A_246 : i32 to index
      %swap3A_313 = arith.constant 80 : index
      %swap3A_314 = tpu.vector_load %arg11[%swap3A_312, %swap3A_313] {strides = array<i32>} : memref<64x128xf32, #tpu.memory_space<vmem>>, vector<1x16xf32>,
      %swap3A_315 = vector.shape_cast %swap3A_314 : vector<1x16xf32> to vector<16xf32>
      %swap3A_316 = vector.shape_cast %mul3A_311 : vector<16xf32> to vector<1x16xf32>
      tpu.vector_store %arg11[%swap3A_312, %swap3A_313], %swap3A_316 {strides = array<i32>} : memref<64x128xf32, #tpu.memory_space<vmem>>, vector<1x16xf32>,
      %get3A_317 = arith.index_cast %scan3A_246 : i32 to index
      %get3A_318 = arith.constant 96 : index
      %get3A_319 = tpu.vector_load %arg7[%get3A_317, %get3A_318] {strides = array<i32>} : memref<64x128xf32, #tpu.memory_space<vmem>>, vector<1x16xf32>,
      %get3A_320 = vector.shape_cast %get3A_319 : vector<1x16xf32> to vector<16xf32>
      %mul3A_321 = arith.constant 11.3137083 : f32
      %mul3A_322 = vector.broadcast %mul3A_321 : f32 to vector<16xf32>
      %mul3A_323 = arith.mulf %get3A_320, %mul3A_322 : vector<16xf32>
      %swap3A_324 = arith.index_cast %scan3A_246 : i32 to index
      %swap3A_325 = arith.constant 96 : index
      %swap3A_326 = tpu.vector_load %arg11[%swap3A_324, %swap3A_325] {strides = array<i32>} : memref<64x128xf32, #tpu.memory_space<vmem>>, vector<1x16xf32>,
      %swap3A_327 = vector.shape_cast %swap3A_326 : vector<1x16xf32> to vector<16xf32>
      %swap3A_328 = vector.shape_cast %mul3A_323 : vector<16xf32> to vector<1x16xf32>
      tpu.vector_store %arg11[%swap3A_324, %swap3A_325], %swap3A_328 {strides = array<i32>} : memref<64x128xf32, #tpu.memory_space<vmem>>, vector<1x16xf32>,
      %get3A_329 = arith.index_cast %scan3A_246 : i32 to index
      %get3A_330 = arith.constant 112 : index
      %get3A_331 = tpu.vector_load %arg7[%get3A_329, %get3A_330] {strides = array<i32>} : memref<64x128xf32, #tpu.memory_space<vmem>>, vector<1x16xf32>,
      %get3A_332 = vector.shape_cast %get3A_331 : vector<1x16xf32> to vector<16xf32>
      %mul3A_333 = arith.constant 11.3137083 : f32
      %mul3A_334 = vector.broadcast %mul3A_333 : f32 to vector<16xf32>
      %mul3A_335 = arith.mulf %get3A_332, %mul3A_334 : vector<16xf32>
      %swap3A_336 = arith.index_cast %scan3A_246 : i32 to index
      %swap3A_337 = arith.constant 112 : index
      %swap3A_338 = tpu.vector_load %arg11[%swap3A_336, %swap3A_337] {strides = array<i32>} : memref<64x128xf32, #tpu.memory_space<vmem>>, vector<1x16xf32>,
      %swap3A_339 = vector.shape_cast %swap3A_338 : vector<1x16xf32> to vector<16xf32>
      %swap3A_340 = vector.shape_cast %mul3A_335 : vector<16xf32> to vector<1x16xf32>
      tpu.vector_store %arg11[%swap3A_336, %swap3A_337], %swap3A_340 {strides = array<i32>} : memref<64x128xf32, #tpu.memory_space<vmem>>, vector<1x16xf32>,
    }
    %scan3A_177 = arith.constant 64 : i32
    %add3A_178 = arith.constant 6208 : i32
    %add3A_179 = arith.addi %mul3A_2, %add3A_178 : i32
    %dma_start3A_180 = arith.constant 0 : i32
    %dma_start3A_181 = tpu.memref_slice %arg4[%add3A_179, %dma_start3A_180] : memref<204800x128xf32, #tpu.memory_space<hbm>> -> memref<64x128xf32, #tpu.memory_space<hbm>>
    %dma_start3A_182 = arith.constant 0 : i32
    %dma_start3A_183 = tpu.memref_slice %arg4[%add3A_179, %dma_start3A_182] : memref<204800x128xf32, #tpu.memory_space<hbm>> -> memref<64x128xf32, #tpu.memory_space<hbm>>
    tpu.enqueue_dma source(%arg11 : memref<64x128xf32, #tpu.memory_space<vmem>>) target(%dma_start3A_183 : memref<64x128xf32, #tpu.memory_space<hbm>>) target_semaphore(%arg19 : memref<!tpu.dma_semaphore, #tpu.memory_space<semaphore_mem>>)
    %dma_wait3A_184 = arith.constant 0 : i32
    %dma_wait3A_185 = arith.constant 0 : i32
    %dma_wait3A_186 = tpu.memref_slice %arg5[%dma_wait3A_184, %dma_wait3A_185] : memref<100x64xi32, #tpu.memory_space<vmem>> -> memref<1x64xi32, #tpu.memory_space<vmem>>
    %dma_wait3A_187 = tpu.memref_squeeze %dma_wait3A_186 : memref<1x64xi32, #tpu.memory_space<vmem>> -> memref<64xi32, #tpu.memory_space<vmem>>
    %dma_wait3A_188 = arith.constant 0 : i32
    %dma_wait3A_189 = arith.constant 0 : i32
    %dma_wait3A_190 = tpu.memref_slice %arg3[%dma_wait3A_188, %dma_wait3A_189] : memref<100000x128xf32, #tpu.memory_space<hbm>> -> memref<100000x128xf32, #tpu.memory_space<hbm>>
    tpu.wait_indirect_dma semaphore(%arg16 : memref<!tpu.dma_semaphore, #tpu.memory_space<semaphore_mem>>) src(%dma_wait3A_190 : memref<100000x128xf32, #tpu.memory_space<hbm>>) dst(%arg8 : memref<64x128xf32, #tpu.memory_space<vmem>>)
    %dma_wait3A_191 = arith.constant 0 : i32
    %dma_wait3A_192 = tpu.memref_slice %arg4[%mul3A_2, %dma_wait3A_191] : memref<204800x128xf32, #tpu.memory_space<hbm>> -> memref<64x128xf32, #tpu.memory_space<hbm>>
    %dma_wait3A_193 = arith.constant 0 : i32
    %dma_wait3A_194 = tpu.memref_slice %arg4[%mul3A_2, %dma_wait3A_193] : memref<204800x128xf32, #tpu.memory_space<hbm>> -> memref<64x128xf32, #tpu.memory_space<hbm>>
    tpu.wait_dma2 semaphore(%arg20 : memref<!tpu.dma_semaphore, #tpu.memory_space<semaphore_mem>>) src(%arg12 : memref<64x128xf32, #tpu.memory_space<vmem>>) dst(%dma_wait3A_194 : memref<64x128xf32, #tpu.memory_space<hbm>>)
    %scan3A_195 = arith.constant 0 : i32
    %scan3A_196 = arith.constant 0 : i32
    %scan3A_197 = arith.constant 64 : i32
    %scan3A_198 = arith.addi %scan3A_196, %scan3A_197 : i32
    %scan3A_199 = arith.constant 1 : i32
    scf.for %scan3A_246 = %scan3A_196 to %scan3A_198 step %scan3A_199  : i32 {
      %get3A = arith.index_cast %scan3A_246 : i32 to index
      %get3A_247 = arith.constant 0 : index
      %get3A_248 = tpu.vector_load %arg8[%get3A, %get3A_247] {strides = array<i32>} : memref<64x128xf32, #tpu.memory_space<vmem>>, vector<1x16xf32>,
      %get3A_249 = vector.shape_cast %get3A_248 : vector<1x16xf32> to vector<16xf32>
      %mul3A_250 = arith.constant 11.3137083 : f32
      %mul3A_251 = vector.broadcast %mul3A_250 : f32 to vector<16xf32>
      %mul3A_252 = arith.mulf %get3A_249, %mul3A_251 : vector<16xf32>
      %swap3A = arith.index_cast %scan3A_246 : i32 to index
      %swap3A_253 = arith.constant 0 : index
      %swap3A_254 = tpu.vector_load %arg12[%swap3A, %swap3A_253] {strides = array<i32>} : memref<64x128xf32, #tpu.memory_space<vmem>>, vector<1x16xf32>,
      %swap3A_255 = vector.shape_cast %swap3A_254 : vector<1x16xf32> to vector<16xf32>
      %swap3A_256 = vector.shape_cast %mul3A_252 : vector<16xf32> to vector<1x16xf32>
      tpu.vector_store %arg12[%swap3A, %swap3A_253], %swap3A_256 {strides = array<i32>} : memref<64x128xf32, #tpu.memory_space<vmem>>, vector<1x16xf32>,
      %get3A_257 = arith.index_cast %scan3A_246 : i32 to index
      %get3A_258 = arith.constant 16 : index
      %get3A_259 = tpu.vector_load %arg8[%get3A_257, %get3A_258] {strides = array<i32>} : memref<64x128xf32, #tpu.memory_space<vmem>>, vector<1x16xf32>,
      %get3A_260 = vector.shape_cast %get3A_259 : vector<1x16xf32> to vector<16xf32>
      %mul3A_261 = arith.constant 11.3137083 : f32
      %mul3A_262 = vector.broadcast %mul3A_261 : f32 to vector<16xf32>
      %mul3A_263 = arith.mulf %get3A_260, %mul3A_262 : vector<16xf32>
      %swap3A_264 = arith.index_cast %scan3A_246 : i32 to index
      %swap3A_265 = arith.constant 16 : index
      %swap3A_266 = tpu.vector_load %arg12[%swap3A_264, %swap3A_265] {strides = array<i32>} : memref<64x128xf32, #tpu.memory_space<vmem>>, vector<1x16xf32>,
      %swap3A_267 = vector.shape_cast %swap3A_266 : vector<1x16xf32> to vector<16xf32>
      %swap3A_268 = vector.shape_cast %mul3A_263 : vector<16xf32> to vector<1x16xf32>
      tpu.vector_store %arg12[%swap3A_264, %swap3A_265], %swap3A_268 {strides = array<i32>} : memref<64x128xf32, #tpu.memory_space<vmem>>, vector<1x16xf32>,
      %get3A_269 = arith.index_cast %scan3A_246 : i32 to index
      %get3A_270 = arith.constant 32 : index
      %get3A_271 = tpu.vector_load %arg8[%get3A_269, %get3A_270] {strides = array<i32>} : memref<64x128xf32, #tpu.memory_space<vmem>>, vector<1x16xf32>,
      %get3A_272 = vector.shape_cast %get3A_271 : vector<1x16xf32> to vector<16xf32>
      %mul3A_273 = arith.constant 11.3137083 : f32
      %mul3A_274 = vector.broadcast %mul3A_273 : f32 to vector<16xf32>
      %mul3A_275 = arith.mulf %get3A_272, %mul3A_274 : vector<16xf32>
      %swap3A_276 = arith.index_cast %scan3A_246 : i32 to index
      %swap3A_277 = arith.constant 32 : index
      %swap3A_278 = tpu.vector_load %arg12[%swap3A_276, %swap3A_277] {strides = array<i32>} : memref<64x128xf32, #tpu.memory_space<vmem>>, vector<1x16xf32>,
      %swap3A_279 = vector.shape_cast %swap3A_278 : vector<1x16xf32> to vector<16xf32>
      %swap3A_280 = vector.shape_cast %mul3A_275 : vector<16xf32> to vector<1x16xf32>
      tpu.vector_store %arg12[%swap3A_276, %swap3A_277], %swap3A_280 {strides = array<i32>} : memref<64x128xf32, #tpu.memory_space<vmem>>, vector<1x16xf32>,
      %get3A_281 = arith.index_cast %scan3A_246 : i32 to index
      %get3A_282 = arith.constant 48 : index
      %get3A_283 = tpu.vector_load %arg8[%get3A_281, %get3A_282] {strides = array<i32>} : memref<64x128xf32, #tpu.memory_space<vmem>>, vector<1x16xf32>,
      %get3A_284 = vector.shape_cast %get3A_283 : vector<1x16xf32> to vector<16xf32>
      %mul3A_285 = arith.constant 11.3137083 : f32
      %mul3A_286 = vector.broadcast %mul3A_285 : f32 to vector<16xf32>
      %mul3A_287 = arith.mulf %get3A_284, %mul3A_286 : vector<16xf32>
      %swap3A_288 = arith.index_cast %scan3A_246 : i32 to index
      %swap3A_289 = arith.constant 48 : index
      %swap3A_290 = tpu.vector_load %arg12[%swap3A_288, %swap3A_289] {strides = array<i32>} : memref<64x128xf32, #tpu.memory_space<vmem>>, vector<1x16xf32>,
      %swap3A_291 = vector.shape_cast %swap3A_290 : vector<1x16xf32> to vector<16xf32>
      %swap3A_292 = vector.shape_cast %mul3A_287 : vector<16xf32> to vector<1x16xf32>
      tpu.vector_store %arg12[%swap3A_288, %swap3A_289], %swap3A_292 {strides = array<i32>} : memref<64x128xf32, #tpu.memory_space<vmem>>, vector<1x16xf32>,
      %get3A_293 = arith.index_cast %scan3A_246 : i32 to index
      %get3A_294 = arith.constant 64 : index
      %get3A_295 = tpu.vector_load %arg8[%get3A_293, %get3A_294] {strides = array<i32>} : memref<64x128xf32, #tpu.memory_space<vmem>>, vector<1x16xf32>,
      %get3A_296 = vector.shape_cast %get3A_295 : vector<1x16xf32> to vector<16xf32>
      %mul3A_297 = arith.constant 11.3137083 : f32
      %mul3A_298 = vector.broadcast %mul3A_297 : f32 to vector<16xf32>
      %mul3A_299 = arith.mulf %get3A_296, %mul3A_298 : vector<16xf32>
      %swap3A_300 = arith.index_cast %scan3A_246 : i32 to index
      %swap3A_301 = arith.constant 64 : index
      %swap3A_302 = tpu.vector_load %arg12[%swap3A_300, %swap3A_301] {strides = array<i32>} : memref<64x128xf32, #tpu.memory_space<vmem>>, vector<1x16xf32>,
      %swap3A_303 = vector.shape_cast %swap3A_302 : vector<1x16xf32> to vector<16xf32>
      %swap3A_304 = vector.shape_cast %mul3A_299 : vector<16xf32> to vector<1x16xf32>
      tpu.vector_store %arg12[%swap3A_300, %swap3A_301], %swap3A_304 {strides = array<i32>} : memref<64x128xf32, #tpu.memory_space<vmem>>, vector<1x16xf32>,
      %get3A_305 = arith.index_cast %scan3A_246 : i32 to index
      %get3A_306 = arith.constant 80 : index
      %get3A_307 = tpu.vector_load %arg8[%get3A_305, %get3A_306] {strides = array<i32>} : memref<64x128xf32, #tpu.memory_space<vmem>>, vector<1x16xf32>,
      %get3A_308 = vector.shape_cast %get3A_307 : vector<1x16xf32> to vector<16xf32>
      %mul3A_309 = arith.constant 11.3137083 : f32
      %mul3A_310 = vector.broadcast %mul3A_309 : f32 to vector<16xf32>
      %mul3A_311 = arith.mulf %get3A_308, %mul3A_310 : vector<16xf32>
      %swap3A_312 = arith.index_cast %scan3A_246 : i32 to index
      %swap3A_313 = arith.constant 80 : index
      %swap3A_314 = tpu.vector_load %arg12[%swap3A_312, %swap3A_313] {strides = array<i32>} : memref<64x128xf32, #tpu.memory_space<vmem>>, vector<1x16xf32>,
      %swap3A_315 = vector.shape_cast %swap3A_314 : vector<1x16xf32> to vector<16xf32>
      %swap3A_316 = vector.shape_cast %mul3A_311 : vector<16xf32> to vector<1x16xf32>
      tpu.vector_store %arg12[%swap3A_312, %swap3A_313], %swap3A_316 {strides = array<i32>} : memref<64x128xf32, #tpu.memory_space<vmem>>, vector<1x16xf32>,
      %get3A_317 = arith.index_cast %scan3A_246 : i32 to index
      %get3A_318 = arith.constant 96 : index
      %get3A_319 = tpu.vector_load %arg8[%get3A_317, %get3A_318] {strides = array<i32>} : memref<64x128xf32, #tpu.memory_space<vmem>>, vector<1x16xf32>,
      %get3A_320 = vector.shape_cast %get3A_319 : vector<1x16xf32> to vector<16xf32>
      %mul3A_321 = arith.constant 11.3137083 : f32
      %mul3A_322 = vector.broadcast %mul3A_321 : f32 to vector<16xf32>
      %mul3A_323 = arith.mulf %get3A_320, %mul3A_322 : vector<16xf32>
      %swap3A_324 = arith.index_cast %scan3A_246 : i32 to index
      %swap3A_325 = arith.constant 96 : index
      %swap3A_326 = tpu.vector_load %arg12[%swap3A_324, %swap3A_325] {strides = array<i32>} : memref<64x128xf32, #tpu.memory_space<vmem>>, vector<1x16xf32>,
      %swap3A_327 = vector.shape_cast %swap3A_326 : vector<1x16xf32> to vector<16xf32>
      %swap3A_328 = vector.shape_cast %mul3A_323 : vector<16xf32> to vector<1x16xf32>
      tpu.vector_store %arg12[%swap3A_324, %swap3A_325], %swap3A_328 {strides = array<i32>} : memref<64x128xf32, #tpu.memory_space<vmem>>, vector<1x16xf32>,
      %get3A_329 = arith.index_cast %scan3A_246 : i32 to index
      %get3A_330 = arith.constant 112 : index
      %get3A_331 = tpu.vector_load %arg8[%get3A_329, %get3A_330] {strides = array<i32>} : memref<64x128xf32, #tpu.memory_space<vmem>>, vector<1x16xf32>,
      %get3A_332 = vector.shape_cast %get3A_331 : vector<1x16xf32> to vector<16xf32>
      %mul3A_333 = arith.constant 11.3137083 : f32
      %mul3A_334 = vector.broadcast %mul3A_333 : f32 to vector<16xf32>
      %mul3A_335 = arith.mulf %get3A_332, %mul3A_334 : vector<16xf32>
      %swap3A_336 = arith.index_cast %scan3A_246 : i32 to index
      %swap3A_337 = arith.constant 112 : index
      %swap3A_338 = tpu.vector_load %arg12[%swap3A_336, %swap3A_337] {strides = array<i32>} : memref<64x128xf32, #tpu.memory_space<vmem>>, vector<1x16xf32>,
      %swap3A_339 = vector.shape_cast %swap3A_338 : vector<1x16xf32> to vector<16xf32>
      %swap3A_340 = vector.shape_cast %mul3A_335 : vector<16xf32> to vector<1x16xf32>
      tpu.vector_store %arg12[%swap3A_336, %swap3A_337], %swap3A_340 {strides = array<i32>} : memref<64x128xf32, #tpu.memory_space<vmem>>, vector<1x16xf32>,
    }
    %scan3A_200 = arith.constant 64 : i32
    %add3A_201 = arith.constant 6272 : i32
    %add3A_202 = arith.addi %mul3A_2, %add3A_201 : i32
    %dma_start3A_203 = arith.constant 0 : i32
    %dma_start3A_204 = tpu.memref_slice %arg4[%add3A_202, %dma_start3A_203] : memref<204800x128xf32, #tpu.memory_space<hbm>> -> memref<64x128xf32, #tpu.memory_space<hbm>>
    %dma_start3A_205 = arith.constant 0 : i32
    %dma_start3A_206 = tpu.memref_slice %arg4[%add3A_202, %dma_start3A_205] : memref<204800x128xf32, #tpu.memory_space<hbm>> -> memref<64x128xf32, #tpu.memory_space<hbm>>
    tpu.enqueue_dma source(%arg12 : memref<64x128xf32, #tpu.memory_space<vmem>>) target(%dma_start3A_206 : memref<64x128xf32, #tpu.memory_space<hbm>>) target_semaphore(%arg20 : memref<!tpu.dma_semaphore, #tpu.memory_space<semaphore_mem>>)
    %dma_wait3A_207 = arith.constant 0 : i32
    %dma_wait3A_208 = arith.constant 0 : i32
    %dma_wait3A_209 = tpu.memref_slice %arg5[%dma_wait3A_207, %dma_wait3A_208] : memref<100x64xi32, #tpu.memory_space<vmem>> -> memref<1x64xi32, #tpu.memory_space<vmem>>
    %dma_wait3A_210 = tpu.memref_squeeze %dma_wait3A_209 : memref<1x64xi32, #tpu.memory_space<vmem>> -> memref<64xi32, #tpu.memory_space<vmem>>
    %dma_wait3A_211 = arith.constant 0 : i32
    %dma_wait3A_212 = arith.constant 0 : i32
    %dma_wait3A_213 = tpu.memref_slice %arg3[%dma_wait3A_211, %dma_wait3A_212] : memref<100000x128xf32, #tpu.memory_space<hbm>> -> memref<100000x128xf32, #tpu.memory_space<hbm>>
    tpu.wait_indirect_dma semaphore(%arg17 : memref<!tpu.dma_semaphore, #tpu.memory_space<semaphore_mem>>) src(%dma_wait3A_213 : memref<100000x128xf32, #tpu.memory_space<hbm>>) dst(%arg9 : memref<64x128xf32, #tpu.memory_space<vmem>>)
    %dma_wait3A_214 = arith.constant 0 : i32
    %dma_wait3A_215 = tpu.memref_slice %arg4[%mul3A_2, %dma_wait3A_214] : memref<204800x128xf32, #tpu.memory_space<hbm>> -> memref<64x128xf32, #tpu.memory_space<hbm>>
    %dma_wait3A_216 = arith.constant 0 : i32
    %dma_wait3A_217 = tpu.memref_slice %arg4[%mul3A_2, %dma_wait3A_216] : memref<204800x128xf32, #tpu.memory_space<hbm>> -> memref<64x128xf32, #tpu.memory_space<hbm>>
    tpu.wait_dma2 semaphore(%arg21 : memref<!tpu.dma_semaphore, #tpu.memory_space<semaphore_mem>>) src(%arg13 : memref<64x128xf32, #tpu.memory_space<vmem>>) dst(%dma_wait3A_217 : memref<64x128xf32, #tpu.memory_space<hbm>>)
    %scan3A_218 = arith.constant 0 : i32
    %scan3A_219 = arith.constant 0 : i32
    %scan3A_220 = arith.constant 64 : i32
    %scan3A_221 = arith.addi %scan3A_219, %scan3A_220 : i32
    %scan3A_222 = arith.constant 1 : i32
    scf.for %scan3A_246 = %scan3A_219 to %scan3A_221 step %scan3A_222  : i32 {
      %get3A = arith.index_cast %scan3A_246 : i32 to index
      %get3A_247 = arith.constant 0 : index
      %get3A_248 = tpu.vector_load %arg9[%get3A, %get3A_247] {strides = array<i32>} : memref<64x128xf32, #tpu.memory_space<vmem>>, vector<1x16xf32>,
      %get3A_249 = vector.shape_cast %get3A_248 : vector<1x16xf32> to vector<16xf32>
      %mul3A_250 = arith.constant 11.3137083 : f32
      %mul3A_251 = vector.broadcast %mul3A_250 : f32 to vector<16xf32>
      %mul3A_252 = arith.mulf %get3A_249, %mul3A_251 : vector<16xf32>
      %swap3A = arith.index_cast %scan3A_246 : i32 to index
      %swap3A_253 = arith.constant 0 : index
      %swap3A_254 = tpu.vector_load %arg13[%swap3A, %swap3A_253] {strides = array<i32>} : memref<64x128xf32, #tpu.memory_space<vmem>>, vector<1x16xf32>,
      %swap3A_255 = vector.shape_cast %swap3A_254 : vector<1x16xf32> to vector<16xf32>
      %swap3A_256 = vector.shape_cast %mul3A_252 : vector<16xf32> to vector<1x16xf32>
      tpu.vector_store %arg13[%swap3A, %swap3A_253], %swap3A_256 {strides = array<i32>} : memref<64x128xf32, #tpu.memory_space<vmem>>, vector<1x16xf32>,
      %get3A_257 = arith.index_cast %scan3A_246 : i32 to index
      %get3A_258 = arith.constant 16 : index
      %get3A_259 = tpu.vector_load %arg9[%get3A_257, %get3A_258] {strides = array<i32>} : memref<64x128xf32, #tpu.memory_space<vmem>>, vector<1x16xf32>,
      %get3A_260 = vector.shape_cast %get3A_259 : vector<1x16xf32> to vector<16xf32>
      %mul3A_261 = arith.constant 11.3137083 : f32
      %mul3A_262 = vector.broadcast %mul3A_261 : f32 to vector<16xf32>
      %mul3A_263 = arith.mulf %get3A_260, %mul3A_262 : vector<16xf32>
      %swap3A_264 = arith.index_cast %scan3A_246 : i32 to index
      %swap3A_265 = arith.constant 16 : index
      %swap3A_266 = tpu.vector_load %arg13[%swap3A_264, %swap3A_265] {strides = array<i32>} : memref<64x128xf32, #tpu.memory_space<vmem>>, vector<1x16xf32>,
      %swap3A_267 = vector.shape_cast %swap3A_266 : vector<1x16xf32> to vector<16xf32>
      %swap3A_268 = vector.shape_cast %mul3A_263 : vector<16xf32> to vector<1x16xf32>
      tpu.vector_store %arg13[%swap3A_264, %swap3A_265], %swap3A_268 {strides = array<i32>} : memref<64x128xf32, #tpu.memory_space<vmem>>, vector<1x16xf32>,
      %get3A_269 = arith.index_cast %scan3A_246 : i32 to index
      %get3A_270 = arith.constant 32 : index
      %get3A_271 = tpu.vector_load %arg9[%get3A_269, %get3A_270] {strides = array<i32>} : memref<64x128xf32, #tpu.memory_space<vmem>>, vector<1x16xf32>,
      %get3A_272 = vector.shape_cast %get3A_271 : vector<1x16xf32> to vector<16xf32>
      %mul3A_273 = arith.constant 11.3137083 : f32
      %mul3A_274 = vector.broadcast %mul3A_273 : f32 to vector<16xf32>
      %mul3A_275 = arith.mulf %get3A_272, %mul3A_274 : vector<16xf32>
      %swap3A_276 = arith.index_cast %scan3A_246 : i32 to index
      %swap3A_277 = arith.constant 32 : index
      %swap3A_278 = tpu.vector_load %arg13[%swap3A_276, %swap3A_277] {strides = array<i32>} : memref<64x128xf32, #tpu.memory_space<vmem>>, vector<1x16xf32>,
      %swap3A_279 = vector.shape_cast %swap3A_278 : vector<1x16xf32> to vector<16xf32>
      %swap3A_280 = vector.shape_cast %mul3A_275 : vector<16xf32> to vector<1x16xf32>
      tpu.vector_store %arg13[%swap3A_276, %swap3A_277], %swap3A_280 {strides = array<i32>} : memref<64x128xf32, #tpu.memory_space<vmem>>, vector<1x16xf32>,
      %get3A_281 = arith.index_cast %scan3A_246 : i32 to index
      %get3A_282 = arith.constant 48 : index
      %get3A_283 = tpu.vector_load %arg9[%get3A_281, %get3A_282] {strides = array<i32>} : memref<64x128xf32, #tpu.memory_space<vmem>>, vector<1x16xf32>,
      %get3A_284 = vector.shape_cast %get3A_283 : vector<1x16xf32> to vector<16xf32>
      %mul3A_285 = arith.constant 11.3137083 : f32
      %mul3A_286 = vector.broadcast %mul3A_285 : f32 to vector<16xf32>
      %mul3A_287 = arith.mulf %get3A_284, %mul3A_286 : vector<16xf32>
      %swap3A_288 = arith.index_cast %scan3A_246 : i32 to index
      %swap3A_289 = arith.constant 48 : index
      %swap3A_290 = tpu.vector_load %arg13[%swap3A_288, %swap3A_289] {strides = array<i32>} : memref<64x128xf32, #tpu.memory_space<vmem>>, vector<1x16xf32>,
      %swap3A_291 = vector.shape_cast %swap3A_290 : vector<1x16xf32> to vector<16xf32>
      %swap3A_292 = vector.shape_cast %mul3A_287 : vector<16xf32> to vector<1x16xf32>
      tpu.vector_store %arg13[%swap3A_288, %swap3A_289], %swap3A_292 {strides = array<i32>} : memref<64x128xf32, #tpu.memory_space<vmem>>, vector<1x16xf32>,
      %get3A_293 = arith.index_cast %scan3A_246 : i32 to index
      %get3A_294 = arith.constant 64 : index
      %get3A_295 = tpu.vector_load %arg9[%get3A_293, %get3A_294] {strides = array<i32>} : memref<64x128xf32, #tpu.memory_space<vmem>>, vector<1x16xf32>,
      %get3A_296 = vector.shape_cast %get3A_295 : vector<1x16xf32> to vector<16xf32>
      %mul3A_297 = arith.constant 11.3137083 : f32
      %mul3A_298 = vector.broadcast %mul3A_297 : f32 to vector<16xf32>
      %mul3A_299 = arith.mulf %get3A_296, %mul3A_298 : vector<16xf32>
      %swap3A_300 = arith.index_cast %scan3A_246 : i32 to index
      %swap3A_301 = arith.constant 64 : index
      %swap3A_302 = tpu.vector_load %arg13[%swap3A_300, %swap3A_301] {strides = array<i32>} : memref<64x128xf32, #tpu.memory_space<vmem>>, vector<1x16xf32>,
      %swap3A_303 = vector.shape_cast %swap3A_302 : vector<1x16xf32> to vector<16xf32>
      %swap3A_304 = vector.shape_cast %mul3A_299 : vector<16xf32> to vector<1x16xf32>
      tpu.vector_store %arg13[%swap3A_300, %swap3A_301], %swap3A_304 {strides = array<i32>} : memref<64x128xf32, #tpu.memory_space<vmem>>, vector<1x16xf32>,
      %get3A_305 = arith.index_cast %scan3A_246 : i32 to index
      %get3A_306 = arith.constant 80 : index
      %get3A_307 = tpu.vector_load %arg9[%get3A_305, %get3A_306] {strides = array<i32>} : memref<64x128xf32, #tpu.memory_space<vmem>>, vector<1x16xf32>,
      %get3A_308 = vector.shape_cast %get3A_307 : vector<1x16xf32> to vector<16xf32>
      %mul3A_309 = arith.constant 11.3137083 : f32
      %mul3A_310 = vector.broadcast %mul3A_309 : f32 to vector<16xf32>
      %mul3A_311 = arith.mulf %get3A_308, %mul3A_310 : vector<16xf32>
      %swap3A_312 = arith.index_cast %scan3A_246 : i32 to index
      %swap3A_313 = arith.constant 80 : index
      %swap3A_314 = tpu.vector_load %arg13[%swap3A_312, %swap3A_313] {strides = array<i32>} : memref<64x128xf32, #tpu.memory_space<vmem>>, vector<1x16xf32>,
      %swap3A_315 = vector.shape_cast %swap3A_314 : vector<1x16xf32> to vector<16xf32>
      %swap3A_316 = vector.shape_cast %mul3A_311 : vector<16xf32> to vector<1x16xf32>
      tpu.vector_store %arg13[%swap3A_312, %swap3A_313], %swap3A_316 {strides = array<i32>} : memref<64x128xf32, #tpu.memory_space<vmem>>, vector<1x16xf32>,
      %get3A_317 = arith.index_cast %scan3A_246 : i32 to index
      %get3A_318 = arith.constant 96 : index
      %get3A_319 = tpu.vector_load %arg9[%get3A_317, %get3A_318] {strides = array<i32>} : memref<64x128xf32, #tpu.memory_space<vmem>>, vector<1x16xf32>,
      %get3A_320 = vector.shape_cast %get3A_319 : vector<1x16xf32> to vector<16xf32>
      %mul3A_321 = arith.constant 11.3137083 : f32
      %mul3A_322 = vector.broadcast %mul3A_321 : f32 to vector<16xf32>
      %mul3A_323 = arith.mulf %get3A_320, %mul3A_322 : vector<16xf32>
      %swap3A_324 = arith.index_cast %scan3A_246 : i32 to index
      %swap3A_325 = arith.constant 96 : index
      %swap3A_326 = tpu.vector_load %arg13[%swap3A_324, %swap3A_325] {strides = array<i32>} : memref<64x128xf32, #tpu.memory_space<vmem>>, vector<1x16xf32>,
      %swap3A_327 = vector.shape_cast %swap3A_326 : vector<1x16xf32> to vector<16xf32>
      %swap3A_328 = vector.shape_cast %mul3A_323 : vector<16xf32> to vector<1x16xf32>
      tpu.vector_store %arg13[%swap3A_324, %swap3A_325], %swap3A_328 {strides = array<i32>} : memref<64x128xf32, #tpu.memory_space<vmem>>, vector<1x16xf32>,
      %get3A_329 = arith.index_cast %scan3A_246 : i32 to index
      %get3A_330 = arith.constant 112 : index
      %get3A_331 = tpu.vector_load %arg9[%get3A_329, %get3A_330] {strides = array<i32>} : memref<64x128xf32, #tpu.memory_space<vmem>>, vector<1x16xf32>,
      %get3A_332 = vector.shape_cast %get3A_331 : vector<1x16xf32> to vector<16xf32>
      %mul3A_333 = arith.constant 11.3137083 : f32
      %mul3A_334 = vector.broadcast %mul3A_333 : f32 to vector<16xf32>
      %mul3A_335 = arith.mulf %get3A_332, %mul3A_334 : vector<16xf32>
      %swap3A_336 = arith.index_cast %scan3A_246 : i32 to index
      %swap3A_337 = arith.constant 112 : index
      %swap3A_338 = tpu.vector_load %arg13[%swap3A_336, %swap3A_337] {strides = array<i32>} : memref<64x128xf32, #tpu.memory_space<vmem>>, vector<1x16xf32>,
      %swap3A_339 = vector.shape_cast %swap3A_338 : vector<1x16xf32> to vector<16xf32>
      %swap3A_340 = vector.shape_cast %mul3A_335 : vector<16xf32> to vector<1x16xf32>
      tpu.vector_store %arg13[%swap3A_336, %swap3A_337], %swap3A_340 {strides = array<i32>} : memref<64x128xf32, #tpu.memory_space<vmem>>, vector<1x16xf32>,
    }
    %scan3A_223 = arith.constant 64 : i32
    %add3A_224 = arith.constant 6336 : i32
    %add3A_225 = arith.addi %mul3A_2, %add3A_224 : i32
    %dma_start3A_226 = arith.constant 0 : i32
    %dma_start3A_227 = tpu.memref_slice %arg4[%add3A_225, %dma_start3A_226] : memref<204800x128xf32, #tpu.memory_space<hbm>> -> memref<64x128xf32, #tpu.memory_space<hbm>>
    %dma_start3A_228 = arith.constant 0 : i32
    %dma_start3A_229 = tpu.memref_slice %arg4[%add3A_225, %dma_start3A_228] : memref<204800x128xf32, #tpu.memory_space<hbm>> -> memref<64x128xf32, #tpu.memory_space<hbm>>
    tpu.enqueue_dma source(%arg13 : memref<64x128xf32, #tpu.memory_space<vmem>>) target(%dma_start3A_229 : memref<64x128xf32, #tpu.memory_space<hbm>>) target_semaphore(%arg21 : memref<!tpu.dma_semaphore, #tpu.memory_space<semaphore_mem>>)
    %dma_wait3A_230 = arith.constant 0 : i32
    %dma_wait3A_231 = tpu.memref_slice %arg4[%mul3A_2, %dma_wait3A_230] : memref<204800x128xf32, #tpu.memory_space<hbm>> -> memref<64x128xf32, #tpu.memory_space<hbm>>
    %dma_wait3A_232 = arith.constant 0 : i32
    %dma_wait3A_233 = tpu.memref_slice %arg4[%mul3A_2, %dma_wait3A_232] : memref<204800x128xf32, #tpu.memory_space<hbm>> -> memref<64x128xf32, #tpu.memory_space<hbm>>
    tpu.wait_dma2 semaphore(%arg18 : memref<!tpu.dma_semaphore, #tpu.memory_space<semaphore_mem>>) src(%arg10 : memref<64x128xf32, #tpu.memory_space<vmem>>) dst(%dma_wait3A_233 : memref<64x128xf32, #tpu.memory_space<hbm>>)
    %dma_wait3A_234 = arith.constant 0 : i32
    %dma_wait3A_235 = tpu.memref_slice %arg4[%mul3A_2, %dma_wait3A_234] : memref<204800x128xf32, #tpu.memory_space<hbm>> -> memref<64x128xf32, #tpu.memory_space<hbm>>
    %dma_wait3A_236 = arith.constant 0 : i32
    %dma_wait3A_237 = tpu.memref_slice %arg4[%mul3A_2, %dma_wait3A_236] : memref<204800x128xf32, #tpu.memory_space<hbm>> -> memref<64x128xf32, #tpu.memory_space<hbm>>
    tpu.wait_dma2 semaphore(%arg19 : memref<!tpu.dma_semaphore, #tpu.memory_space<semaphore_mem>>) src(%arg11 : memref<64x128xf32, #tpu.memory_space<vmem>>) dst(%dma_wait3A_237 : memref<64x128xf32, #tpu.memory_space<hbm>>)
    %dma_wait3A_238 = arith.constant 0 : i32
    %dma_wait3A_239 = tpu.memref_slice %arg4[%mul3A_2, %dma_wait3A_238] : memref<204800x128xf32, #tpu.memory_space<hbm>> -> memref<64x128xf32, #tpu.memory_space<hbm>>
    %dma_wait3A_240 = arith.constant 0 : i32
    %dma_wait3A_241 = tpu.memref_slice %arg4[%mul3A_2, %dma_wait3A_240] : memref<204800x128xf32, #tpu.memory_space<hbm>> -> memref<64x128xf32, #tpu.memory_space<hbm>>
    tpu.wait_dma2 semaphore(%arg20 : memref<!tpu.dma_semaphore, #tpu.memory_space<semaphore_mem>>) src(%arg12 : memref<64x128xf32, #tpu.memory_space<vmem>>) dst(%dma_wait3A_241 : memref<64x128xf32, #tpu.memory_space<hbm>>)
    %dma_wait3A_242 = arith.constant 0 : i32
    %dma_wait3A_243 = tpu.memref_slice %arg4[%mul3A_2, %dma_wait3A_242] : memref<204800x128xf32, #tpu.memory_space<hbm>> -> memref<64x128xf32, #tpu.memory_space<hbm>>
    %dma_wait3A_244 = arith.constant 0 : i32
    %dma_wait3A_245 = tpu.memref_slice %arg4[%mul3A_2, %dma_wait3A_244] : memref<204800x128xf32, #tpu.memory_space<hbm>> -> memref<64x128xf32, #tpu.memory_space<hbm>>
    tpu.wait_dma2 semaphore(%arg21 : memref<!tpu.dma_semaphore, #tpu.memory_space<semaphore_mem>>) src(%arg13 : memref<64x128xf32, #tpu.memory_space<vmem>>) dst(%dma_wait3A_245 : memref<64x128xf32, #tpu.memory_space<hbm>>)
    return
  }
}

</mosaic_0001>

<sc_bundles>
// kernel: kernel.3.cloned.1.call-start
scs
__scs_entry_jumppad:
0x0: {  	(pc) =	sbr.rel $0x88, $3  }
0x1: {  	(tag) =	ssettag $0x0;
	lr =	simm.s32 $0x1  }
0x2: {  	[smem:$0x3F9F] =	sst lr;
	_ =	strace $0xD0000000  }
0x3: {  	_ = 	snop  }
0x4: {  	_ = 	snop  }
0x5: {  	_ = 	snop  }
0x6: {  	_ = 	snop  }
0x7: {  	_ = 	snop  }
__scs_overlays_trampoline_lowered:
0x8: {  	[smem:$0x3FAE] =	sst s0  }
0x9: {  	[smem:$0x3FAF] =	sst s1  }
0xa: {  	[smem:$0x3FB0] =	sst s2  }
0xb: {  	[smem:$0x3FB1] =	sst s3  }
0xc: {  	[smem:$0x3FB2] =	sst s4  }
0xd: {  	[smem:$0x3FB3] =	sst s5  }
0xe: {  	[smem:$0x3FB4] =	sst s6  }
0xf: {  	[smem:$0x3FB5] =	sst s7  }
0x10: {  	[smem:$0x3FB6] =	sst s8  }
0x11: {  	[smem:$0x3FB7] =	sst s9;
	s0 =	simm.s32 @!p0 $0x0  }
0x12: {  	s1 =	sld [smem:$0x3F9D];
	s0 =	simm.s32 @p0 $0x1  }
0x13: {  	[smem:$0x3FB8] =	sst s0;
	s0 =	simm.s32 @!p1 $0x0  }
0x14: {  	s2 =	sld [smem:$0x3F9C];
	s0 =	simm.s32 @p1 $0x1  }
0x15: {  	[smem:$0x3FB9] =	sst s0;
	s0 =	simm.s32 @!p2 $0x0  }
0x16: {  	s3 =	sld [smem:$0x3FDB];
	s0 =	simm.s32 @p2 $0x1  }
0x17: {  	s4 =	simm.s32 $0x1BF5;
	[smem:$0x3FBB] =	sst s0  }
0x18: {  	s0 =	sld [smem:$0x3F9E];
	_ =	swait.ge [sflag:s4], $0x0  }
0x19: {  	s7 =	sld [smem:$0x3F9F]  }
0x1a: {  	s8 =	sadd.s32 $0xFFFFE003, lr  }
0x1b: {  	s9 =	sadd.s32 $0xFFFFFEF7, lr;
	s5 =	simm.s32 $0xFFFFFFFF;
	p2 =	slt.u32 s8, $0xFFFFF086  }
0x1c: {  	p1 =	slt.u32 s9, $0xF7A;
	s5 =	simm.s32 @!p2 $0x0  }
0x1d: {  	s5 =	simm.s32 @p1 $0x1;
	p0 =	seq.s32 s7, s2  }
0x1e: {  	s7 =	smul.u32 @!p0 $0xF7A, s2;
	p2 =	seq.s32 @!p0 s5, $0x0  }
0x1f: {  	s9 =	smul.u32 $0xF7A, s1;
	s8 =	simm.s32 @!p0 $0x1BF5;
	p2 =	por !p2, p0  }
0x20: {  	[sflag:s8] =	ssyncset.s32 @!p0 $0xFFFFF086;
	s6 =	sadd.s32 @!p0 s3, s7;
	s7 =	simm.s32 @!p0 $0x108  }
0x21: {  	s3 =	sadd.s32 s3, s9;
	s6 =	sadd.s32 @!p0 $0x88, s6;
	s7 =	simm.s32 @p2 $0x1082  }
0x22: {  	[simem:s7], [sflag:s8] =	dma.local @!p0 [hbm:s6], $0xF7A  }
0x23: {  	s9 =	sor.u32 $0xD0000000, s2;
	s6 =	simm.s32 $0x108;
	_ =	swait.ge @!p0 [sflag:s8], $0x0  }
0x24: {  	s3 =	sadd.s32 $0x88, s3;
	s6 =	simm.s32 @!p1 $0x1082;
	[sflag:s4] =	ssyncset.s32 $0xFFFFF086  }
0x25: {  	[simem:s6], [sflag:s4] =	dma.local [hbm:s3], $0xF7A  }
0x26: {  	[smem:$0x3F9F] =	sst s1;
	(tag) =	ssettag s2;
	_ =	strace s9  }
0x27: {  	s1 =	sld [smem:$0x3FAF]  }
0x28: {  	s2 =	sld [smem:$0x3FB0]  }
0x29: {  	s4 =	sld [smem:$0x3FB2]  }
0x2a: {  	p0 =	seq.s32 s5, $0x0;
	s5 =	sld [smem:$0x3FB3]  }
0x2b: {  	s6 =	sld [smem:$0x3FB4]  }
0x2c: {  	s7 =	sld [smem:$0x3FB5]  }
0x2d: {  	s3 =	simm.s32 $0x108;
	s8 =	sld [smem:$0x3FB6]  }
0x2e: {  	s3 =	simm.s32 @!p0 $0x1082;
	s9 =	sld [smem:$0x3FB7]  }
0x2f: {  	lr =	sadd.s32 s0, s3;
	s0 =	sld [smem:$0x3FAE]  }
0x30: {  	s3 =	sld [smem:$0x3FB1]  }
0x31: {  	[smem:$0x3FBA] =	sst s10  }
0x32: {  	s10 =	sld [smem:$0x3FB8];
	_ =	sdelay $0x3  }
0x33: {  	p0 =	seq.s32 s10, $0x1;
	s10 =	sld [smem:$0x3FBA];
	_ =	sdelay $0x3  }
0x34: {  	[smem:$0x3FBA] =	sst s10  }
0x35: {  	s10 =	sld [smem:$0x3FB9];
	_ =	sdelay $0x3  }
0x36: {  	p1 =	seq.s32 s10, $0x1;
	s10 =	sld [smem:$0x3FBA];
	_ =	sdelay $0x3  }
0x37: {  	[smem:$0x3FBA] =	sst s10  }
0x38: {  	s10 =	sld [smem:$0x3FBB]  }
0x39: {  	_ = 	snop;
	(pc) =	sbr.ind lr, $3  }
0x3a: {  	_ = 	snop  }
0x3b: {  	_ = 	snop  }
0x3c: {  	p2 =	seq.s32 s10, $0x1;
	s10 =	sld [smem:$0x3FBA]  }
0x3d: {  	_ =	shalt  }
0x3e: {  	_ =	shalt  }
0x3f: {  	_ =	shalt  }
0x40: {  	_ =	shalt  }
0x41: {  	_ =	shalt  }
0x42: {  	_ =	shalt  }
0x43: {  	_ =	shalt  }
0x44: {  	_ =	shalt  }
0x45: {  	_ =	shalt  }
0x46: {  	_ =	shalt  }
0x47: {  	_ =	shalt  }
0x48: {  	_ =	shalt  }
0x49: {  	_ =	shalt  }
0x4a: {  	_ =	shalt  }
0x4b: {  	_ =	shalt  }
0x4c: {  	_ =	shalt  }
0x4d: {  	_ =	shalt  }
0x4e: {  	_ =	shalt  }
0x4f: {  	_ =	shalt  }
0x50: {  	_ =	shalt  }
0x51: {  	_ =	shalt  }
0x52: {  	_ =	shalt  }
0x53: {  	_ =	shalt  }
0x54: {  	_ =	shalt  }
0x55: {  	_ =	shalt  }
0x56: {  	_ =	shalt  }
0x57: {  	_ =	shalt  }
0x58: {  	_ =	shalt  }
0x59: {  	_ =	shalt  }
0x5a: {  	_ =	shalt  }
0x5b: {  	_ =	shalt  }
0x5c: {  	_ =	shalt  }
0x5d: {  	_ =	shalt  }
0x5e: {  	_ =	shalt  }
0x5f: {  	_ =	shalt  }
0x60: {  	_ =	shalt  }
0x61: {  	_ =	shalt  }
0x62: {  	_ =	shalt  }
0x63: {  	_ =	shalt  }
0x64: {  	_ =	shalt  }
0x65: {  	_ =	shalt  }
0x66: {  	_ =	shalt  }
0x67: {  	_ =	shalt  }
0x68: {  	_ =	shalt  }
0x69: {  	_ =	shalt  }
0x6a: {  	_ =	shalt  }
0x6b: {  	_ =	shalt  }
0x6c: {  	_ =	shalt  }
0x6d: {  	_ =	shalt  }
0x6e: {  	_ =	shalt  }
0x6f: {  	_ =	shalt  }
0x70: {  	_ =	shalt  }
0x71: {  	_ =	shalt  }
0x72: {  	_ =	shalt  }
0x73: {  	_ =	shalt  }
0x74: {  	_ =	shalt  }
0x75: {  	_ =	shalt  }
0x76: {  	_ =	shalt  }
0x77: {  	_ =	shalt  }
0x78: {  	_ =	shalt  }
0x79: {  	_ =	shalt  }
0x7a: {  	_ =	shalt  }
0x7b: {  	_ =	shalt  }
0x7c: {  	_ =	shalt  }
0x7d: {  	_ =	shalt  }
0x7e: {  	_ =	shalt  }
0x7f: {  	_ =	shalt  }
0x80: {  	_ =	shalt  }
0x81: {  	_ =	shalt  }
0x82: {  	_ =	shalt  }
0x83: {  	_ =	shalt  }
0x84: {  	_ =	shalt  }
0x85: {  	_ =	shalt  }
0x86: {  	_ =	shalt  }
0x87: {  	_ =	shalt  }
.Lfunc_end0:
.L_simem_size_0:
called_computation_lowered:
.L_overlay_start_0:
0x88: {  	s2 =	sld [smem:$0x3FD9]  }
0x89: {  	s3 =	sld [smem:$0x3FFE];
	_ =	sdelay $0x1  }
0x8a: {  	s1 =	srdreg.scid  }
0x8b: {  	s0 =	sand.u32 $0x1, s1  }
0x8c: {  	s17 =	sshll.u32 s0, $0xA;
	s2 =	sadd.s32 s3, s2  }
0x8d: {  	s2 =	sadd.s32 s2, s17  }
0x8e: {  	[smem:$0x3FC6] =	sst s2  }
0x8f: {  	_ = 	snop  }
0x90: {  	s2 =	sld [smem:$0x3FC8]  }
0x91: {  	s18 =	sld [smem:$0x3FD0];
	(tm) =	ssettm $0x1  }
0x92: {  	s4 =	sld [smem:$0x3FFB];
	_ =	sdelay $0x3  }
0x93: {  	_ =	strace s4  }
0x94: {  	s4 =	sld [smem:$0x3FFC];
	_ =	sdelay $0x3  }
0x95: {  	_ =	strace s4  }
0x96: {  	s4 =	sld [smem:$0x3FFD];
	_ =	sdelay $0x3  }
0x97: {  	_ =	strace s4  }
0x98: {  	_ =	strace $0x8FFFFFFF  }
0x99: {  	s19 =	sld [smem:$0x3FDB];
	_ =	sdelay $0x1  }
0x9a: {  	s5 =	simm.s32 $_scs_section_size  }
0x9b: {  	s6 =	simm.s32 $_size__tile_overlayer_lowered;
	s7 =	simm.s32 $_tile_overlayer_lowered  }
0x9c: {  	s22 =	simm.s32 $0x1BFF;
	s21 =	sshll.u32 s7, $0x1;
	s4 =	sadd.s32 s5, s19  }
0x9d: {  	s8 =	simm.s32 $0x0;
	s20 =	sshll.u32 s6, $0x1;
	s6 =	sadd.s32 s21, s4  }
0x9e: {  	[timem:s8], [sflag:s22] =	dma.local [hbm:s6], s20  }
0x9f: {  	_ =	swait.ge [sflag:s22], s20  }
0xa0: {  	s5 =	ssub.s32 $0x0, s20;
	[sflag:s22] =	ssyncset.done $0x0  }
0xa1: {  	[sflag:s22] =	ssyncadd.s32 s5;
	_ =	sdelay $0x1  }
0xa2: {  	s23 =	simm.s32 $0x1B8B  }
0xa3: {  	_ =	swait.ge [sflag:s23], $0x1  }
0xa4: {  	[sflag:s23] =	ssyncset.done $0x0  }
0xa5: {  	s25 =	simm.s32 $0x1B8E;
	s24 =	sld [smem:$0x3FFE];
	[sflag:s23] =	ssyncadd.s32 $0xFFFFFFFF  }
0xa6: {  	s26 =	simm.s32 $execute0_lowered;
	[smem:$0x3FD2] =	sst s25  }
0xa7: {  	s6 =	sshll.u32 s26, $0x1;
	_ =	strace $0x80000046;
	[dreg:$0x1] =	wrdreg $0xFFFFFFFF  }
0xa8: {  	s28 =	simm.s32 $_size_execute0_lowered;
	s4 =	sadd.s32 s4, s6;
	[dreg:$0x0] =	wrdreg $0x0  }
0xa9: {  	s6 =	sshll.u32 s28, $0x1;
	[dreg:$0x2] =	wrdreg s4  }
0xaa: {  	[dreg:$0x3] =	wrdreg s6  }
0xab: {  	[dreg:$0x4] =	wrdreg $0xC0  }
0xac: {  	_ =	task [dreg:s8], $0x5FFFF  }
0xad: {  	[dreg:$0x1] =	wrdreg $0xFFFFFFFF  }
0xae: {  	[dreg:$0x0] =	wrdreg $0x60  }
0xaf: {  	[dreg:$0x2] =	wrdreg s24  }
0xb0: {  	[dreg:$0x3] =	wrdreg s2  }
0xb1: {  	[dreg:$0x4] =	wrdreg s18  }
0xb2: {  	[dreg:$0x5] =	wrdreg $0x9  }
0xb3: {  	_ =	task.clear_ibuf [dreg:s8], $0x6FFFF;
	_ =	strace $0x90000046  }
0xb4: {  	s29 =	simm.s32 $0x9;
	_ =	strace $0x80000048  }
0xb5: {  	_ =	swait.ge [sflag:s29], $0x1  }
0xb6: {  	[sflag:s29] =	ssyncadd.s32 $0xFFFFFFFF  }
0xb7: {  	_ =	strace $0x90000048  }
0xb8: {  	_ =	sfence  }
0xb9: {  	s30 =	sld [smem:$0x0];
	_ =	sdelay $0x2  }
0xba: {  	s31 =	sshll.u32 s1, $0xD;
	s1 =	sshrl.u32 s1, $0x2  }
0xbb: {  	s3 =	sand.u32 $0x4000, s31;
	s1 =	sadd.s32 s1, s30  }
0xbc: {  	s0 =	sor.u32 s3, s0;
	s1 =	sshll.u32 s1, $0x11  }
0xbd: {  	s0 =	sor.u32 s1, s0  }
0xbe: {  	s0 =	sadd.s32 $0x8F2B, s0  }
0xbf: {  	[sflag:s0] =	ssyncadd.remote.s32 $0x1  }
0xc0: {  	_ =	sfence.sel $0xFFFF  }
0xc1: {  	[dreg:$0x0] =	wrdreg $0xFFFFFFFF;
	(pc) =	sbr.abs _section_cstart, $3  }
0xc2: {  	[dreg:$0x1] =	wrdreg $0xFFFFFFFF  }
0xc3: {  	_ =	task.clear_ibuf [dreg:s8], $0x2FFFF;
	_ =	strace $0x9FFFFFFF  }
0xc4: {  	(tm) =	ssettm $0x7FFFFFFF  }
0xc5: {  	_ =	shalt  }
tec
execute0_lowered:
.L_overlay_start_1:
0x0: {  	(tag) =	ssettag $0x1  }
0x1: {  	s0 =	rddreg [dreg:$0x0]  }
0x2: {  	s2 =	rddreg [dreg:$0x1];
	s1 =	srdreg.scid  }
0x3: {  	s4 =	stileid.u32;
	s3 =	rddreg [dreg:$0x2]  }
0x4: {  	s28 =	simm.s32 $0x9400;
	s29 =	simm.s32 $0x1;
	s31 =	simm.s32 $0xB400  }
0x5: {  	s30 =	simm.s32 $0xF400;
	s1 =	sand.u32 $0x1, s1;
	s5 =	sshll.u32 s4, $0x1  }
0x6: {  	s9 =	simm.s32 $0x7;
	s10 =	simm.s32 $0x8;
	s6 =	sor.u32 s1, s5  }
0x7: {  	s4 =	simm.s32 $0x0;
	s1 =	ssub.s32 $0x2, s1;
	s5 =	smul.u32 $0x680, s6  }
0x8: {  	[smem:$0x7FF] =	sst s4;
	s7 =	sshrl.u32 s1, $0x1;
	s8 =	smul.u32 $0x19000, s6  }
0x9: {  	s14 =	simm.s32 $0x0;
	_ =	strace $0x80000047;
	s1 =	ssub.s32 s1, s7  }
0xa: {  	s0 =	sadd.s32 s5, s0;
	s5 =	smul.u32 $0xC8000, s6;
	s19 =	sadd.s32 s3, s8  }
0xb: {  	s6 =	smul.u32 $0x1900, s6;
	s26 =	smax.u32 s1, $0x1;
	[dreg:$0x5] =	wrdreg s19  }
0xc: {  	s1 =	simm.s32 $0x2;
	s0 =	sadd.s32 $0x400, s0;
	[dreg:$0xd] =	wrdreg s26  }
0xd: {  	s8 =	simm.s32 $0x6;
	s20 =	sadd.s32 $0x400, s19;
	[dreg:$0x4] =	wrdreg s0  }
0xe: {  	s21 =	sadd.s32 $0x800, s19;
	s7 =	sadd.s32 $0xC00, s19;
	[dreg:$0x6] =	wrdreg s20  }
0xf: {  	s26 =	simm.s32 $0x11400;
	[dreg:$0x7] =	wrdreg s21;
	s22 =	sshrl.u32 s5, $0x3  }
0x10: {  	[dreg:$0x8] =	wrdreg s7;
	s11 =	sor.u32 $0x40, s6;
	s0 =	sadd.s32 s3, s22  }
0x11: {  	s12 =	sor.u32 $0x80, s6;
	s13 =	sor.u32 $0xC0, s6;
	s23 =	sadd.s32 $0x18000, s0  }
0x12: {  	s20 =	simm.s32 $0x40;
	s24 =	sadd.s32 $0x18400, s0;
	[dreg:$0x9] =	wrdreg s23  }
0x13: {  	s21 =	simm.s32 $0x3400;
	s25 =	sadd.s32 $0x18800, s0;
	[dreg:$0xa] =	wrdreg s24  }
0x14: {  	s6 =	simm.s32 $0x5;
	s0 =	sadd.s32 $0x18C00, s0;
	[dreg:$0xb] =	wrdreg s25  }
0x15: {  	s22 =	simm.s32 $0xD400;
	[dreg:$0xc] =	wrdreg s0;
	s23 =	simm.s32 $0x5400  }
0x16: {  	s25 =	simm.s32 $0x7400;
	s24 =	simm.s32 $0x3;
	s0 =	simm.s32 $0x4  }
.LBB2_1:
0x17: {  	s7 =	rddreg [dreg:$0x4];
	s16 =	simm.s32 $0x9  }
0x18: {  	[tilespmem:s4], [sflag:$0x9] =	stream.linear.gather [hbm4b:s7+s4], $0x3200, $0x38;
	[tilespmem:$0x13400] =	vst v63  }
0x19: {  	_ =	swait.ge [sflag:s16], $0x3200  }
0x1a: {  	[sflag:s16] =	ssyncset.done $0x0  }
0x1b: {  	[sflag:s16] =	ssyncadd.s32 $0xFFFFCE00  }
0x1c: {  	[tilespmem:s21], [sflag:$0x1] =	stream.indirect.gather [hbm4b:s2+s20], $0x80, s4, s20, $0xb8;
	[tilespmem:$0x13400] =	vst v63  }
0x1d: {  	s17 =	simm.s32 $0x80  }
0x1e: {  	[tilespmem:s23], [sflag:$0x2] =	stream.indirect.gather [hbm4b:s2+s20], $0x80, s17, s20, $0xb8;
	[tilespmem:$0x13400] =	vst v63  }
0x1f: {  	s18 =	simm.s32 $0x100  }
0x20: {  	[tilespmem:s25], [sflag:$0x3] =	stream.indirect.gather [hbm4b:s2+s20], $0x80, s18, s20, $0xb8;
	[tilespmem:$0x13400] =	vst v63  }
0x21: {  	s19 =	simm.s32 $0x180  }
0x22: {  	[tilespmem:s28], [sflag:$0x4] =	stream.indirect.gather [hbm4b:s2+s20], $0x80, s19, s20, $0xb8;
	[tilespmem:$0x13400] =	vst v63  }
0x23: {  	_ =	swait.ge [sflag:s29], $0x2000  }
0x24: {  	[sflag:s29] =	ssyncset.done $0x0  }
0x25: {  	s16 =	simm.s32 $0x0;
	[sflag:s29] =	ssyncadd.s32 $0xFFFFE000  }
0x26: {  	v1 =	vld [tilespmem:s16+$0x3470]  }
0x27: {  	v5 =	vld [tilespmem:s16+$0x3400]  }
0x28: {  	v6 =	vld [tilespmem:s16+$0x3410]  }
0x29: {  	v4 =	vld [tilespmem:s16+$0x3420]  }
0x2a: {  	v3 =	vld [tilespmem:s16+$0x3430]  }
0x2b: {  	v0 =	vld [tilespmem:s16+$0x3440];
	v7 =	vmul.f32 $1.131370830e+01, v1  }
0x2c: {  	v1 =	vld [tilespmem:s16+$0x3450];
	v5 =	vmul.f32 $1.131370830e+01, v5  }
0x2d: {  	s15 =	simm.s32 $0x80;
	s7 =	simm.s32 $0x400;
	v2 =	vld [tilespmem:s16+$0x3460];
	v6 =	vmul.f32 $1.131370830e+01, v6;
	[tilespmem:s16+$0xB470] =	vst v7  }
.LBB2_2:
0x2e: {  	p0 =	sne.s32 s7, $0x7E00;
	v7 =	vld [tilespmem:s15+$0x3470];
	[tilespmem:s16+$0xB400] =	vst v5;
	v4 =	vmul.f32 $1.131370830e+01, v4  }
0x2f: {  	v5 =	vld [tilespmem:s15+$0x3400];
	[tilespmem:s16+$0xB410] =	vst v6;
	v3 =	vmul.f32 $1.131370830e+01, v3  }
0x30: {  	v6 =	vld [tilespmem:s15+$0x3410];
	[tilespmem:s16+$0xB420] =	vst v4;
	v0 =	vmul.f32 $1.131370830e+01, v0  }
.Ltmp0:
0x31: {  	v4 =	vld [tilespmem:s15+$0x3420];
	[tilespmem:s16+$0xB430] =	vst v3;
	v1 =	vmul.f32 $1.131370830e+01, v1;
	(pc) =	sbr.rel @p0 .LBB2_2-.Ltmp0, $4  }
0x32: {  	v3 =	vld [tilespmem:s15+$0x3430];
	[tilespmem:s16+$0xB440] =	vst v0;
	v2 =	vmul.f32 $1.131370830e+01, v2  }
0x33: {  	v0 =	vld [tilespmem:s15+$0x3440];
	v7 =	vmul.f32 $1.131370830e+01, v7;
	[tilespmem:s16+$0xB450] =	vst v1  }
0x34: {  	v5 =	vmul.f32 $1.131370830e+01, v5;
	v1 =	vld [tilespmem:s15+$0x3450];
	[tilespmem:s16+$0xB460] =	vst v2;
	s16 =	smov.u32 s15  }
0x35: {  	s15 =	sshra.s32 s7, $0x2;
	s7 =	sadd.s32 $0x200, s7;
	v6 =	vmul.f32 $1.131370830e+01, v6;
	v2 =	vld [tilespmem:s16+$0x3460];
	[tilespmem:s16+$0xB470] =	vst v7  }
0x36: {  	v7 =	vld [tilespmem:s15+$0x3470];
	[tilespmem:s16+$0xB400] =	vst v5;
	v4 =	vmul.f32 $1.131370830e+01, v4  }
0x37: {  	v5 =	vld [tilespmem:s15+$0x3400];
	[tilespmem:s16+$0xB410] =	vst v6;
	v3 =	vmul.f32 $1.131370830e+01, v3  }
0x38: {  	v6 =	vld [tilespmem:s15+$0x3410];
	[tilespmem:s16+$0xB420] =	vst v4;
	v0 =	vmul.f32 $1.131370830e+01, v0  }
0x39: {  	v4 =	vld [tilespmem:s15+$0x3420];
	[tilespmem:s16+$0xB430] =	vst v3;
	v1 =	vmul.f32 $1.131370830e+01, v1  }
0x3a: {  	v3 =	vld [tilespmem:s15+$0x3430];
	[tilespmem:s16+$0xB440] =	vst v0;
	v2 =	vmul.f32 $1.131370830e+01, v2  }
0x3b: {  	v0 =	vld [tilespmem:s15+$0x3440];
	[tilespmem:s16+$0xB450] =	vst v1;
	v7 =	vmul.f32 $1.131370830e+01, v7  }
0x3c: {  	v1 =	vld [tilespmem:s15+$0x3450];
	[tilespmem:s16+$0xB460] =	vst v2;
	v2 =	vmul.f32 $1.131370830e+01, v5  }
0x3d: {  	v5 =	vld [tilespmem:s15+$0x3460];
	v6 =	vmul.f32 $1.131370830e+01, v6;
	[tilespmem:s15+$0xB470] =	vst v7  }
0x3e: {  	[tilespmem:s15+$0xB400] =	vst v2;
	v2 =	vmul.f32 $1.131370830e+01, v4  }
0x3f: {  	[tilespmem:s15+$0xB410] =	vst v6;
	v3 =	vmul.f32 $1.131370830e+01, v3  }
0x40: {  	[tilespmem:s15+$0xB420] =	vst v2;
	v0 =	vmul.f32 $1.131370830e+01, v0  }
0x41: {  	[tilespmem:s15+$0xB430] =	vst v3;
	v1 =	vmul.f32 $1.131370830e+01, v1  }
0x42: {  	[tilespmem:s15+$0xB440] =	vst v0;
	v0 =	vmul.f32 $1.131370830e+01, v5  }
0x43: {  	[tilespmem:s15+$0xB450] =	vst v1  }
0x44: {  	s7 =	simm.s32 $0x200;
	[tilespmem:s15+$0xB460] =	vst v0  }
0x45: {  	[tilespmem:s21], [sflag:$0x1] =	stream.indirect.gather [hbm4b:s2+s20], $0x80, s7, s20, $0xb8;
	[tilespmem:$0x13400] =	vst v63  }
0x46: {  	s18 =	simm.s32 $0x0;
	s19 =	rddreg [dreg:$0x5]  }
0x47: {  	[hbm4b:s19+s18] =	stream.linear.scatter [tilespmem:s31], [sflag:$0x5], $0x2000, $0x38;
	[tilespmem:$0x13400] =	vst v63  }
0x48: {  	_ =	swait.ge [sflag:s1], $0x2000  }
0x49: {  	[sflag:s1] =	ssyncset.done $0x0  }
0x4a: {  	s16 =	simm.s32 $0x0;
	[sflag:s1] =	ssyncadd.s32 $0xFFFFE000  }
0x4b: {  	v1 =	vld [tilespmem:s16+$0x5470]  }
0x4c: {  	v5 =	vld [tilespmem:s16+$0x5400]  }
0x4d: {  	v6 =	vld [tilespmem:s16+$0x5410]  }
0x4e: {  	v4 =	vld [tilespmem:s16+$0x5420]  }
0x4f: {  	v3 =	vld [tilespmem:s16+$0x5430]  }
0x50: {  	v0 =	vld [tilespmem:s16+$0x5440];
	v7 =	vmul.f32 $1.131370830e+01, v1  }
0x51: {  	v1 =	vld [tilespmem:s16+$0x5450];
	v5 =	vmul.f32 $1.131370830e+01, v5  }
0x52: {  	s15 =	simm.s32 $0x80;
	s7 =	simm.s32 $0x400;
	v2 =	vld [tilespmem:s16+$0x5460];
	v6 =	vmul.f32 $1.131370830e+01, v6;
	[tilespmem:s16+$0xD470] =	vst v7  }
.LBB2_4:
0x53: {  	p0 =	sne.s32 s7, $0x7E00;
	v7 =	vld [tilespmem:s15+$0x5470];
	[tilespmem:s16+$0xD400] =	vst v5;
	v4 =	vmul.f32 $1.131370830e+01, v4  }
0x54: {  	v5 =	vld [tilespmem:s15+$0x5400];
	[tilespmem:s16+$0xD410] =	vst v6;
	v3 =	vmul.f32 $1.131370830e+01, v3  }
0x55: {  	v6 =	vld [tilespmem:s15+$0x5410];
	[tilespmem:s16+$0xD420] =	vst v4;
	v0 =	vmul.f32 $1.131370830e+01, v0  }
.Ltmp1:
0x56: {  	v4 =	vld [tilespmem:s15+$0x5420];
	[tilespmem:s16+$0xD430] =	vst v3;
	v1 =	vmul.f32 $1.131370830e+01, v1;
	(pc) =	sbr.rel @p0 .LBB2_4-.Ltmp1, $4  }
0x57: {  	v3 =	vld [tilespmem:s15+$0x5430];
	[tilespmem:s16+$0xD440] =	vst v0;
	v2 =	vmul.f32 $1.131370830e+01, v2  }
0x58: {  	v0 =	vld [tilespmem:s15+$0x5440];
	v7 =	vmul.f32 $1.131370830e+01, v7;
	[tilespmem:s16+$0xD450] =	vst v1  }
0x59: {  	v5 =	vmul.f32 $1.131370830e+01, v5;
	v1 =	vld [tilespmem:s15+$0x5450];
	[tilespmem:s16+$0xD460] =	vst v2;
	s16 =	smov.u32 s15  }
0x5a: {  	s15 =	sshra.s32 s7, $0x2;
	s7 =	sadd.s32 $0x200, s7;
	v6 =	vmul.f32 $1.131370830e+01, v6;
	v2 =	vld [tilespmem:s16+$0x5460];
	[tilespmem:s16+$0xD470] =	vst v7  }
0x5b: {  	v7 =	vld [tilespmem:s15+$0x5470];
	[tilespmem:s16+$0xD400] =	vst v5;
	v4 =	vmul.f32 $1.131370830e+01, v4  }
0x5c: {  	v5 =	vld [tilespmem:s15+$0x5400];
	[tilespmem:s16+$0xD410] =	vst v6;
	v3 =	vmul.f32 $1.131370830e+01, v3  }
0x5d: {  	v6 =	vld [tilespmem:s15+$0x5410];
	[tilespmem:s16+$0xD420] =	vst v4;
	v0 =	vmul.f32 $1.131370830e+01, v0  }
0x5e: {  	v4 =	vld [tilespmem:s15+$0x5420];
	[tilespmem:s16+$0xD430] =	vst v3;
	v1 =	vmul.f32 $1.131370830e+01, v1  }
0x5f: {  	v3 =	vld [tilespmem:s15+$0x5430];
	[tilespmem:s16+$0xD440] =	vst v0;
	v2 =	vmul.f32 $1.131370830e+01, v2  }
0x60: {  	v0 =	vld [tilespmem:s15+$0x5440];
	[tilespmem:s16+$0xD450] =	vst v1;
	v7 =	vmul.f32 $1.131370830e+01, v7  }
0x61: {  	v1 =	vld [tilespmem:s15+$0x5450];
	[tilespmem:s16+$0xD460] =	vst v2;
	v2 =	vmul.f32 $1.131370830e+01, v5  }
0x62: {  	v5 =	vld [tilespmem:s15+$0x5460];
	v6 =	vmul.f32 $1.131370830e+01, v6;
	[tilespmem:s15+$0xD470] =	vst v7  }
0x63: {  	[tilespmem:s15+$0xD400] =	vst v2;
	v2 =	vmul.f32 $1.131370830e+01, v4  }
0x64: {  	[tilespmem:s15+$0xD410] =	vst v6;
	v3 =	vmul.f32 $1.131370830e+01, v3  }
0x65: {  	[tilespmem:s15+$0xD420] =	vst v2;
	v0 =	vmul.f32 $1.131370830e+01, v0  }
0x66: {  	[tilespmem:s15+$0xD430] =	vst v3;
	v1 =	vmul.f32 $1.131370830e+01, v1  }
0x67: {  	[tilespmem:s15+$0xD440] =	vst v0;
	v0 =	vmul.f32 $1.131370830e+01, v5  }
0x68: {  	[tilespmem:s15+$0xD450] =	vst v1  }
0x69: {  	s7 =	simm.s32 $0x280;
	[tilespmem:s15+$0xD460] =	vst v0  }
0x6a: {  	[tilespmem:s23], [sflag:$0x2] =	stream.indirect.gather [hbm4b:s2+s20], $0x80, s7, s20, $0xb8;
	[tilespmem:$0x13400] =	vst v63  }
0x6b: {  	s18 =	simm.s32 $0x0;
	s19 =	rddreg [dreg:$0x6]  }
0x6c: {  	[hbm4b:s19+s18] =	stream.linear.scatter [tilespmem:s22], [sflag:$0x6], $0x2000, $0x38;
	[tilespmem:$0x13400] =	vst v63  }
0x6d: {  	_ =	swait.ge [sflag:s24], $0x2000  }
0x6e: {  	[sflag:s24] =	ssyncset.done $0x0  }
0x6f: {  	s16 =	simm.s32 $0x0;
	[sflag:s24] =	ssyncadd.s32 $0xFFFFE000  }
0x70: {  	v1 =	vld [tilespmem:s16+$0x7470]  }
0x71: {  	v5 =	vld [tilespmem:s16+$0x7400]  }
0x72: {  	v6 =	vld [tilespmem:s16+$0x7410]  }
0x73: {  	v4 =	vld [tilespmem:s16+$0x7420]  }
0x74: {  	v3 =	vld [tilespmem:s16+$0x7430]  }
0x75: {  	v0 =	vld [tilespmem:s16+$0x7440];
	v7 =	vmul.f32 $1.131370830e+01, v1  }
0x76: {  	v1 =	vld [tilespmem:s16+$0x7450];
	v5 =	vmul.f32 $1.131370830e+01, v5  }
0x77: {  	s15 =	simm.s32 $0x80;
	s7 =	simm.s32 $0x400;
	v2 =	vld [tilespmem:s16+$0x7460];
	v6 =	vmul.f32 $1.131370830e+01, v6;
	[tilespmem:s16+$0xF470] =	vst v7  }
.LBB2_6:
0x78: {  	p0 =	sne.s32 s7, $0x7E00;
	v7 =	vld [tilespmem:s15+$0x7470];
	[tilespmem:s16+$0xF400] =	vst v5;
	v4 =	vmul.f32 $1.131370830e+01, v4  }
0x79: {  	v5 =	vld [tilespmem:s15+$0x7400];
	[tilespmem:s16+$0xF410] =	vst v6;
	v3 =	vmul.f32 $1.131370830e+01, v3  }
0x7a: {  	v6 =	vld [tilespmem:s15+$0x7410];
	[tilespmem:s16+$0xF420] =	vst v4;
	v0 =	vmul.f32 $1.131370830e+01, v0  }
.Ltmp2:
0x7b: {  	v4 =	vld [tilespmem:s15+$0x7420];
	[tilespmem:s16+$0xF430] =	vst v3;
	v1 =	vmul.f32 $1.131370830e+01, v1;
	(pc) =	sbr.rel @p0 .LBB2_6-.Ltmp2, $4  }
0x7c: {  	v3 =	vld [tilespmem:s15+$0x7430];
	[tilespmem:s16+$0xF440] =	vst v0;
	v2 =	vmul.f32 $1.131370830e+01, v2  }
0x7d: {  	v0 =	vld [tilespmem:s15+$0x7440];
	v7 =	vmul.f32 $1.131370830e+01, v7;
	[tilespmem:s16+$0xF450] =	vst v1  }
0x7e: {  	v5 =	vmul.f32 $1.131370830e+01, v5;
	v1 =	vld [tilespmem:s15+$0x7450];
	[tilespmem:s16+$0xF460] =	vst v2;
	s16 =	smov.u32 s15  }
0x7f: {  	s15 =	sshra.s32 s7, $0x2;
	s7 =	sadd.s32 $0x200, s7;
	v6 =	vmul.f32 $1.131370830e+01, v6;
	v2 =	vld [tilespmem:s16+$0x7460];
	[tilespmem:s16+$0xF470] =	vst v7  }
0x80: {  	v7 =	vld [tilespmem:s15+$0x7470];
	[tilespmem:s16+$0xF400] =	vst v5;
	v4 =	vmul.f32 $1.131370830e+01, v4  }
0x81: {  	v5 =	vld [tilespmem:s15+$0x7400];
	[tilespmem:s16+$0xF410] =	vst v6;
	v3 =	vmul.f32 $1.131370830e+01, v3  }
0x82: {  	v6 =	vld [tilespmem:s15+$0x7410];
	[tilespmem:s16+$0xF420] =	vst v4;
	v0 =	vmul.f32 $1.131370830e+01, v0  }
0x83: {  	v4 =	vld [tilespmem:s15+$0x7420];
	[tilespmem:s16+$0xF430] =	vst v3;
	v1 =	vmul.f32 $1.131370830e+01, v1  }
0x84: {  	v3 =	vld [tilespmem:s15+$0x7430];
	[tilespmem:s16+$0xF440] =	vst v0;
	v2 =	vmul.f32 $1.131370830e+01, v2  }
0x85: {  	v0 =	vld [tilespmem:s15+$0x7440];
	[tilespmem:s16+$0xF450] =	vst v1;
	v7 =	vmul.f32 $1.131370830e+01, v7  }
0x86: {  	v1 =	vld [tilespmem:s15+$0x7450];
	[tilespmem:s16+$0xF460] =	vst v2;
	v2 =	vmul.f32 $1.131370830e+01, v5  }
0x87: {  	v5 =	vld [tilespmem:s15+$0x7460];
	v6 =	vmul.f32 $1.131370830e+01, v6;
	[tilespmem:s15+$0xF470] =	vst v7  }
0x88: {  	[tilespmem:s15+$0xF400] =	vst v2;
	v2 =	vmul.f32 $1.131370830e+01, v4  }
0x89: {  	[tilespmem:s15+$0xF410] =	vst v6;
	v3 =	vmul.f32 $1.131370830e+01, v3  }
0x8a: {  	[tilespmem:s15+$0xF420] =	vst v2;
	v0 =	vmul.f32 $1.131370830e+01, v0  }
0x8b: {  	[tilespmem:s15+$0xF430] =	vst v3;
	v1 =	vmul.f32 $1.131370830e+01, v1  }
0x8c: {  	[tilespmem:s15+$0xF440] =	vst v0;
	v0 =	vmul.f32 $1.131370830e+01, v5  }
0x8d: {  	[tilespmem:s15+$0xF450] =	vst v1  }
0x8e: {  	s7 =	simm.s32 $0x300;
	[tilespmem:s15+$0xF460] =	vst v0  }
0x8f: {  	[tilespmem:s25], [sflag:$0x3] =	stream.indirect.gather [hbm4b:s2+s20], $0x80, s7, s20, $0xb8;
	[tilespmem:$0x13400] =	vst v63  }
0x90: {  	s18 =	simm.s32 $0x0;
	s19 =	rddreg [dreg:$0x7]  }
0x91: {  	[hbm4b:s19+s18] =	stream.linear.scatter [tilespmem:s30], [sflag:$0x7], $0x2000, $0x38;
	[tilespmem:$0x13400] =	vst v63  }
0x92: {  	_ =	swait.ge [sflag:s0], $0x2000  }
0x93: {  	[sflag:s0] =	ssyncset.done $0x0  }
0x94: {  	s16 =	simm.s32 $0x0;
	[sflag:s0] =	ssyncadd.s32 $0xFFFFE000  }
0x95: {  	v1 =	vld [tilespmem:s16+$0x9470]  }
0x96: {  	v5 =	vld [tilespmem:s16+$0x9400]  }
0x97: {  	v6 =	vld [tilespmem:s16+$0x9410]  }
0x98: {  	v4 =	vld [tilespmem:s16+$0x9420]  }
0x99: {  	v3 =	vld [tilespmem:s16+$0x9430]  }
0x9a: {  	v0 =	vld [tilespmem:s16+$0x9440];
	v7 =	vmul.f32 $1.131370830e+01, v1  }
0x9b: {  	v1 =	vld [tilespmem:s16+$0x9450];
	v5 =	vmul.f32 $1.131370830e+01, v5  }
0x9c: {  	s15 =	simm.s32 $0x80;
	s7 =	simm.s32 $0x400;
	v2 =	vld [tilespmem:s16+$0x9460];
	v6 =	vmul.f32 $1.131370830e+01, v6;
	[tilespmem:s16+$0x11470] =	vst v7  }
.LBB2_8:
0x9d: {  	p0 =	sne.s32 s7, $0x7E00;
	v7 =	vld [tilespmem:s15+$0x9470];
	[tilespmem:s16+$0x11400] =	vst v5;
	v4 =	vmul.f32 $1.131370830e+01, v4  }
0x9e: {  	v5 =	vld [tilespmem:s15+$0x9400];
	[tilespmem:s16+$0x11410] =	vst v6;
	v3 =	vmul.f32 $1.131370830e+01, v3  }
0x9f: {  	v6 =	vld [tilespmem:s15+$0x9410];
	[tilespmem:s16+$0x11420] =	vst v4;
	v0 =	vmul.f32 $1.131370830e+01, v0  }
.Ltmp3:
0xa0: {  	v4 =	vld [tilespmem:s15+$0x9420];
	[tilespmem:s16+$0x11430] =	vst v3;
	v1 =	vmul.f32 $1.131370830e+01, v1;
	(pc) =	sbr.rel @p0 .LBB2_8-.Ltmp3, $4  }
0xa1: {  	v3 =	vld [tilespmem:s15+$0x9430];
	[tilespmem:s16+$0x11440] =	vst v0;
	v2 =	vmul.f32 $1.131370830e+01, v2  }
0xa2: {  	v0 =	vld [tilespmem:s15+$0x9440];
	v7 =	vmul.f32 $1.131370830e+01, v7;
	[tilespmem:s16+$0x11450] =	vst v1  }
0xa3: {  	v5 =	vmul.f32 $1.131370830e+01, v5;
	v1 =	vld [tilespmem:s15+$0x9450];
	[tilespmem:s16+$0x11460] =	vst v2;
	s16 =	smov.u32 s15  }
0xa4: {  	s15 =	sshra.s32 s7, $0x2;
	s7 =	sadd.s32 $0x200, s7;
	v6 =	vmul.f32 $1.131370830e+01, v6;
	v2 =	vld [tilespmem:s16+$0x9460];
	[tilespmem:s16+$0x11470] =	vst v7  }
0xa5: {  	v7 =	vld [tilespmem:s15+$0x9470];
	[tilespmem:s16+$0x11400] =	vst v5;
	v4 =	vmul.f32 $1.131370830e+01, v4  }
0xa6: {  	v5 =	vld [tilespmem:s15+$0x9400];
	[tilespmem:s16+$0x11410] =	vst v6;
	v3 =	vmul.f32 $1.131370830e+01, v3  }
0xa7: {  	v6 =	vld [tilespmem:s15+$0x9410];
	[tilespmem:s16+$0x11420] =	vst v4;
	v0 =	vmul.f32 $1.131370830e+01, v0  }
0xa8: {  	v4 =	vld [tilespmem:s15+$0x9420];
	[tilespmem:s16+$0x11430] =	vst v3;
	v1 =	vmul.f32 $1.131370830e+01, v1  }
0xa9: {  	v3 =	vld [tilespmem:s15+$0x9430];
	[tilespmem:s16+$0x11440] =	vst v0;
	v2 =	vmul.f32 $1.131370830e+01, v2  }
0xaa: {  	v0 =	vld [tilespmem:s15+$0x9440];
	[tilespmem:s16+$0x11450] =	vst v1;
	v7 =	vmul.f32 $1.131370830e+01, v7  }
0xab: {  	v1 =	vld [tilespmem:s15+$0x9450];
	[tilespmem:s16+$0x11460] =	vst v2;
	v60 =	vmul.f32 $1.131370830e+01, v5  }
0xac: {  	v61 =	vld [tilespmem:s15+$0x9460];
	v6 =	vmul.f32 $1.131370830e+01, v6;
	[tilespmem:s15+$0x11470] =	vst v7  }
0xad: {  	[tilespmem:s15+$0x11400] =	vst v60;
	v62 =	vmul.f32 $1.131370830e+01, v4  }
0xae: {  	[tilespmem:s15+$0x11410] =	vst v6;
	v3 =	vmul.f32 $1.131370830e+01, v3  }
0xaf: {  	[tilespmem:s15+$0x11420] =	vst v62;
	v0 =	vmul.f32 $1.131370830e+01, v0  }
0xb0: {  	[tilespmem:s15+$0x11430] =	vst v3;
	v1 =	vmul.f32 $1.131370830e+01, v1  }
0xb1: {  	[tilespmem:s15+$0x11440] =	vst v0;
	v63 =	vmul.f32 $1.131370830e+01, v61  }
0xb2: {  	[tilespmem:s15+$0x11450] =	vst v1  }
0xb3: {  	s7 =	simm.s32 $0x380;
	[tilespmem:s15+$0x11460] =	vst v63  }
0xb4: {  	[tilespmem:s28], [sflag:$0x4] =	stream.indirect.gather [hbm4b:s2+s20], $0x80, s7, s20, $0xb8;
	[tilespmem:$0x13400] =	vst v63  }
0xb5: {  	s19 =	rddreg [dreg:$0x8];
	s15 =	simm.s32 $0x1  }
0xb6: {  	[hbm4b:s19+s4] =	stream.linear.scatter [tilespmem:s26], [sflag:$0x8], $0x2000, $0x38;
	[tilespmem:$0x13400] =	vst v63  }
.LBB2_10:
0xb7: {  	_ =	swait.ge [sflag:s29], $0x2000  }
0xb8: {  	[sflag:s29] =	ssyncset.done $0x0  }
0xb9: {  	[sflag:s29] =	ssyncadd.s32 $0xFFFFE000  }
0xba: {  	_ =	swait.ge [sflag:s6], $0x2000  }
0xbb: {  	[sflag:s6] =	ssyncset.done $0x0  }
0xbc: {  	s16 =	simm.s32 $0x0;
	[sflag:s6] =	ssyncadd.s32 $0xFFFFE000  }
0xbd: {  	v1 =	vld [tilespmem:s16+$0x3470]  }
0xbe: {  	v5 =	vld [tilespmem:s16+$0x3400]  }
0xbf: {  	v6 =	vld [tilespmem:s16+$0x3410]  }
0xc0: {  	v4 =	vld [tilespmem:s16+$0x3420]  }
0xc1: {  	v3 =	vld [tilespmem:s16+$0x3430]  }
0xc2: {  	v0 =	vld [tilespmem:s16+$0x3440];
	v7 =	vmul.f32 $1.131370830e+01, v1  }
0xc3: {  	v1 =	vld [tilespmem:s16+$0x3450];
	v5 =	vmul.f32 $1.131370830e+01, v5  }
0xc4: {  	s17 =	simm.s32 $0x80;
	s7 =	simm.s32 $0x400;
	v2 =	vld [tilespmem:s16+$0x3460];
	v6 =	vmul.f32 $1.131370830e+01, v6;
	[tilespmem:s16+$0xB470] =	vst v7  }
.LBB2_11:
0xc5: {  	p0 =	sne.s32 s7, $0x7E00;
	v7 =	vld [tilespmem:s17+$0x3470];
	[tilespmem:s16+$0xB400] =	vst v5;
	v4 =	vmul.f32 $1.131370830e+01, v4  }
0xc6: {  	v5 =	vld [tilespmem:s17+$0x3400];
	[tilespmem:s16+$0xB410] =	vst v6;
	v3 =	vmul.f32 $1.131370830e+01, v3  }
0xc7: {  	v6 =	vld [tilespmem:s17+$0x3410];
	[tilespmem:s16+$0xB420] =	vst v4;
	v0 =	vmul.f32 $1.131370830e+01, v0  }
.Ltmp4:
0xc8: {  	v4 =	vld [tilespmem:s17+$0x3420];
	[tilespmem:s16+$0xB430] =	vst v3;
	v1 =	vmul.f32 $1.131370830e+01, v1;
	(pc) =	sbr.rel @p0 .LBB2_11-.Ltmp4, $4  }
0xc9: {  	v3 =	vld [tilespmem:s17+$0x3430];
	[tilespmem:s16+$0xB440] =	vst v0;
	v2 =	vmul.f32 $1.131370830e+01, v2  }
0xca: {  	v0 =	vld [tilespmem:s17+$0x3440];
	v7 =	vmul.f32 $1.131370830e+01, v7;
	[tilespmem:s16+$0xB450] =	vst v1  }
0xcb: {  	v5 =	vmul.f32 $1.131370830e+01, v5;
	v1 =	vld [tilespmem:s17+$0x3450];
	[tilespmem:s16+$0xB460] =	vst v2;
	s16 =	smov.u32 s17  }
0xcc: {  	s17 =	sshra.s32 s7, $0x2;
	s7 =	sadd.s32 $0x200, s7;
	v6 =	vmul.f32 $1.131370830e+01, v6;
	v2 =	vld [tilespmem:s16+$0x3460];
	[tilespmem:s16+$0xB470] =	vst v7  }
0xcd: {  	v7 =	vld [tilespmem:s17+$0x3470];
	[tilespmem:s16+$0xB400] =	vst v5;
	v4 =	vmul.f32 $1.131370830e+01, v4  }
0xce: {  	v5 =	vld [tilespmem:s17+$0x3400];
	[tilespmem:s16+$0xB410] =	vst v6;
	v3 =	vmul.f32 $1.131370830e+01, v3  }
0xcf: {  	v6 =	vld [tilespmem:s17+$0x3410];
	[tilespmem:s16+$0xB420] =	vst v4;
	v0 =	vmul.f32 $1.131370830e+01, v0  }
0xd0: {  	v4 =	vld [tilespmem:s17+$0x3420];
	[tilespmem:s16+$0xB430] =	vst v3;
	v1 =	vmul.f32 $1.131370830e+01, v1  }
0xd1: {  	v3 =	vld [tilespmem:s17+$0x3430];
	[tilespmem:s16+$0xB440] =	vst v0;
	v2 =	vmul.f32 $1.131370830e+01, v2  }
0xd2: {  	v0 =	vld [tilespmem:s17+$0x3440];
	[tilespmem:s16+$0xB450] =	vst v1;
	v7 =	vmul.f32 $1.131370830e+01, v7  }
0xd3: {  	v1 =	vld [tilespmem:s17+$0x3450];
	[tilespmem:s16+$0xB460] =	vst v2;
	v2 =	vmul.f32 $1.131370830e+01, v5  }
0xd4: {  	v5 =	vld [tilespmem:s17+$0x3460];
	v6 =	vmul.f32 $1.131370830e+01, v6;
	[tilespmem:s17+$0xB470] =	vst v7  }
0xd5: {  	[tilespmem:s17+$0xB400] =	vst v2;
	v2 =	vmul.f32 $1.131370830e+01, v4  }
0xd6: {  	[tilespmem:s17+$0xB410] =	vst v6;
	v3 =	vmul.f32 $1.131370830e+01, v3  }
0xd7: {  	[tilespmem:s17+$0xB420] =	vst v2;
	v0 =	vmul.f32 $1.131370830e+01, v0  }
0xd8: {  	[tilespmem:s17+$0xB430] =	vst v3;
	v1 =	vmul.f32 $1.131370830e+01, v1  }
0xd9: {  	s7 =	sshll.u32 s15, $0x9;
	[tilespmem:s17+$0xB440] =	vst v0;
	v0 =	vmul.f32 $1.131370830e+01, v5  }
0xda: {  	s16 =	sand.u32 $0x3FFFFE00, s7;
	[tilespmem:s17+$0xB450] =	vst v1  }
0xdb: {  	s18 =	sshll.u32 s15, $0xF;
	s7 =	sadd.s32 $0x200, s16;
	[tilespmem:s17+$0xB460] =	vst v0  }
0xdc: {  	[tilespmem:s21], [sflag:$0x1] =	stream.indirect.gather [hbm4b:s2+s20], $0x80, s7, s20, $0xb8;
	[tilespmem:$0x13400] =	vst v63  }
0xdd: {  	s7 =	sadd.s32 s5, s18  }
0xde: {  	s7 =	sshrl.u32 s7, $0x3  }
0xdf: {  	s19 =	simm.s32 $0x0;
	s7 =	sadd.s32 s3, s7  }
0xe0: {  	[hbm4b:s7+s19] =	stream.linear.scatter [tilespmem:s31], [sflag:$0x5], $0x2000, $0x38;
	[tilespmem:$0x13400] =	vst v63  }
0xe1: {  	_ =	swait.ge [sflag:s1], $0x2000  }
0xe2: {  	[sflag:s1] =	ssyncset.done $0x0  }
0xe3: {  	[sflag:s1] =	ssyncadd.s32 $0xFFFFE000  }
0xe4: {  	_ =	swait.ge [sflag:s8], $0x2000  }
0xe5: {  	[sflag:s8] =	ssyncset.done $0x0  }
0xe6: {  	s18 =	simm.s32 $0x0;
	[sflag:s8] =	ssyncadd.s32 $0xFFFFE000  }
0xe7: {  	v1 =	vld [tilespmem:s18+$0x5470]  }
0xe8: {  	v5 =	vld [tilespmem:s18+$0x5400]  }
0xe9: {  	v6 =	vld [tilespmem:s18+$0x5410]  }
0xea: {  	v4 =	vld [tilespmem:s18+$0x5420]  }
0xeb: {  	v3 =	vld [tilespmem:s18+$0x5430]  }
0xec: {  	v0 =	vld [tilespmem:s18+$0x5440];
	v7 =	vmul.f32 $1.131370830e+01, v1  }
0xed: {  	v1 =	vld [tilespmem:s18+$0x5450];
	v5 =	vmul.f32 $1.131370830e+01, v5  }
0xee: {  	s17 =	simm.s32 $0x80;
	s7 =	simm.s32 $0x400;
	v2 =	vld [tilespmem:s18+$0x5460];
	v6 =	vmul.f32 $1.131370830e+01, v6;
	[tilespmem:s18+$0xD470] =	vst v7  }
.LBB2_13:
0xef: {  	p0 =	sne.s32 s7, $0x7E00;
	v7 =	vld [tilespmem:s17+$0x5470];
	[tilespmem:s18+$0xD400] =	vst v5;
	v4 =	vmul.f32 $1.131370830e+01, v4  }
0xf0: {  	v5 =	vld [tilespmem:s17+$0x5400];
	[tilespmem:s18+$0xD410] =	vst v6;
	v3 =	vmul.f32 $1.131370830e+01, v3  }
0xf1: {  	v6 =	vld [tilespmem:s17+$0x5410];
	[tilespmem:s18+$0xD420] =	vst v4;
	v0 =	vmul.f32 $1.131370830e+01, v0  }
.Ltmp5:
0xf2: {  	v4 =	vld [tilespmem:s17+$0x5420];
	[tilespmem:s18+$0xD430] =	vst v3;
	v1 =	vmul.f32 $1.131370830e+01, v1;
	(pc) =	sbr.rel @p0 .LBB2_13-.Ltmp5, $4  }
0xf3: {  	v3 =	vld [tilespmem:s17+$0x5430];
	[tilespmem:s18+$0xD440] =	vst v0;
	v2 =	vmul.f32 $1.131370830e+01, v2  }
0xf4: {  	v0 =	vld [tilespmem:s17+$0x5440];
	v7 =	vmul.f32 $1.131370830e+01, v7;
	[tilespmem:s18+$0xD450] =	vst v1  }
0xf5: {  	v5 =	vmul.f32 $1.131370830e+01, v5;
	v1 =	vld [tilespmem:s17+$0x5450];
	[tilespmem:s18+$0xD460] =	vst v2;
	s18 =	smov.u32 s17  }
0xf6: {  	s17 =	sshra.s32 s7, $0x2;
	s7 =	sadd.s32 $0x200, s7;
	v6 =	vmul.f32 $1.131370830e+01, v6;
	v2 =	vld [tilespmem:s18+$0x5460];
	[tilespmem:s18+$0xD470] =	vst v7  }
0xf7: {  	v7 =	vld [tilespmem:s17+$0x5470];
	[tilespmem:s18+$0xD400] =	vst v5;
	v4 =	vmul.f32 $1.131370830e+01, v4  }
0xf8: {  	v5 =	vld [tilespmem:s17+$0x5400];
	[tilespmem:s18+$0xD410] =	vst v6;
	v3 =	vmul.f32 $1.131370830e+01, v3  }
0xf9: {  	v6 =	vld [tilespmem:s17+$0x5410];
	[tilespmem:s18+$0xD420] =	vst v4;
	v0 =	vmul.f32 $1.131370830e+01, v0  }
0xfa: {  	v4 =	vld [tilespmem:s17+$0x5420];
	[tilespmem:s18+$0xD430] =	vst v3;
	v1 =	vmul.f32 $1.131370830e+01, v1  }
0xfb: {  	v3 =	vld [tilespmem:s17+$0x5430];
	[tilespmem:s18+$0xD440] =	vst v0;
	v2 =	vmul.f32 $1.131370830e+01, v2  }
0xfc: {  	v0 =	vld [tilespmem:s17+$0x5440];
	[tilespmem:s18+$0xD450] =	vst v1;
	v7 =	vmul.f32 $1.131370830e+01, v7  }
0xfd: {  	v1 =	vld [tilespmem:s17+$0x5450];
	[tilespmem:s18+$0xD460] =	vst v2;
	v2 =	vmul.f32 $1.131370830e+01, v5  }
0xfe: {  	v5 =	vld [tilespmem:s17+$0x5460];
	v6 =	vmul.f32 $1.131370830e+01, v6;
	[tilespmem:s17+$0xD470] =	vst v7  }
0xff: {  	[tilespmem:s17+$0xD400] =	vst v2;
	v2 =	vmul.f32 $1.131370830e+01, v4  }
0x100: {  	[tilespmem:s17+$0xD410] =	vst v6;
	v3 =	vmul.f32 $1.131370830e+01, v3  }
0x101: {  	[tilespmem:s17+$0xD420] =	vst v2;
	v0 =	vmul.f32 $1.131370830e+01, v0  }
0x102: {  	[tilespmem:s17+$0xD430] =	vst v3;
	v1 =	vmul.f32 $1.131370830e+01, v1  }
0x103: {  	[tilespmem:s17+$0xD440] =	vst v0;
	v0 =	vmul.f32 $1.131370830e+01, v5  }
0x104: {  	[tilespmem:s17+$0xD450] =	vst v1  }
0x105: {  	s7 =	sadd.s32 $0x280, s16;
	[tilespmem:s17+$0xD460] =	vst v0;
	s17 =	sshll.u32 s15, $0x8  }
0x106: {  	[tilespmem:s23], [sflag:$0x2] =	stream.indirect.gather [hbm4b:s2+s20], $0x80, s7, s20, $0xb8;
	[tilespmem:$0x13400] =	vst v63  }
0x107: {  	s18 =	sadd.s32 s17, s11  }
0x108: {  	s7 =	sshll.u32 s18, $0x4  }
0x109: {  	s19 =	simm.s32 $0x0;
	s7 =	sadd.s32 s3, s7  }
0x10a: {  	[hbm4b:s7+s19] =	stream.linear.scatter [tilespmem:s22], [sflag:$0x6], $0x2000, $0x38;
	[tilespmem:$0x13400] =	vst v63  }
0x10b: {  	_ =	swait.ge [sflag:s24], $0x2000  }
0x10c: {  	[sflag:s24] =	ssyncset.done $0x0  }
0x10d: {  	[sflag:s24] =	ssyncadd.s32 $0xFFFFE000  }
0x10e: {  	_ =	swait.ge [sflag:s9], $0x2000  }
0x10f: {  	[sflag:s9] =	ssyncset.done $0x0  }
0x110: {  	s7 =	simm.s32 $0x0;
	[sflag:s9] =	ssyncadd.s32 $0xFFFFE000  }
0x111: {  	v1 =	vld [tilespmem:s7+$0x7470]  }
0x112: {  	v5 =	vld [tilespmem:s7+$0x7400]  }
0x113: {  	v6 =	vld [tilespmem:s7+$0x7410]  }
0x114: {  	v4 =	vld [tilespmem:s7+$0x7420]  }
0x115: {  	v3 =	vld [tilespmem:s7+$0x7430]  }
0x116: {  	v0 =	vld [tilespmem:s7+$0x7440];
	v7 =	vmul.f32 $1.131370830e+01, v1  }
0x117: {  	v1 =	vld [tilespmem:s7+$0x7450];
	v5 =	vmul.f32 $1.131370830e+01, v5  }
0x118: {  	s18 =	simm.s32 $0x80;
	s19 =	simm.s32 $0x400;
	v2 =	vld [tilespmem:s7+$0x7460];
	v6 =	vmul.f32 $1.131370830e+01, v6;
	[tilespmem:s7+$0xF470] =	vst v7  }
.LBB2_15:
0x119: {  	p0 =	sne.s32 s19, $0x7E00;
	v7 =	vld [tilespmem:s18+$0x7470];
	[tilespmem:s7+$0xF400] =	vst v5;
	v4 =	vmul.f32 $1.131370830e+01, v4  }
0x11a: {  	v5 =	vld [tilespmem:s18+$0x7400];
	[tilespmem:s7+$0xF410] =	vst v6;
	v3 =	vmul.f32 $1.131370830e+01, v3  }
0x11b: {  	v6 =	vld [tilespmem:s18+$0x7410];
	[tilespmem:s7+$0xF420] =	vst v4;
	v0 =	vmul.f32 $1.131370830e+01, v0  }
.Ltmp6:
0x11c: {  	v4 =	vld [tilespmem:s18+$0x7420];
	[tilespmem:s7+$0xF430] =	vst v3;
	v1 =	vmul.f32 $1.131370830e+01, v1;
	(pc) =	sbr.rel @p0 .LBB2_15-.Ltmp6, $4  }
0x11d: {  	v3 =	vld [tilespmem:s18+$0x7430];
	[tilespmem:s7+$0xF440] =	vst v0;
	v2 =	vmul.f32 $1.131370830e+01, v2  }
0x11e: {  	v0 =	vld [tilespmem:s18+$0x7440];
	v7 =	vmul.f32 $1.131370830e+01, v7;
	[tilespmem:s7+$0xF450] =	vst v1  }
0x11f: {  	v5 =	vmul.f32 $1.131370830e+01, v5;
	v1 =	vld [tilespmem:s18+$0x7450];
	[tilespmem:s7+$0xF460] =	vst v2;
	s7 =	smov.u32 s18  }
0x120: {  	s18 =	sshra.s32 s19, $0x2;
	s19 =	sadd.s32 $0x200, s19;
	v6 =	vmul.f32 $1.131370830e+01, v6;
	v2 =	vld [tilespmem:s7+$0x7460];
	[tilespmem:s7+$0xF470] =	vst v7  }
0x121: {  	v7 =	vld [tilespmem:s18+$0x7470];
	[tilespmem:s7+$0xF400] =	vst v5;
	v4 =	vmul.f32 $1.131370830e+01, v4  }
0x122: {  	v5 =	vld [tilespmem:s18+$0x7400];
	[tilespmem:s7+$0xF410] =	vst v6;
	v3 =	vmul.f32 $1.131370830e+01, v3  }
0x123: {  	v6 =	vld [tilespmem:s18+$0x7410];
	[tilespmem:s7+$0xF420] =	vst v4;
	v0 =	vmul.f32 $1.131370830e+01, v0  }
0x124: {  	v4 =	vld [tilespmem:s18+$0x7420];
	[tilespmem:s7+$0xF430] =	vst v3;
	v1 =	vmul.f32 $1.131370830e+01, v1  }
0x125: {  	v3 =	vld [tilespmem:s18+$0x7430];
	[tilespmem:s7+$0xF440] =	vst v0;
	v2 =	vmul.f32 $1.131370830e+01, v2  }
0x126: {  	v0 =	vld [tilespmem:s18+$0x7440];
	[tilespmem:s7+$0xF450] =	vst v1;
	v7 =	vmul.f32 $1.131370830e+01, v7  }
0x127: {  	v1 =	vld [tilespmem:s18+$0x7450];
	[tilespmem:s7+$0xF460] =	vst v2;
	v2 =	vmul.f32 $1.131370830e+01, v5  }
0x128: {  	v5 =	vld [tilespmem:s18+$0x7460];
	v6 =	vmul.f32 $1.131370830e+01, v6;
	[tilespmem:s18+$0xF470] =	vst v7  }
0x129: {  	[tilespmem:s18+$0xF400] =	vst v2;
	v2 =	vmul.f32 $1.131370830e+01, v4  }
0x12a: {  	[tilespmem:s18+$0xF410] =	vst v6;
	v3 =	vmul.f32 $1.131370830e+01, v3  }
0x12b: {  	[tilespmem:s18+$0xF420] =	vst v2;
	v0 =	vmul.f32 $1.131370830e+01, v0  }
0x12c: {  	[tilespmem:s18+$0xF430] =	vst v3;
	v1 =	vmul.f32 $1.131370830e+01, v1  }
0x12d: {  	[tilespmem:s18+$0xF440] =	vst v0;
	v0 =	vmul.f32 $1.131370830e+01, v5  }
0x12e: {  	[tilespmem:s18+$0xF450] =	vst v1  }
0x12f: {  	s19 =	sadd.s32 $0x300, s16;
	[tilespmem:s18+$0xF460] =	vst v0;
	s18 =	sadd.s32 s17, s12  }
0x130: {  	[tilespmem:s25], [sflag:$0x3] =	stream.indirect.gather [hbm4b:s2+s20], $0x80, s19, s20, $0xb8;
	[tilespmem:$0x13400] =	vst v63  }
0x131: {  	s7 =	sshll.u32 s18, $0x4  }
0x132: {  	s19 =	simm.s32 $0x0;
	s7 =	sadd.s32 s3, s7  }
0x133: {  	[hbm4b:s7+s19] =	stream.linear.scatter [tilespmem:s30], [sflag:$0x7], $0x2000, $0x38;
	[tilespmem:$0x13400] =	vst v63  }
0x134: {  	_ =	swait.ge [sflag:s0], $0x2000  }
0x135: {  	[sflag:s0] =	ssyncset.done $0x0  }
0x136: {  	[sflag:s0] =	ssyncadd.s32 $0xFFFFE000  }
0x137: {  	_ =	swait.ge [sflag:s10], $0x2000  }
0x138: {  	[sflag:s10] =	ssyncset.done $0x0  }
0x139: {  	s7 =	simm.s32 $0x0;
	[sflag:s10] =	ssyncadd.s32 $0xFFFFE000  }
0x13a: {  	v1 =	vld [tilespmem:s7+$0x9470]  }
0x13b: {  	v5 =	vld [tilespmem:s7+$0x9400]  }
0x13c: {  	v6 =	vld [tilespmem:s7+$0x9410]  }
0x13d: {  	v4 =	vld [tilespmem:s7+$0x9420]  }
0x13e: {  	v3 =	vld [tilespmem:s7+$0x9430]  }
0x13f: {  	v0 =	vld [tilespmem:s7+$0x9440];
	v7 =	vmul.f32 $1.131370830e+01, v1  }
0x140: {  	v1 =	vld [tilespmem:s7+$0x9450];
	v5 =	vmul.f32 $1.131370830e+01, v5  }
0x141: {  	s18 =	simm.s32 $0x80;
	s19 =	simm.s32 $0x400;
	v2 =	vld [tilespmem:s7+$0x9460];
	v6 =	vmul.f32 $1.131370830e+01, v6;
	[tilespmem:s7+$0x11470] =	vst v7  }
.LBB2_17:
0x142: {  	p0 =	sne.s32 s19, $0x7E00;
	v7 =	vld [tilespmem:s18+$0x9470];
	[tilespmem:s7+$0x11400] =	vst v5;
	v4 =	vmul.f32 $1.131370830e+01, v4  }
0x143: {  	v5 =	vld [tilespmem:s18+$0x9400];
	[tilespmem:s7+$0x11410] =	vst v6;
	v3 =	vmul.f32 $1.131370830e+01, v3  }
0x144: {  	v6 =	vld [tilespmem:s18+$0x9410];
	[tilespmem:s7+$0x11420] =	vst v4;
	v0 =	vmul.f32 $1.131370830e+01, v0  }
.Ltmp7:
0x145: {  	v4 =	vld [tilespmem:s18+$0x9420];
	[tilespmem:s7+$0x11430] =	vst v3;
	v1 =	vmul.f32 $1.131370830e+01, v1;
	(pc) =	sbr.rel @p0 .LBB2_17-.Ltmp7, $4  }
0x146: {  	v3 =	vld [tilespmem:s18+$0x9430];
	[tilespmem:s7+$0x11440] =	vst v0;
	v2 =	vmul.f32 $1.131370830e+01, v2  }
0x147: {  	v0 =	vld [tilespmem:s18+$0x9440];
	v7 =	vmul.f32 $1.131370830e+01, v7;
	[tilespmem:s7+$0x11450] =	vst v1  }
0x148: {  	v5 =	vmul.f32 $1.131370830e+01, v5;
	v1 =	vld [tilespmem:s18+$0x9450];
	[tilespmem:s7+$0x11460] =	vst v2;
	s7 =	smov.u32 s18  }
0x149: {  	s18 =	sshra.s32 s19, $0x2;
	s19 =	sadd.s32 $0x200, s19;
	v6 =	vmul.f32 $1.131370830e+01, v6;
	v2 =	vld [tilespmem:s7+$0x9460];
	[tilespmem:s7+$0x11470] =	vst v7  }
0x14a: {  	v7 =	vld [tilespmem:s18+$0x9470];
	[tilespmem:s7+$0x11400] =	vst v5;
	v4 =	vmul.f32 $1.131370830e+01, v4  }
0x14b: {  	v5 =	vld [tilespmem:s18+$0x9400];
	[tilespmem:s7+$0x11410] =	vst v6;
	v3 =	vmul.f32 $1.131370830e+01, v3  }
0x14c: {  	v6 =	vld [tilespmem:s18+$0x9410];
	[tilespmem:s7+$0x11420] =	vst v4;
	v0 =	vmul.f32 $1.131370830e+01, v0  }
0x14d: {  	v4 =	vld [tilespmem:s18+$0x9420];
	[tilespmem:s7+$0x11430] =	vst v3;
	v1 =	vmul.f32 $1.131370830e+01, v1  }
0x14e: {  	v3 =	vld [tilespmem:s18+$0x9430];
	[tilespmem:s7+$0x11440] =	vst v0;
	v2 =	vmul.f32 $1.131370830e+01, v2  }
0x14f: {  	v0 =	vld [tilespmem:s18+$0x9440];
	[tilespmem:s7+$0x11450] =	vst v1;
	v7 =	vmul.f32 $1.131370830e+01, v7  }
0x150: {  	v1 =	vld [tilespmem:s18+$0x9450];
	[tilespmem:s7+$0x11460] =	vst v2;
	v60 =	vmul.f32 $1.131370830e+01, v5  }
0x151: {  	v61 =	vld [tilespmem:s18+$0x9460];
	v6 =	vmul.f32 $1.131370830e+01, v6;
	[tilespmem:s18+$0x11470] =	vst v7  }
0x152: {  	[tilespmem:s18+$0x11400] =	vst v60;
	v62 =	vmul.f32 $1.131370830e+01, v4  }
0x153: {  	[tilespmem:s18+$0x11410] =	vst v6;
	v3 =	vmul.f32 $1.131370830e+01, v3  }
0x154: {  	[tilespmem:s18+$0x11420] =	vst v62;
	v0 =	vmul.f32 $1.131370830e+01, v0  }
0x155: {  	s15 =	sadd.s32 $0x1, s15;
	[tilespmem:s18+$0x11430] =	vst v3;
	v1 =	vmul.f32 $1.131370830e+01, v1  }
0x156: {  	p0 =	sne.s32 s15, $0x18;
	[tilespmem:s18+$0x11440] =	vst v0;
	v63 =	vmul.f32 $1.131370830e+01, v61  }
.Ltmp8:
0x157: {  	s19 =	sadd.s32 s17, s13;
	[tilespmem:s18+$0x11450] =	vst v1;
	(pc) =	sbr.rel @p0 .LBB2_10-.Ltmp8, $4  }
0x158: {  	s7 =	sshll.u32 s19, $0x4;
	[tilespmem:s18+$0x11460] =	vst v63;
	s18 =	sadd.s32 $0x380, s16  }
0x159: {  	[tilespmem:s28], [sflag:$0x4] =	stream.indirect.gather [hbm4b:s2+s20], $0x80, s18, s20, $0xb8;
	[tilespmem:$0x13400] =	vst v63  }
0x15a: {  	s7 =	sadd.s32 s3, s7  }
0x15b: {  	[hbm4b:s7+s4] =	stream.linear.scatter [tilespmem:s26], [sflag:$0x8], $0x2000, $0x38;
	[tilespmem:$0x13400] =	vst v63  }
0x15c: {  	_ =	swait.ge [sflag:s29], $0x2000  }
0x15d: {  	[sflag:s29] =	ssyncset.done $0x0  }
0x15e: {  	[sflag:s29] =	ssyncadd.s32 $0xFFFFE000  }
0x15f: {  	_ =	swait.ge [sflag:s6], $0x2000  }
0x160: {  	[sflag:s6] =	ssyncset.done $0x0  }
0x161: {  	s7 =	simm.s32 $0x0;
	[sflag:s6] =	ssyncadd.s32 $0xFFFFE000  }
0x162: {  	v1 =	vld [tilespmem:s7+$0x3470]  }
0x163: {  	v5 =	vld [tilespmem:s7+$0x3400]  }
0x164: {  	v6 =	vld [tilespmem:s7+$0x3410]  }
0x165: {  	v4 =	vld [tilespmem:s7+$0x3420]  }
0x166: {  	v3 =	vld [tilespmem:s7+$0x3430]  }
0x167: {  	v0 =	vld [tilespmem:s7+$0x3440];
	v7 =	vmul.f32 $1.131370830e+01, v1  }
0x168: {  	v1 =	vld [tilespmem:s7+$0x3450];
	v5 =	vmul.f32 $1.131370830e+01, v5  }
0x169: {  	s15 =	simm.s32 $0x80;
	s16 =	simm.s32 $0x400;
	v2 =	vld [tilespmem:s7+$0x3460];
	v6 =	vmul.f32 $1.131370830e+01, v6;
	[tilespmem:s7+$0xB470] =	vst v7  }
.LBB2_20:
0x16a: {  	p0 =	sne.s32 s16, $0x7E00;
	v7 =	vld [tilespmem:s15+$0x3470];
	[tilespmem:s7+$0xB400] =	vst v5;
	v4 =	vmul.f32 $1.131370830e+01, v4  }
0x16b: {  	v5 =	vld [tilespmem:s15+$0x3400];
	[tilespmem:s7+$0xB410] =	vst v6;
	v3 =	vmul.f32 $1.131370830e+01, v3  }
0x16c: {  	v6 =	vld [tilespmem:s15+$0x3410];
	[tilespmem:s7+$0xB420] =	vst v4;
	v0 =	vmul.f32 $1.131370830e+01, v0  }
.Ltmp9:
0x16d: {  	v4 =	vld [tilespmem:s15+$0x3420];
	[tilespmem:s7+$0xB430] =	vst v3;
	v1 =	vmul.f32 $1.131370830e+01, v1;
	(pc) =	sbr.rel @p0 .LBB2_20-.Ltmp9, $4  }
0x16e: {  	v3 =	vld [tilespmem:s15+$0x3430];
	[tilespmem:s7+$0xB440] =	vst v0;
	v2 =	vmul.f32 $1.131370830e+01, v2  }
0x16f: {  	v0 =	vld [tilespmem:s15+$0x3440];
	v7 =	vmul.f32 $1.131370830e+01, v7;
	[tilespmem:s7+$0xB450] =	vst v1  }
0x170: {  	v5 =	vmul.f32 $1.131370830e+01, v5;
	v1 =	vld [tilespmem:s15+$0x3450];
	[tilespmem:s7+$0xB460] =	vst v2;
	s7 =	smov.u32 s15  }
0x171: {  	s15 =	sshra.s32 s16, $0x2;
	s16 =	sadd.s32 $0x200, s16;
	v6 =	vmul.f32 $1.131370830e+01, v6;
	v2 =	vld [tilespmem:s7+$0x3460];
	[tilespmem:s7+$0xB470] =	vst v7  }
0x172: {  	v7 =	vld [tilespmem:s15+$0x3470];
	[tilespmem:s7+$0xB400] =	vst v5;
	v4 =	vmul.f32 $1.131370830e+01, v4  }
0x173: {  	v5 =	vld [tilespmem:s15+$0x3400];
	[tilespmem:s7+$0xB410] =	vst v6;
	v3 =	vmul.f32 $1.131370830e+01, v3  }
0x174: {  	v6 =	vld [tilespmem:s15+$0x3410];
	[tilespmem:s7+$0xB420] =	vst v4;
	v0 =	vmul.f32 $1.131370830e+01, v0  }
0x175: {  	v4 =	vld [tilespmem:s15+$0x3420];
	[tilespmem:s7+$0xB430] =	vst v3;
	v1 =	vmul.f32 $1.131370830e+01, v1  }
0x176: {  	v3 =	vld [tilespmem:s15+$0x3430];
	[tilespmem:s7+$0xB440] =	vst v0;
	v2 =	vmul.f32 $1.131370830e+01, v2  }
0x177: {  	v0 =	vld [tilespmem:s15+$0x3440];
	[tilespmem:s7+$0xB450] =	vst v1;
	v7 =	vmul.f32 $1.131370830e+01, v7  }
0x178: {  	v1 =	vld [tilespmem:s15+$0x3450];
	[tilespmem:s7+$0xB460] =	vst v2;
	v2 =	vmul.f32 $1.131370830e+01, v5  }
0x179: {  	v5 =	vld [tilespmem:s15+$0x3460];
	v6 =	vmul.f32 $1.131370830e+01, v6;
	[tilespmem:s15+$0xB470] =	vst v7  }
0x17a: {  	[tilespmem:s15+$0xB400] =	vst v2;
	v2 =	vmul.f32 $1.131370830e+01, v4  }
0x17b: {  	[tilespmem:s15+$0xB410] =	vst v6;
	v3 =	vmul.f32 $1.131370830e+01, v3  }
0x17c: {  	[tilespmem:s15+$0xB420] =	vst v2;
	v0 =	vmul.f32 $1.131370830e+01, v0  }
0x17d: {  	[tilespmem:s15+$0xB430] =	vst v3;
	v1 =	vmul.f32 $1.131370830e+01, v1  }
0x17e: {  	[tilespmem:s15+$0xB440] =	vst v0;
	v0 =	vmul.f32 $1.131370830e+01, v5  }
0x17f: {  	[tilespmem:s15+$0xB450] =	vst v1  }
0x180: {  	s18 =	simm.s32 $0x0;
	s19 =	rddreg [dreg:$0x9];
	[tilespmem:s15+$0xB460] =	vst v0  }
0x181: {  	[hbm4b:s19+s18] =	stream.linear.scatter [tilespmem:s31], [sflag:$0x5], $0x2000, $0x38;
	[tilespmem:$0x13400] =	vst v63  }
0x182: {  	_ =	swait.ge [sflag:s1], $0x2000  }
0x183: {  	[sflag:s1] =	ssyncset.done $0x0  }
0x184: {  	[sflag:s1] =	ssyncadd.s32 $0xFFFFE000  }
0x185: {  	_ =	swait.ge [sflag:s8], $0x2000  }
0x186: {  	[sflag:s8] =	ssyncset.done $0x0  }
0x187: {  	s7 =	simm.s32 $0x0;
	[sflag:s8] =	ssyncadd.s32 $0xFFFFE000  }
0x188: {  	v1 =	vld [tilespmem:s7+$0x5470]  }
0x189: {  	v5 =	vld [tilespmem:s7+$0x5400]  }
0x18a: {  	v6 =	vld [tilespmem:s7+$0x5410]  }
0x18b: {  	v4 =	vld [tilespmem:s7+$0x5420]  }
0x18c: {  	v3 =	vld [tilespmem:s7+$0x5430]  }
0x18d: {  	v0 =	vld [tilespmem:s7+$0x5440];
	v7 =	vmul.f32 $1.131370830e+01, v1  }
0x18e: {  	v1 =	vld [tilespmem:s7+$0x5450];
	v5 =	vmul.f32 $1.131370830e+01, v5  }
0x18f: {  	s16 =	simm.s32 $0x400;
	s15 =	simm.s32 $0x80;
	v2 =	vld [tilespmem:s7+$0x5460];
	v6 =	vmul.f32 $1.131370830e+01, v6;
	[tilespmem:s7+$0xD470] =	vst v7  }
.LBB2_22:
0x190: {  	p0 =	sne.s32 s16, $0x7E00;
	v7 =	vld [tilespmem:s15+$0x5470];
	[tilespmem:s7+$0xD400] =	vst v5;
	v4 =	vmul.f32 $1.131370830e+01, v4  }
0x191: {  	v5 =	vld [tilespmem:s15+$0x5400];
	[tilespmem:s7+$0xD410] =	vst v6;
	v3 =	vmul.f32 $1.131370830e+01, v3  }
0x192: {  	v6 =	vld [tilespmem:s15+$0x5410];
	[tilespmem:s7+$0xD420] =	vst v4;
	v0 =	vmul.f32 $1.131370830e+01, v0  }
.Ltmp10:
0x193: {  	v4 =	vld [tilespmem:s15+$0x5420];
	[tilespmem:s7+$0xD430] =	vst v3;
	v1 =	vmul.f32 $1.131370830e+01, v1;
	(pc) =	sbr.rel @p0 .LBB2_22-.Ltmp10, $4  }
0x194: {  	v3 =	vld [tilespmem:s15+$0x5430];
	[tilespmem:s7+$0xD440] =	vst v0;
	v2 =	vmul.f32 $1.131370830e+01, v2  }
0x195: {  	v0 =	vld [tilespmem:s15+$0x5440];
	v7 =	vmul.f32 $1.131370830e+01, v7;
	[tilespmem:s7+$0xD450] =	vst v1  }
0x196: {  	v5 =	vmul.f32 $1.131370830e+01, v5;
	v1 =	vld [tilespmem:s15+$0x5450];
	[tilespmem:s7+$0xD460] =	vst v2;
	s7 =	smov.u32 s15  }
0x197: {  	s15 =	sshra.s32 s16, $0x2;
	s16 =	sadd.s32 $0x200, s16;
	v6 =	vmul.f32 $1.131370830e+01, v6;
	v2 =	vld [tilespmem:s7+$0x5460];
	[tilespmem:s7+$0xD470] =	vst v7  }
0x198: {  	v7 =	vld [tilespmem:s15+$0x5470];
	[tilespmem:s7+$0xD400] =	vst v5;
	v4 =	vmul.f32 $1.131370830e+01, v4  }
0x199: {  	v5 =	vld [tilespmem:s15+$0x5400];
	[tilespmem:s7+$0xD410] =	vst v6;
	v3 =	vmul.f32 $1.131370830e+01, v3  }
0x19a: {  	v6 =	vld [tilespmem:s15+$0x5410];
	[tilespmem:s7+$0xD420] =	vst v4;
	v0 =	vmul.f32 $1.131370830e+01, v0  }
0x19b: {  	v4 =	vld [tilespmem:s15+$0x5420];
	[tilespmem:s7+$0xD430] =	vst v3;
	v1 =	vmul.f32 $1.131370830e+01, v1  }
0x19c: {  	v3 =	vld [tilespmem:s15+$0x5430];
	[tilespmem:s7+$0xD440] =	vst v0;
	v2 =	vmul.f32 $1.131370830e+01, v2  }
0x19d: {  	v0 =	vld [tilespmem:s15+$0x5440];
	[tilespmem:s7+$0xD450] =	vst v1;
	v7 =	vmul.f32 $1.131370830e+01, v7  }
0x19e: {  	v1 =	vld [tilespmem:s15+$0x5450];
	[tilespmem:s7+$0xD460] =	vst v2;
	v2 =	vmul.f32 $1.131370830e+01, v5  }
0x19f: {  	v5 =	vld [tilespmem:s15+$0x5460];
	v6 =	vmul.f32 $1.131370830e+01, v6;
	[tilespmem:s15+$0xD470] =	vst v7  }
0x1a0: {  	[tilespmem:s15+$0xD400] =	vst v2;
	v2 =	vmul.f32 $1.131370830e+01, v4  }
0x1a1: {  	[tilespmem:s15+$0xD410] =	vst v6;
	v3 =	vmul.f32 $1.131370830e+01, v3  }
0x1a2: {  	[tilespmem:s15+$0xD420] =	vst v2;
	v0 =	vmul.f32 $1.131370830e+01, v0  }
0x1a3: {  	[tilespmem:s15+$0xD430] =	vst v3;
	v1 =	vmul.f32 $1.131370830e+01, v1  }
0x1a4: {  	[tilespmem:s15+$0xD440] =	vst v0;
	v0 =	vmul.f32 $1.131370830e+01, v5  }
0x1a5: {  	[tilespmem:s15+$0xD450] =	vst v1  }
0x1a6: {  	s18 =	simm.s32 $0x0;
	s19 =	rddreg [dreg:$0xa];
	[tilespmem:s15+$0xD460] =	vst v0  }
0x1a7: {  	[hbm4b:s19+s18] =	stream.linear.scatter [tilespmem:s22], [sflag:$0x6], $0x2000, $0x38;
	[tilespmem:$0x13400] =	vst v63  }
0x1a8: {  	_ =	swait.ge [sflag:s24], $0x2000  }
0x1a9: {  	[sflag:s24] =	ssyncset.done $0x0  }
0x1aa: {  	[sflag:s24] =	ssyncadd.s32 $0xFFFFE000  }
0x1ab: {  	_ =	swait.ge [sflag:s9], $0x2000  }
0x1ac: {  	[sflag:s9] =	ssyncset.done $0x0  }
0x1ad: {  	s7 =	simm.s32 $0x0;
	[sflag:s9] =	ssyncadd.s32 $0xFFFFE000  }
0x1ae: {  	v1 =	vld [tilespmem:s7+$0x7470]  }
0x1af: {  	v5 =	vld [tilespmem:s7+$0x7400]  }
0x1b0: {  	v6 =	vld [tilespmem:s7+$0x7410]  }
0x1b1: {  	v4 =	vld [tilespmem:s7+$0x7420]  }
0x1b2: {  	v3 =	vld [tilespmem:s7+$0x7430]  }
0x1b3: {  	v0 =	vld [tilespmem:s7+$0x7440];
	v7 =	vmul.f32 $1.131370830e+01, v1  }
0x1b4: {  	v1 =	vld [tilespmem:s7+$0x7450];
	v5 =	vmul.f32 $1.131370830e+01, v5  }
0x1b5: {  	s16 =	simm.s32 $0x400;
	s15 =	simm.s32 $0x80;
	v2 =	vld [tilespmem:s7+$0x7460];
	v6 =	vmul.f32 $1.131370830e+01, v6;
	[tilespmem:s7+$0xF470] =	vst v7  }
.LBB2_24:
0x1b6: {  	p0 =	sne.s32 s16, $0x7E00;
	v7 =	vld [tilespmem:s15+$0x7470];
	[tilespmem:s7+$0xF400] =	vst v5;
	v4 =	vmul.f32 $1.131370830e+01, v4  }
0x1b7: {  	v5 =	vld [tilespmem:s15+$0x7400];
	[tilespmem:s7+$0xF410] =	vst v6;
	v3 =	vmul.f32 $1.131370830e+01, v3  }
0x1b8: {  	v6 =	vld [tilespmem:s15+$0x7410];
	[tilespmem:s7+$0xF420] =	vst v4;
	v0 =	vmul.f32 $1.131370830e+01, v0  }
.Ltmp11:
0x1b9: {  	v4 =	vld [tilespmem:s15+$0x7420];
	[tilespmem:s7+$0xF430] =	vst v3;
	v1 =	vmul.f32 $1.131370830e+01, v1;
	(pc) =	sbr.rel @p0 .LBB2_24-.Ltmp11, $4  }
0x1ba: {  	v3 =	vld [tilespmem:s15+$0x7430];
	[tilespmem:s7+$0xF440] =	vst v0;
	v2 =	vmul.f32 $1.131370830e+01, v2  }
0x1bb: {  	v0 =	vld [tilespmem:s15+$0x7440];
	v7 =	vmul.f32 $1.131370830e+01, v7;
	[tilespmem:s7+$0xF450] =	vst v1  }
0x1bc: {  	v5 =	vmul.f32 $1.131370830e+01, v5;
	v1 =	vld [tilespmem:s15+$0x7450];
	[tilespmem:s7+$0xF460] =	vst v2;
	s7 =	smov.u32 s15  }
0x1bd: {  	s15 =	sshra.s32 s16, $0x2;
	s16 =	sadd.s32 $0x200, s16;
	v6 =	vmul.f32 $1.131370830e+01, v6;
	v2 =	vld [tilespmem:s7+$0x7460];
	[tilespmem:s7+$0xF470] =	vst v7  }
0x1be: {  	v7 =	vld [tilespmem:s15+$0x7470];
	[tilespmem:s7+$0xF400] =	vst v5;
	v4 =	vmul.f32 $1.131370830e+01, v4  }
0x1bf: {  	v5 =	vld [tilespmem:s15+$0x7400];
	[tilespmem:s7+$0xF410] =	vst v6;
	v3 =	vmul.f32 $1.131370830e+01, v3  }
0x1c0: {  	v6 =	vld [tilespmem:s15+$0x7410];
	[tilespmem:s7+$0xF420] =	vst v4;
	v0 =	vmul.f32 $1.131370830e+01, v0  }
0x1c1: {  	v4 =	vld [tilespmem:s15+$0x7420];
	[tilespmem:s7+$0xF430] =	vst v3;
	v1 =	vmul.f32 $1.131370830e+01, v1  }
0x1c2: {  	v3 =	vld [tilespmem:s15+$0x7430];
	[tilespmem:s7+$0xF440] =	vst v0;
	v2 =	vmul.f32 $1.131370830e+01, v2  }
0x1c3: {  	v0 =	vld [tilespmem:s15+$0x7440];
	[tilespmem:s7+$0xF450] =	vst v1;
	v7 =	vmul.f32 $1.131370830e+01, v7  }
0x1c4: {  	v1 =	vld [tilespmem:s15+$0x7450];
	[tilespmem:s7+$0xF460] =	vst v2;
	v2 =	vmul.f32 $1.131370830e+01, v5  }
0x1c5: {  	v5 =	vld [tilespmem:s15+$0x7460];
	v6 =	vmul.f32 $1.131370830e+01, v6;
	[tilespmem:s15+$0xF470] =	vst v7  }
0x1c6: {  	[tilespmem:s15+$0xF400] =	vst v2;
	v2 =	vmul.f32 $1.131370830e+01, v4  }
0x1c7: {  	[tilespmem:s15+$0xF410] =	vst v6;
	v3 =	vmul.f32 $1.131370830e+01, v3  }
0x1c8: {  	[tilespmem:s15+$0xF420] =	vst v2;
	v0 =	vmul.f32 $1.131370830e+01, v0  }
0x1c9: {  	[tilespmem:s15+$0xF430] =	vst v3;
	v1 =	vmul.f32 $1.131370830e+01, v1  }
0x1ca: {  	[tilespmem:s15+$0xF440] =	vst v0;
	v0 =	vmul.f32 $1.131370830e+01, v5  }
0x1cb: {  	[tilespmem:s15+$0xF450] =	vst v1  }
0x1cc: {  	s18 =	simm.s32 $0x0;
	s19 =	rddreg [dreg:$0xb];
	[tilespmem:s15+$0xF460] =	vst v0  }
0x1cd: {  	[hbm4b:s19+s18] =	stream.linear.scatter [tilespmem:s30], [sflag:$0x7], $0x2000, $0x38;
	[tilespmem:$0x13400] =	vst v63  }
0x1ce: {  	_ =	swait.ge [sflag:s0], $0x2000  }
0x1cf: {  	[sflag:s0] =	ssyncset.done $0x0  }
0x1d0: {  	[sflag:s0] =	ssyncadd.s32 $0xFFFFE000  }
0x1d1: {  	_ =	swait.ge [sflag:s10], $0x2000  }
0x1d2: {  	[sflag:s10] =	ssyncset.done $0x0  }
0x1d3: {  	s7 =	simm.s32 $0x0;
	[sflag:s10] =	ssyncadd.s32 $0xFFFFE000  }
0x1d4: {  	v1 =	vld [tilespmem:s7+$0x9470]  }
0x1d5: {  	v5 =	vld [tilespmem:s7+$0x9400]  }
0x1d6: {  	v6 =	vld [tilespmem:s7+$0x9410]  }
0x1d7: {  	v4 =	vld [tilespmem:s7+$0x9420]  }
0x1d8: {  	v3 =	vld [tilespmem:s7+$0x9430]  }
0x1d9: {  	v0 =	vld [tilespmem:s7+$0x9440];
	v7 =	vmul.f32 $1.131370830e+01, v1  }
0x1da: {  	v1 =	vld [tilespmem:s7+$0x9450];
	v5 =	vmul.f32 $1.131370830e+01, v5  }
0x1db: {  	s16 =	simm.s32 $0x400;
	s15 =	simm.s32 $0x80;
	v2 =	vld [tilespmem:s7+$0x9460];
	v6 =	vmul.f32 $1.131370830e+01, v6;
	[tilespmem:s7+$0x11470] =	vst v7  }
.LBB2_26:
0x1dc: {  	p0 =	sne.s32 s16, $0x7E00;
	v7 =	vld [tilespmem:s15+$0x9470];
	[tilespmem:s7+$0x11400] =	vst v5;
	v4 =	vmul.f32 $1.131370830e+01, v4  }
0x1dd: {  	v5 =	vld [tilespmem:s15+$0x9400];
	[tilespmem:s7+$0x11410] =	vst v6;
	v3 =	vmul.f32 $1.131370830e+01, v3  }
0x1de: {  	v6 =	vld [tilespmem:s15+$0x9410];
	[tilespmem:s7+$0x11420] =	vst v4;
	v0 =	vmul.f32 $1.131370830e+01, v0  }
.Ltmp12:
0x1df: {  	v4 =	vld [tilespmem:s15+$0x9420];
	[tilespmem:s7+$0x11430] =	vst v3;
	v1 =	vmul.f32 $1.131370830e+01, v1;
	(pc) =	sbr.rel @p0 .LBB2_26-.Ltmp12, $4  }
0x1e0: {  	v3 =	vld [tilespmem:s15+$0x9430];
	[tilespmem:s7+$0x11440] =	vst v0;
	v2 =	vmul.f32 $1.131370830e+01, v2  }
0x1e1: {  	v0 =	vld [tilespmem:s15+$0x9440];
	v7 =	vmul.f32 $1.131370830e+01, v7;
	[tilespmem:s7+$0x11450] =	vst v1  }
0x1e2: {  	v5 =	vmul.f32 $1.131370830e+01, v5;
	v1 =	vld [tilespmem:s15+$0x9450];
	[tilespmem:s7+$0x11460] =	vst v2;
	s7 =	smov.u32 s15  }
0x1e3: {  	s15 =	sshra.s32 s16, $0x2;
	s16 =	sadd.s32 $0x200, s16;
	v6 =	vmul.f32 $1.131370830e+01, v6;
	v2 =	vld [tilespmem:s7+$0x9460];
	[tilespmem:s7+$0x11470] =	vst v7  }
0x1e4: {  	v7 =	vld [tilespmem:s15+$0x9470];
	[tilespmem:s7+$0x11400] =	vst v5;
	v4 =	vmul.f32 $1.131370830e+01, v4  }
0x1e5: {  	v5 =	vld [tilespmem:s15+$0x9400];
	[tilespmem:s7+$0x11410] =	vst v6;
	v3 =	vmul.f32 $1.131370830e+01, v3  }
0x1e6: {  	v6 =	vld [tilespmem:s15+$0x9410];
	[tilespmem:s7+$0x11420] =	vst v4;
	v0 =	vmul.f32 $1.131370830e+01, v0  }
0x1e7: {  	v4 =	vld [tilespmem:s15+$0x9420];
	[tilespmem:s7+$0x11430] =	vst v3;
	v1 =	vmul.f32 $1.131370830e+01, v1  }
0x1e8: {  	v3 =	vld [tilespmem:s15+$0x9430];
	[tilespmem:s7+$0x11440] =	vst v0;
	v2 =	vmul.f32 $1.131370830e+01, v2  }
0x1e9: {  	v0 =	vld [tilespmem:s15+$0x9440];
	[tilespmem:s7+$0x11450] =	vst v1;
	v7 =	vmul.f32 $1.131370830e+01, v7  }
0x1ea: {  	v1 =	vld [tilespmem:s15+$0x9450];
	[tilespmem:s7+$0x11460] =	vst v2;
	v60 =	vmul.f32 $1.131370830e+01, v5  }
0x1eb: {  	v61 =	vld [tilespmem:s15+$0x9460];
	v6 =	vmul.f32 $1.131370830e+01, v6;
	[tilespmem:s15+$0x11470] =	vst v7  }
0x1ec: {  	[tilespmem:s15+$0x11400] =	vst v60;
	v62 =	vmul.f32 $1.131370830e+01, v4  }
0x1ed: {  	[tilespmem:s15+$0x11410] =	vst v6;
	v3 =	vmul.f32 $1.131370830e+01, v3  }
0x1ee: {  	[tilespmem:s15+$0x11420] =	vst v62;
	v0 =	vmul.f32 $1.131370830e+01, v0  }
0x1ef: {  	[tilespmem:s15+$0x11430] =	vst v3;
	v1 =	vmul.f32 $1.131370830e+01, v1  }
0x1f0: {  	[tilespmem:s15+$0x11440] =	vst v0;
	v63 =	vmul.f32 $1.131370830e+01, v61  }
0x1f1: {  	[tilespmem:s15+$0x11450] =	vst v1  }
0x1f2: {  	s18 =	rddreg [dreg:$0xc];
	[tilespmem:s15+$0x11460] =	vst v63  }
0x1f3: {  	[hbm4b:s18+s4] =	stream.linear.scatter [tilespmem:s26], [sflag:$0x8], $0x2000, $0x38;
	[tilespmem:$0x13400] =	vst v63  }
0x1f4: {  	_ =	swait.ge [sflag:s6], $0x2000  }
0x1f5: {  	[sflag:s6] =	ssyncset.done $0x0  }
0x1f6: {  	[sflag:s6] =	ssyncadd.s32 $0xFFFFE000  }
0x1f7: {  	_ =	swait.ge [sflag:s8], $0x2000  }
0x1f8: {  	[sflag:s8] =	ssyncset.done $0x0  }
0x1f9: {  	[sflag:s8] =	ssyncadd.s32 $0xFFFFE000  }
0x1fa: {  	_ =	swait.ge [sflag:s9], $0x2000  }
0x1fb: {  	[sflag:s9] =	ssyncset.done $0x0  }
0x1fc: {  	[sflag:s9] =	ssyncadd.s32 $0xFFFFE000  }
0x1fd: {  	_ =	swait.ge [sflag:s10], $0x2000  }
0x1fe: {  	s14 =	sadd.s32 $0x1, s14;
	s19 =	rddreg [dreg:$0xd]  }
0x1ff: {  	p0 =	sne.s32 s14, s19  }
.Ltmp13:
0x200: {  	_ = 	snop;
	(pc) =	sbr.rel @p0 .LBB2_1-.Ltmp13, $3  }
0x201: {  	_ =	sdelay $0x1  }
0x202: {  	[sflag:s10] =	ssyncset.done $0x0  }
0x203: {  	[sflag:s10] =	ssyncadd.s32 $0xFFFFE000  }
0x204: {  	_ =	sfence.sel $0x180000  }
0x205: {  	[bflag:$0x0] =	sbarrier.arrive $0xFFFF  }
0x206: {  	_ =	strace $0x90000047  }
0x207: {  	s0 =	stileid.u32;
	[bflag:$0x2] =	sbarrier.arrive $0xFFFF  }
0x208: {  	p0 =	sne.s32 s0, $0x0;
	s0 =	rddreg [dreg:$0x3]  }
0x209: {  	s0 =	sadd.s32 @!p0 $0x100000, s0  }
0x20a: {  	[sflag:s0] =	ssyncadd.tile.s32 @!p0 $0x1;
	_ =	shalt  }
.Lfunc_end2:
_tile_overlayer_lowered:
.L_overlay_start_2:
0x20b: {  	(tag) =	ssettag $0x2  }
0x20c: {  	s0 =	rddreg [dreg:$0x0];
	s2 =	stileid.u32  }
0x20d: {  	s1 =	rddreg [dreg:$0x1];
	p0 =	sne.s32 s2, $0x0  }
0x20e: {  	s3 =	rddreg [dreg:$0x2];
	[bflag:$0x3] =	sbarrier.arrive $0xFFFF;
	s2 =	simm.s32 @!p0 $0x1C09  }
0x20f: {  	[timem:s3], [sflag:s2] =	dma.local @!p0 [hbm:s0], s1  }
0x210: {  	s0 =	simm.s32 @!p0 $0x9  }
0x211: {  	_ =	swait.ge @!p0 [sflag:s0], s1  }
0x212: {  	s1 =	ssub.s32 @!p0 $0x0, s1;
	[sflag:s0] =	ssyncset.done @!p0 $0x0  }
0x213: {  	[sflag:s0] =	ssyncadd.s32 @!p0 s1  }
0x214: {  	[bflag:$0x3] =	sbarrier.arrive $0xFFFF  }
0x215: {  	_ =	shalt  }

</sc_bundles>
